<compile_context>
chip_gen: v7x
topology: tpu7x:2x2x1
jax: 0.10.2.dev20260603
libtpu: 0.0.44.dev20260713+nightly
codegen_flags: <defaults>
</compile_context>

<pallas_src>
import functools

import jax
import jax.numpy as jnp
from jax import lax
from jax.experimental import pallas as pl
from jax.experimental.pallas import tpu as pltpu
from jax.experimental.pallas import tpu_sc as plsc

_LANE = 128
_NC = 2
_NS = 16
_NW = _NC * _NS


def _make_kernel(v, d, b, h):
    nbt = b // _LANE
    assert nbt == _NW and d == 32
    njt = d // 8
    mesh = plsc.VectorSubcoreMesh(core_axis_name="c", subcore_axis_name="s")

    @functools.partial(
        pl.kernel,
        mesh=mesh,
        out_type=jax.ShapeDtypeStruct((h, njt, nbt, 8, _LANE), jnp.float32),
        scratch_types=[
            pltpu.VMEM((h, _LANE), jnp.int32),
            pltpu.VMEM((_LANE, d), jnp.float32),
            pltpu.VMEM((_LANE, d), jnp.float32),
            pltpu.VMEM((d, _LANE + 1), jnp.float32),
            pltpu.VMEM((d, _LANE + 1), jnp.float32),
            pltpu.SemaphoreType.DMA,
            pltpu.SemaphoreType.DMA,
            pltpu.SemaphoreType.DMA,
            pltpu.SemaphoreType.DMA,
        ],
        compiler_params=pltpu.CompilerParams(
            use_tc_tiling_on_sc=False, needs_layout_passes=False),
    )
    def k(table_hbm, sent_t_hbm, out_hbm, idx_v, ga, gb, ta, tb,
          gsa, gsb, osa, osb):
        wid = lax.axis_index("s") * _NC + lax.axis_index("c")
        pltpu.sync_copy(sent_t_hbm.at[:, pl.ds(wid * _LANE, _LANE)], idx_v)

        iota = lax.iota(jnp.int32, 16)
        jlo = iota
        jhi = iota + 16

        def fire_gather(hh, gbuf, gsem):
            pltpu.async_copy(table_hbm.at[idx_v.at[hh]], gbuf, gsem)

        def wait_gather(gbuf, gsem):
            pltpu.make_async_copy(table_hbm.at[pl.ds(0, _LANE)], gbuf, gsem).wait()

        def transpose(gbuf, tbuf):
            def cbody(cb, carry):
                c0 = cb * 8
                for u in range(8):
                    c = c0 + u
                    cv = jnp.broadcast_to(c, (16,))
                    vlo = gbuf[c, pl.ds(0, 16)]
                    vhi = gbuf[c, pl.ds(16, 16)]
                    plsc.store_scatter(tbuf, [jlo, cv], vlo)
                    plsc.store_scatter(tbuf, [jhi, cv], vhi)
                return carry
            lax.fori_loop(0, _LANE // 8, cbody, 0)

        def fire_out(hh, tbuf, osem):
            for jt in range(njt):
                pltpu.async_copy(
                    tbuf.at[pl.ds(jt * 8, 8), pl.ds(0, _LANE)],
                    out_hbm.at[hh, jt, wid],
                    osem,
                )

        def wait_out(tbuf, osem):
            for jt in range(njt):
                pltpu.make_async_copy(
                    tbuf.at[pl.ds(jt * 8, 8), pl.ds(0, _LANE)],
                    out_hbm.at[0, 0, 0],
                    osem,
                ).wait()

        fire_gather(0, ga, gsa)

        fire_gather(1, gb, gsb)
        wait_gather(ga, gsa)
        transpose(ga, ta)
        fire_out(0, ta, osa)
        fire_gather(2, ga, gsa)
        wait_gather(gb, gsb)
        transpose(gb, tb)
        fire_out(1, tb, osb)

        def body(g, carry):
            h0 = 2 * g
            fire_gather(h0 + 1, gb, gsb)
            wait_gather(ga, gsa)
            wait_out(ta, osa)
            transpose(ga, ta)
            fire_out(h0, ta, osa)
            fire_gather(h0 + 2, ga, gsa)
            wait_gather(gb, gsb)
            wait_out(tb, osb)
            transpose(gb, tb)
            fire_out(h0 + 1, tb, osb)
            return carry

        lax.fori_loop(1, h // 2 - 1, body, 0)

        fire_gather(h - 1, gb, gsb)
        wait_gather(ga, gsa)
        wait_out(ta, osa)
        transpose(ga, ta)
        fire_out(h - 2, ta, osa)
        wait_gather(gb, gsb)
        wait_out(tb, osb)
        transpose(gb, tb)
        fire_out(h - 1, tb, osb)

        wait_out(ta, osa)
        wait_out(tb, osb)

    return k


_RB = 2048


def _tc_relayout(table_t, v, d):
    rows = v * d // 128
    per = 128 // d
    grid = (rows + _RB - 1) // _RB

    def body(x_ref, o_ref):
        x = x_ref[...]
        y = x.T
        y3 = y.reshape(_RB, per, d)
        for g in range(per):
            o_ref[:, g * d:(g + 1) * d] = y3[:, g, :]

    return pl.pallas_call(
        body,
        grid=(grid,),
        in_specs=[pl.BlockSpec((d, _RB * per), lambda i: (0, i))],
        out_specs=pl.BlockSpec((_RB, 128), lambda i: (i, 0)),
        out_shape=jax.ShapeDtypeStruct((rows, 128), jnp.float32),
    )(table_t)


def kernel(sent, table):
    b, h = sent.shape
    v, d = table.shape
    sent_t = sent.T
    table_rm = _tc_relayout(table.T, v, d).reshape(v, d)
    out5 = _make_kernel(v, d, b, h)(table_rm, sent_t)
    return out5.transpose(2, 4, 0, 1, 3).reshape(b, h, d)

# --- scband reference (transcript-rebuilt; emitter-appended) ---
"""Pipeline reference for scband-embedding-layer-43782896615757 (READ-ONLY COPY).

The authoritative reference and input builder live on the scoring server;
editing this copy changes nothing except your own understanding.
"""

import jax, jax.numpy as jnp
import numpy as np

VOCAB = 1000000
DIM = 32
BATCH = 4096
HIST = 200


def setup_inputs(seed: int = 0) -> dict:
    key = jax.random.key(seed)
    k1, k2 = jax.random.split(key)
    sent = jax.random.randint(k1, (BATCH, HIST), 0, VOCAB, dtype=jnp.int32)
    # pretrained (frozen) embedding table, sized per init_kwargs
    table = jax.random.normal(k2, (VOCAB, DIM), dtype=jnp.float32)
    return {"sent": sent, "table": table}


def reference(sent, table):
    # EmbeddingLayer.forward: self.embedding(sent) -> gather rows of the table
    return jnp.take(table, sent, axis=0)

if __name__ == "__main__":
    import jax
    _d = setup_inputs()
    print(jax.jit(kernel)(*tuple(_d.values())))

</pallas_src>

<mosaic_0001>
#map = affine_map<(d0, d1) -> (0, 0)>
#map1 = affine_map<(d0, d1) -> (0, 0, 0, 0, 0)>
module attributes {stable_mosaic.version = 14 : i64} {
  func.func @k(%arg0: i32, %arg1: i32, %arg2: memref<1000000x32xf32, #tpu.memory_space<hbm>>, %arg3: memref<200x4096xi32, #tpu.memory_space<hbm>>, %arg4: memref<200x4x32x8x128xf32, #tpu.memory_space<hbm>>, %arg5: memref<200x128xi32, #tpu.memory_space<vmem>>, %arg6: memref<128x32xf32, #tpu.memory_space<vmem>>, %arg7: memref<128x32xf32, #tpu.memory_space<vmem>>, %arg8: memref<32x129xf32, #tpu.memory_space<vmem>>, %arg9: memref<32x129xf32, #tpu.memory_space<vmem>>, %arg10: memref<!tpu.dma_semaphore, #tpu.memory_space<semaphore_mem>>, %arg11: memref<!tpu.dma_semaphore, #tpu.memory_space<semaphore_mem>>, %arg12: memref<!tpu.dma_semaphore, #tpu.memory_space<semaphore_mem>>, %arg13: memref<!tpu.dma_semaphore, #tpu.memory_space<semaphore_mem>>) attributes {dimension_semantics = [#tpu.dimension_semantics<core_parallel>, #tpu.dimension_semantics<subcore_parallel>], iteration_bounds = array<i64: 2, 16>, scalar_prefetch = 0 : i64, scratch_operands = 9 : i64, tpu.core_type = #tpu.core_type<sc_vector_subcore>, window_params = [{transform_indices = #map}, {transform_indices = #map}, {transform_indices = #map1}]} {
    %mul3A = arith.constant 2 : i32
    %mul3A_0 = arith.muli %arg1, %mul3A : i32
    %add3A = arith.addi %mul3A_0, %arg0 : i32
    %mul3A_1 = arith.constant 128 : i32
    %mul3A_2 = arith.muli %add3A, %mul3A_1 : i32
    "tpu.region"() ({
      %run_scoped3A = tpu.sem_alloc : memref<!tpu.dma_semaphore, #tpu.memory_space<semaphore_mem>>
      %dma_start3A_613 = arith.constant 0 : i32
      %dma_start3A_614 = tpu.memref_slice %arg3[%dma_start3A_613, %mul3A_2] : memref<200x4096xi32, #tpu.memory_space<hbm>> -> memref<200x128xi32, #tpu.memory_space<hbm>>
      %dma_start3A_615 = arith.constant 0 : i32
      %dma_start3A_616 = tpu.memref_slice %arg3[%dma_start3A_615, %mul3A_2] : memref<200x4096xi32, #tpu.memory_space<hbm>> -> memref<200x128xi32, #tpu.memory_space<hbm>>
      tpu.enqueue_dma source(%dma_start3A_616 : memref<200x128xi32, #tpu.memory_space<hbm>>) target(%arg5 : memref<200x128xi32, #tpu.memory_space<vmem>>) target_semaphore(%run_scoped3A : memref<!tpu.dma_semaphore, #tpu.memory_space<semaphore_mem>>)
      %dma_wait3A_617 = arith.constant 0 : i32
      %dma_wait3A_618 = tpu.memref_slice %arg3[%dma_wait3A_617, %mul3A_2] : memref<200x4096xi32, #tpu.memory_space<hbm>> -> memref<200x128xi32, #tpu.memory_space<hbm>>
      %dma_wait3A_619 = arith.constant 0 : i32
      %dma_wait3A_620 = tpu.memref_slice %arg3[%dma_wait3A_619, %mul3A_2] : memref<200x4096xi32, #tpu.memory_space<hbm>> -> memref<200x128xi32, #tpu.memory_space<hbm>>
      tpu.wait_dma2 semaphore(%run_scoped3A : memref<!tpu.dma_semaphore, #tpu.memory_space<semaphore_mem>>) src(%dma_wait3A_620 : memref<200x128xi32, #tpu.memory_space<hbm>>) dst(%arg5 : memref<200x128xi32, #tpu.memory_space<vmem>>)
      tpu.yield
    }) : () -> ()
    %iota3A = tpu.iota {dimensions = array<i32: 0>} : vector<16xi32>
    %add3A_3 = arith.constant 16 : i32
    %add3A_4 = vector.broadcast %add3A_3 : i32 to vector<16xi32>
    %add3A_5 = arith.addi %iota3A, %add3A_4 : vector<16xi32>
    %dma_start3A = arith.constant 0 : i32
    %dma_start3A_6 = arith.constant 0 : i32
    %dma_start3A_7 = tpu.memref_slice %arg5[%dma_start3A, %dma_start3A_6] : memref<200x128xi32, #tpu.memory_space<vmem>> -> memref<1x128xi32, #tpu.memory_space<vmem>>
    %dma_start3A_8 = tpu.memref_squeeze %dma_start3A_7 : memref<1x128xi32, #tpu.memory_space<vmem>> -> memref<128xi32, #tpu.memory_space<vmem>>
    %dma_start3A_9 = arith.constant 0 : i32
    %dma_start3A_10 = arith.constant 0 : i32
    %dma_start3A_11 = tpu.memref_slice %arg2[%dma_start3A_9, %dma_start3A_10] : memref<1000000x32xf32, #tpu.memory_space<hbm>> -> memref<1000000x32xf32, #tpu.memory_space<hbm>>
    tpu.enqueue_indirect_dma source(%dma_start3A_11 : memref<1000000x32xf32, #tpu.memory_space<hbm>>) target(%arg6 : memref<128x32xf32, #tpu.memory_space<vmem>>) offsets(%dma_start3A_8 : memref<128xi32, #tpu.memory_space<vmem>>) semaphore(%arg10 : memref<!tpu.dma_semaphore, #tpu.memory_space<semaphore_mem>>)
    %dma_start3A_12 = arith.constant 1 : i32
    %dma_start3A_13 = arith.constant 0 : i32
    %dma_start3A_14 = tpu.memref_slice %arg5[%dma_start3A_12, %dma_start3A_13] : memref<200x128xi32, #tpu.memory_space<vmem>> -> memref<1x128xi32, #tpu.memory_space<vmem>>
    %dma_start3A_15 = tpu.memref_squeeze %dma_start3A_14 : memref<1x128xi32, #tpu.memory_space<vmem>> -> memref<128xi32, #tpu.memory_space<vmem>>
    %dma_start3A_16 = arith.constant 0 : i32
    %dma_start3A_17 = arith.constant 0 : i32
    %dma_start3A_18 = tpu.memref_slice %arg2[%dma_start3A_16, %dma_start3A_17] : memref<1000000x32xf32, #tpu.memory_space<hbm>> -> memref<1000000x32xf32, #tpu.memory_space<hbm>>
    tpu.enqueue_indirect_dma source(%dma_start3A_18 : memref<1000000x32xf32, #tpu.memory_space<hbm>>) target(%arg7 : memref<128x32xf32, #tpu.memory_space<vmem>>) offsets(%dma_start3A_15 : memref<128xi32, #tpu.memory_space<vmem>>) semaphore(%arg11 : memref<!tpu.dma_semaphore, #tpu.memory_space<semaphore_mem>>)
    %dma_wait3A = arith.constant 0 : i32
    %dma_wait3A_19 = arith.constant 0 : i32
    %dma_wait3A_20 = tpu.memref_slice %arg2[%dma_wait3A, %dma_wait3A_19] : memref<1000000x32xf32, #tpu.memory_space<hbm>> -> memref<128x32xf32, #tpu.memory_space<hbm>>
    %dma_wait3A_21 = arith.constant 0 : i32
    %dma_wait3A_22 = arith.constant 0 : i32
    %dma_wait3A_23 = tpu.memref_slice %arg2[%dma_wait3A_21, %dma_wait3A_22] : memref<1000000x32xf32, #tpu.memory_space<hbm>> -> memref<128x32xf32, #tpu.memory_space<hbm>>
    tpu.wait_dma2 semaphore(%arg10 : memref<!tpu.dma_semaphore, #tpu.memory_space<semaphore_mem>>) src(%dma_wait3A_23 : memref<128x32xf32, #tpu.memory_space<hbm>>) dst(%arg6 : memref<128x32xf32, #tpu.memory_space<vmem>>)
    %scan3A = arith.constant 0 : i32
    %scan3A_24 = arith.constant 0 : i32
    %scan3A_25 = arith.constant 16 : i32
    %scan3A_26 = arith.addi %scan3A_24, %scan3A_25 : i32
    %scan3A_27 = arith.constant 1 : i32
    scf.for %scan3A_613 = %scan3A_24 to %scan3A_26 step %scan3A_27  : i32 {
      %mul3A_614 = arith.constant 8 : i32
      %mul3A_615 = arith.muli %scan3A_613, %mul3A_614 : i32
      %add3A_616 = arith.constant 0 : i32
      %add3A_617 = arith.addi %mul3A_615, %add3A_616 : i32
      %broadcast_in_dim3A = vector.broadcast %add3A_617 : i32 to vector<16xi32>
      %get3A = arith.index_cast %add3A_617 : i32 to index
      %get3A_618 = arith.constant 0 : index
      %get3A_619 = tpu.vector_load %arg6[%get3A, %get3A_618] {strides = array<i32>} : memref<128x32xf32, #tpu.memory_space<vmem>>, vector<16xf32>,
      %get3A_620 = arith.index_cast %add3A_617 : i32 to index
      %get3A_621 = arith.constant 16 : index
      %get3A_622 = tpu.vector_load %arg6[%get3A_620, %get3A_621] {strides = array<i32>} : memref<128x32xf32, #tpu.memory_space<vmem>>, vector<16xf32>,
      tpu.vector_store_idx %arg8[%iota3A, %broadcast_in_dim3A], %get3A_619 : memref<32x129xf32, #tpu.memory_space<vmem>>[vector<16xi32>, vector<16xi32>], vector<16xf32>,
      tpu.vector_store_idx %arg8[%add3A_5, %broadcast_in_dim3A], %get3A_622 : memref<32x129xf32, #tpu.memory_space<vmem>>[vector<16xi32>, vector<16xi32>], vector<16xf32>,
      %add3A_623 = arith.constant 1 : i32
      %add3A_624 = arith.addi %mul3A_615, %add3A_623 : i32
      %broadcast_in_dim3A_625 = vector.broadcast %add3A_624 : i32 to vector<16xi32>
      %get3A_626 = arith.index_cast %add3A_624 : i32 to index
      %get3A_627 = arith.constant 0 : index
      %get3A_628 = tpu.vector_load %arg6[%get3A_626, %get3A_627] {strides = array<i32>} : memref<128x32xf32, #tpu.memory_space<vmem>>, vector<16xf32>,
      %get3A_629 = arith.index_cast %add3A_624 : i32 to index
      %get3A_630 = arith.constant 16 : index
      %get3A_631 = tpu.vector_load %arg6[%get3A_629, %get3A_630] {strides = array<i32>} : memref<128x32xf32, #tpu.memory_space<vmem>>, vector<16xf32>,
      tpu.vector_store_idx %arg8[%iota3A, %broadcast_in_dim3A_625], %get3A_628 : memref<32x129xf32, #tpu.memory_space<vmem>>[vector<16xi32>, vector<16xi32>], vector<16xf32>,
      tpu.vector_store_idx %arg8[%add3A_5, %broadcast_in_dim3A_625], %get3A_631 : memref<32x129xf32, #tpu.memory_space<vmem>>[vector<16xi32>, vector<16xi32>], vector<16xf32>,
      %add3A_632 = arith.constant 2 : i32
      %add3A_633 = arith.addi %mul3A_615, %add3A_632 : i32
      %broadcast_in_dim3A_634 = vector.broadcast %add3A_633 : i32 to vector<16xi32>
      %get3A_635 = arith.index_cast %add3A_633 : i32 to index
      %get3A_636 = arith.constant 0 : index
      %get3A_637 = tpu.vector_load %arg6[%get3A_635, %get3A_636] {strides = array<i32>} : memref<128x32xf32, #tpu.memory_space<vmem>>, vector<16xf32>,
      %get3A_638 = arith.index_cast %add3A_633 : i32 to index
      %get3A_639 = arith.constant 16 : index
      %get3A_640 = tpu.vector_load %arg6[%get3A_638, %get3A_639] {strides = array<i32>} : memref<128x32xf32, #tpu.memory_space<vmem>>, vector<16xf32>,
      tpu.vector_store_idx %arg8[%iota3A, %broadcast_in_dim3A_634], %get3A_637 : memref<32x129xf32, #tpu.memory_space<vmem>>[vector<16xi32>, vector<16xi32>], vector<16xf32>,
      tpu.vector_store_idx %arg8[%add3A_5, %broadcast_in_dim3A_634], %get3A_640 : memref<32x129xf32, #tpu.memory_space<vmem>>[vector<16xi32>, vector<16xi32>], vector<16xf32>,
      %add3A_641 = arith.constant 3 : i32
      %add3A_642 = arith.addi %mul3A_615, %add3A_641 : i32
      %broadcast_in_dim3A_643 = vector.broadcast %add3A_642 : i32 to vector<16xi32>
      %get3A_644 = arith.index_cast %add3A_642 : i32 to index
      %get3A_645 = arith.constant 0 : index
      %get3A_646 = tpu.vector_load %arg6[%get3A_644, %get3A_645] {strides = array<i32>} : memref<128x32xf32, #tpu.memory_space<vmem>>, vector<16xf32>,
      %get3A_647 = arith.index_cast %add3A_642 : i32 to index
      %get3A_648 = arith.constant 16 : index
      %get3A_649 = tpu.vector_load %arg6[%get3A_647, %get3A_648] {strides = array<i32>} : memref<128x32xf32, #tpu.memory_space<vmem>>, vector<16xf32>,
      tpu.vector_store_idx %arg8[%iota3A, %broadcast_in_dim3A_643], %get3A_646 : memref<32x129xf32, #tpu.memory_space<vmem>>[vector<16xi32>, vector<16xi32>], vector<16xf32>,
      tpu.vector_store_idx %arg8[%add3A_5, %broadcast_in_dim3A_643], %get3A_649 : memref<32x129xf32, #tpu.memory_space<vmem>>[vector<16xi32>, vector<16xi32>], vector<16xf32>,
      %add3A_650 = arith.constant 4 : i32
      %add3A_651 = arith.addi %mul3A_615, %add3A_650 : i32
      %broadcast_in_dim3A_652 = vector.broadcast %add3A_651 : i32 to vector<16xi32>
      %get3A_653 = arith.index_cast %add3A_651 : i32 to index
      %get3A_654 = arith.constant 0 : index
      %get3A_655 = tpu.vector_load %arg6[%get3A_653, %get3A_654] {strides = array<i32>} : memref<128x32xf32, #tpu.memory_space<vmem>>, vector<16xf32>,
      %get3A_656 = arith.index_cast %add3A_651 : i32 to index
      %get3A_657 = arith.constant 16 : index
      %get3A_658 = tpu.vector_load %arg6[%get3A_656, %get3A_657] {strides = array<i32>} : memref<128x32xf32, #tpu.memory_space<vmem>>, vector<16xf32>,
      tpu.vector_store_idx %arg8[%iota3A, %broadcast_in_dim3A_652], %get3A_655 : memref<32x129xf32, #tpu.memory_space<vmem>>[vector<16xi32>, vector<16xi32>], vector<16xf32>,
      tpu.vector_store_idx %arg8[%add3A_5, %broadcast_in_dim3A_652], %get3A_658 : memref<32x129xf32, #tpu.memory_space<vmem>>[vector<16xi32>, vector<16xi32>], vector<16xf32>,
      %add3A_659 = arith.constant 5 : i32
      %add3A_660 = arith.addi %mul3A_615, %add3A_659 : i32
      %broadcast_in_dim3A_661 = vector.broadcast %add3A_660 : i32 to vector<16xi32>
      %get3A_662 = arith.index_cast %add3A_660 : i32 to index
      %get3A_663 = arith.constant 0 : index
      %get3A_664 = tpu.vector_load %arg6[%get3A_662, %get3A_663] {strides = array<i32>} : memref<128x32xf32, #tpu.memory_space<vmem>>, vector<16xf32>,
      %get3A_665 = arith.index_cast %add3A_660 : i32 to index
      %get3A_666 = arith.constant 16 : index
      %get3A_667 = tpu.vector_load %arg6[%get3A_665, %get3A_666] {strides = array<i32>} : memref<128x32xf32, #tpu.memory_space<vmem>>, vector<16xf32>,
      tpu.vector_store_idx %arg8[%iota3A, %broadcast_in_dim3A_661], %get3A_664 : memref<32x129xf32, #tpu.memory_space<vmem>>[vector<16xi32>, vector<16xi32>], vector<16xf32>,
      tpu.vector_store_idx %arg8[%add3A_5, %broadcast_in_dim3A_661], %get3A_667 : memref<32x129xf32, #tpu.memory_space<vmem>>[vector<16xi32>, vector<16xi32>], vector<16xf32>,
      %add3A_668 = arith.constant 6 : i32
      %add3A_669 = arith.addi %mul3A_615, %add3A_668 : i32
      %broadcast_in_dim3A_670 = vector.broadcast %add3A_669 : i32 to vector<16xi32>
      %get3A_671 = arith.index_cast %add3A_669 : i32 to index
      %get3A_672 = arith.constant 0 : index
      %get3A_673 = tpu.vector_load %arg6[%get3A_671, %get3A_672] {strides = array<i32>} : memref<128x32xf32, #tpu.memory_space<vmem>>, vector<16xf32>,
      %get3A_674 = arith.index_cast %add3A_669 : i32 to index
      %get3A_675 = arith.constant 16 : index
      %get3A_676 = tpu.vector_load %arg6[%get3A_674, %get3A_675] {strides = array<i32>} : memref<128x32xf32, #tpu.memory_space<vmem>>, vector<16xf32>,
      tpu.vector_store_idx %arg8[%iota3A, %broadcast_in_dim3A_670], %get3A_673 : memref<32x129xf32, #tpu.memory_space<vmem>>[vector<16xi32>, vector<16xi32>], vector<16xf32>,
      tpu.vector_store_idx %arg8[%add3A_5, %broadcast_in_dim3A_670], %get3A_676 : memref<32x129xf32, #tpu.memory_space<vmem>>[vector<16xi32>, vector<16xi32>], vector<16xf32>,
      %add3A_677 = arith.constant 7 : i32
      %add3A_678 = arith.addi %mul3A_615, %add3A_677 : i32
      %broadcast_in_dim3A_679 = vector.broadcast %add3A_678 : i32 to vector<16xi32>
      %get3A_680 = arith.index_cast %add3A_678 : i32 to index
      %get3A_681 = arith.constant 0 : index
      %get3A_682 = tpu.vector_load %arg6[%get3A_680, %get3A_681] {strides = array<i32>} : memref<128x32xf32, #tpu.memory_space<vmem>>, vector<16xf32>,
      %get3A_683 = arith.index_cast %add3A_678 : i32 to index
      %get3A_684 = arith.constant 16 : index
      %get3A_685 = tpu.vector_load %arg6[%get3A_683, %get3A_684] {strides = array<i32>} : memref<128x32xf32, #tpu.memory_space<vmem>>, vector<16xf32>,
      tpu.vector_store_idx %arg8[%iota3A, %broadcast_in_dim3A_679], %get3A_682 : memref<32x129xf32, #tpu.memory_space<vmem>>[vector<16xi32>, vector<16xi32>], vector<16xf32>,
      tpu.vector_store_idx %arg8[%add3A_5, %broadcast_in_dim3A_679], %get3A_685 : memref<32x129xf32, #tpu.memory_space<vmem>>[vector<16xi32>, vector<16xi32>], vector<16xf32>,
    }
    %scan3A_28 = arith.constant 16 : i32
    %dma_start3A_29 = arith.constant 0 : i32
    %dma_start3A_30 = arith.constant 0 : i32
    %dma_start3A_31 = arith.constant 0 : i32
    %dma_start3A_32 = arith.constant 0 : i32
    %dma_start3A_33 = tpu.memref_slice %arg8[%dma_start3A_31, %dma_start3A_32] : memref<32x129xf32, #tpu.memory_space<vmem>> -> memref<8x128xf32, #tpu.memory_space<vmem>>
    %dma_start3A_34 = arith.constant 0 : i32
    %dma_start3A_35 = arith.constant 0 : i32
    %dma_start3A_36 = tpu.memref_slice %arg4[%dma_start3A_29, %dma_start3A_30, %add3A, %dma_start3A_34, %dma_start3A_35] : memref<200x4x32x8x128xf32, #tpu.memory_space<hbm>> -> memref<1x1x1x8x128xf32, #tpu.memory_space<hbm>>
    %dma_start3A_37 = tpu.memref_squeeze %dma_start3A_36 : memref<1x1x1x8x128xf32, #tpu.memory_space<hbm>> -> memref<8x128xf32, #tpu.memory_space<hbm>>
    %dma_start3A_38 = arith.constant 0 : i32
    %dma_start3A_39 = arith.constant 0 : i32
    %dma_start3A_40 = tpu.memref_slice %arg4[%dma_start3A_29, %dma_start3A_30, %add3A, %dma_start3A_38, %dma_start3A_39] : memref<200x4x32x8x128xf32, #tpu.memory_space<hbm>> -> memref<1x1x1x8x128xf32, #tpu.memory_space<hbm>>
    %dma_start3A_41 = tpu.memref_squeeze %dma_start3A_40 : memref<1x1x1x8x128xf32, #tpu.memory_space<hbm>> -> memref<8x128xf32, #tpu.memory_space<hbm>>
    %dma_start3A_42 = arith.constant 0 : i32
    %dma_start3A_43 = arith.constant 0 : i32
    %dma_start3A_44 = tpu.memref_slice %arg8[%dma_start3A_42, %dma_start3A_43] : memref<32x129xf32, #tpu.memory_space<vmem>> -> memref<8x128xf32, #tpu.memory_space<vmem>>
    tpu.enqueue_dma source(%dma_start3A_44 : memref<8x128xf32, #tpu.memory_space<vmem>>) target(%dma_start3A_41 : memref<8x128xf32, #tpu.memory_space<hbm>>) target_semaphore(%arg12 : memref<!tpu.dma_semaphore, #tpu.memory_space<semaphore_mem>>)
    %dma_start3A_45 = arith.constant 0 : i32
    %dma_start3A_46 = arith.constant 1 : i32
    %dma_start3A_47 = arith.constant 8 : i32
    %dma_start3A_48 = arith.constant 0 : i32
    %dma_start3A_49 = tpu.memref_slice %arg8[%dma_start3A_47, %dma_start3A_48] : memref<32x129xf32, #tpu.memory_space<vmem>> -> memref<8x128xf32, #tpu.memory_space<vmem>>
    %dma_start3A_50 = arith.constant 0 : i32
    %dma_start3A_51 = arith.constant 0 : i32
    %dma_start3A_52 = tpu.memref_slice %arg4[%dma_start3A_45, %dma_start3A_46, %add3A, %dma_start3A_50, %dma_start3A_51] : memref<200x4x32x8x128xf32, #tpu.memory_space<hbm>> -> memref<1x1x1x8x128xf32, #tpu.memory_space<hbm>>
    %dma_start3A_53 = tpu.memref_squeeze %dma_start3A_52 : memref<1x1x1x8x128xf32, #tpu.memory_space<hbm>> -> memref<8x128xf32, #tpu.memory_space<hbm>>
    %dma_start3A_54 = arith.constant 0 : i32
    %dma_start3A_55 = arith.constant 0 : i32
    %dma_start3A_56 = tpu.memref_slice %arg4[%dma_start3A_45, %dma_start3A_46, %add3A, %dma_start3A_54, %dma_start3A_55] : memref<200x4x32x8x128xf32, #tpu.memory_space<hbm>> -> memref<1x1x1x8x128xf32, #tpu.memory_space<hbm>>
    %dma_start3A_57 = tpu.memref_squeeze %dma_start3A_56 : memref<1x1x1x8x128xf32, #tpu.memory_space<hbm>> -> memref<8x128xf32, #tpu.memory_space<hbm>>
    %dma_start3A_58 = arith.constant 8 : i32
    %dma_start3A_59 = arith.constant 0 : i32
    %dma_start3A_60 = tpu.memref_slice %arg8[%dma_start3A_58, %dma_start3A_59] : memref<32x129xf32, #tpu.memory_space<vmem>> -> memref<8x128xf32, #tpu.memory_space<vmem>>
    tpu.enqueue_dma source(%dma_start3A_60 : memref<8x128xf32, #tpu.memory_space<vmem>>) target(%dma_start3A_57 : memref<8x128xf32, #tpu.memory_space<hbm>>) target_semaphore(%arg12 : memref<!tpu.dma_semaphore, #tpu.memory_space<semaphore_mem>>)
    %dma_start3A_61 = arith.constant 0 : i32
    %dma_start3A_62 = arith.constant 2 : i32
    %dma_start3A_63 = arith.constant 16 : i32
    %dma_start3A_64 = arith.constant 0 : i32
    %dma_start3A_65 = tpu.memref_slice %arg8[%dma_start3A_63, %dma_start3A_64] : memref<32x129xf32, #tpu.memory_space<vmem>> -> memref<8x128xf32, #tpu.memory_space<vmem>>
    %dma_start3A_66 = arith.constant 0 : i32
    %dma_start3A_67 = arith.constant 0 : i32
    %dma_start3A_68 = tpu.memref_slice %arg4[%dma_start3A_61, %dma_start3A_62, %add3A, %dma_start3A_66, %dma_start3A_67] : memref<200x4x32x8x128xf32, #tpu.memory_space<hbm>> -> memref<1x1x1x8x128xf32, #tpu.memory_space<hbm>>
    %dma_start3A_69 = tpu.memref_squeeze %dma_start3A_68 : memref<1x1x1x8x128xf32, #tpu.memory_space<hbm>> -> memref<8x128xf32, #tpu.memory_space<hbm>>
    %dma_start3A_70 = arith.constant 0 : i32
    %dma_start3A_71 = arith.constant 0 : i32
    %dma_start3A_72 = tpu.memref_slice %arg4[%dma_start3A_61, %dma_start3A_62, %add3A, %dma_start3A_70, %dma_start3A_71] : memref<200x4x32x8x128xf32, #tpu.memory_space<hbm>> -> memref<1x1x1x8x128xf32, #tpu.memory_space<hbm>>
    %dma_start3A_73 = tpu.memref_squeeze %dma_start3A_72 : memref<1x1x1x8x128xf32, #tpu.memory_space<hbm>> -> memref<8x128xf32, #tpu.memory_space<hbm>>
    %dma_start3A_74 = arith.constant 16 : i32
    %dma_start3A_75 = arith.constant 0 : i32
    %dma_start3A_76 = tpu.memref_slice %arg8[%dma_start3A_74, %dma_start3A_75] : memref<32x129xf32, #tpu.memory_space<vmem>> -> memref<8x128xf32, #tpu.memory_space<vmem>>
    tpu.enqueue_dma source(%dma_start3A_76 : memref<8x128xf32, #tpu.memory_space<vmem>>) target(%dma_start3A_73 : memref<8x128xf32, #tpu.memory_space<hbm>>) target_semaphore(%arg12 : memref<!tpu.dma_semaphore, #tpu.memory_space<semaphore_mem>>)
    %dma_start3A_77 = arith.constant 0 : i32
    %dma_start3A_78 = arith.constant 3 : i32
    %dma_start3A_79 = arith.constant 24 : i32
    %dma_start3A_80 = arith.constant 0 : i32
    %dma_start3A_81 = tpu.memref_slice %arg8[%dma_start3A_79, %dma_start3A_80] : memref<32x129xf32, #tpu.memory_space<vmem>> -> memref<8x128xf32, #tpu.memory_space<vmem>>
    %dma_start3A_82 = arith.constant 0 : i32
    %dma_start3A_83 = arith.constant 0 : i32
    %dma_start3A_84 = tpu.memref_slice %arg4[%dma_start3A_77, %dma_start3A_78, %add3A, %dma_start3A_82, %dma_start3A_83] : memref<200x4x32x8x128xf32, #tpu.memory_space<hbm>> -> memref<1x1x1x8x128xf32, #tpu.memory_space<hbm>>
    %dma_start3A_85 = tpu.memref_squeeze %dma_start3A_84 : memref<1x1x1x8x128xf32, #tpu.memory_space<hbm>> -> memref<8x128xf32, #tpu.memory_space<hbm>>
    %dma_start3A_86 = arith.constant 0 : i32
    %dma_start3A_87 = arith.constant 0 : i32
    %dma_start3A_88 = tpu.memref_slice %arg4[%dma_start3A_77, %dma_start3A_78, %add3A, %dma_start3A_86, %dma_start3A_87] : memref<200x4x32x8x128xf32, #tpu.memory_space<hbm>> -> memref<1x1x1x8x128xf32, #tpu.memory_space<hbm>>
    %dma_start3A_89 = tpu.memref_squeeze %dma_start3A_88 : memref<1x1x1x8x128xf32, #tpu.memory_space<hbm>> -> memref<8x128xf32, #tpu.memory_space<hbm>>
    %dma_start3A_90 = arith.constant 24 : i32
    %dma_start3A_91 = arith.constant 0 : i32
    %dma_start3A_92 = tpu.memref_slice %arg8[%dma_start3A_90, %dma_start3A_91] : memref<32x129xf32, #tpu.memory_space<vmem>> -> memref<8x128xf32, #tpu.memory_space<vmem>>
    tpu.enqueue_dma source(%dma_start3A_92 : memref<8x128xf32, #tpu.memory_space<vmem>>) target(%dma_start3A_89 : memref<8x128xf32, #tpu.memory_space<hbm>>) target_semaphore(%arg12 : memref<!tpu.dma_semaphore, #tpu.memory_space<semaphore_mem>>)
    %dma_start3A_93 = arith.constant 2 : i32
    %dma_start3A_94 = arith.constant 0 : i32
    %dma_start3A_95 = tpu.memref_slice %arg5[%dma_start3A_93, %dma_start3A_94] : memref<200x128xi32, #tpu.memory_space<vmem>> -> memref<1x128xi32, #tpu.memory_space<vmem>>
    %dma_start3A_96 = tpu.memref_squeeze %dma_start3A_95 : memref<1x128xi32, #tpu.memory_space<vmem>> -> memref<128xi32, #tpu.memory_space<vmem>>
    %dma_start3A_97 = arith.constant 0 : i32
    %dma_start3A_98 = arith.constant 0 : i32
    %dma_start3A_99 = tpu.memref_slice %arg2[%dma_start3A_97, %dma_start3A_98] : memref<1000000x32xf32, #tpu.memory_space<hbm>> -> memref<1000000x32xf32, #tpu.memory_space<hbm>>
    tpu.enqueue_indirect_dma source(%dma_start3A_99 : memref<1000000x32xf32, #tpu.memory_space<hbm>>) target(%arg6 : memref<128x32xf32, #tpu.memory_space<vmem>>) offsets(%dma_start3A_96 : memref<128xi32, #tpu.memory_space<vmem>>) semaphore(%arg10 : memref<!tpu.dma_semaphore, #tpu.memory_space<semaphore_mem>>)
    %dma_wait3A_100 = arith.constant 0 : i32
    %dma_wait3A_101 = arith.constant 0 : i32
    %dma_wait3A_102 = tpu.memref_slice %arg2[%dma_wait3A_100, %dma_wait3A_101] : memref<1000000x32xf32, #tpu.memory_space<hbm>> -> memref<128x32xf32, #tpu.memory_space<hbm>>
    %dma_wait3A_103 = arith.constant 0 : i32
    %dma_wait3A_104 = arith.constant 0 : i32
    %dma_wait3A_105 = tpu.memref_slice %arg2[%dma_wait3A_103, %dma_wait3A_104] : memref<1000000x32xf32, #tpu.memory_space<hbm>> -> memref<128x32xf32, #tpu.memory_space<hbm>>
    tpu.wait_dma2 semaphore(%arg11 : memref<!tpu.dma_semaphore, #tpu.memory_space<semaphore_mem>>) src(%dma_wait3A_105 : memref<128x32xf32, #tpu.memory_space<hbm>>) dst(%arg7 : memref<128x32xf32, #tpu.memory_space<vmem>>)
    %scan3A_106 = arith.constant 0 : i32
    %scan3A_107 = arith.constant 0 : i32
    %scan3A_108 = arith.constant 16 : i32
    %scan3A_109 = arith.addi %scan3A_107, %scan3A_108 : i32
    %scan3A_110 = arith.constant 1 : i32
    scf.for %scan3A_613 = %scan3A_107 to %scan3A_109 step %scan3A_110  : i32 {
      %mul3A_614 = arith.constant 8 : i32
      %mul3A_615 = arith.muli %scan3A_613, %mul3A_614 : i32
      %add3A_616 = arith.constant 0 : i32
      %add3A_617 = arith.addi %mul3A_615, %add3A_616 : i32
      %broadcast_in_dim3A = vector.broadcast %add3A_617 : i32 to vector<16xi32>
      %get3A = arith.index_cast %add3A_617 : i32 to index
      %get3A_618 = arith.constant 0 : index
      %get3A_619 = tpu.vector_load %arg7[%get3A, %get3A_618] {strides = array<i32>} : memref<128x32xf32, #tpu.memory_space<vmem>>, vector<16xf32>,
      %get3A_620 = arith.index_cast %add3A_617 : i32 to index
      %get3A_621 = arith.constant 16 : index
      %get3A_622 = tpu.vector_load %arg7[%get3A_620, %get3A_621] {strides = array<i32>} : memref<128x32xf32, #tpu.memory_space<vmem>>, vector<16xf32>,
      tpu.vector_store_idx %arg9[%iota3A, %broadcast_in_dim3A], %get3A_619 : memref<32x129xf32, #tpu.memory_space<vmem>>[vector<16xi32>, vector<16xi32>], vector<16xf32>,
      tpu.vector_store_idx %arg9[%add3A_5, %broadcast_in_dim3A], %get3A_622 : memref<32x129xf32, #tpu.memory_space<vmem>>[vector<16xi32>, vector<16xi32>], vector<16xf32>,
      %add3A_623 = arith.constant 1 : i32
      %add3A_624 = arith.addi %mul3A_615, %add3A_623 : i32
      %broadcast_in_dim3A_625 = vector.broadcast %add3A_624 : i32 to vector<16xi32>
      %get3A_626 = arith.index_cast %add3A_624 : i32 to index
      %get3A_627 = arith.constant 0 : index
      %get3A_628 = tpu.vector_load %arg7[%get3A_626, %get3A_627] {strides = array<i32>} : memref<128x32xf32, #tpu.memory_space<vmem>>, vector<16xf32>,
      %get3A_629 = arith.index_cast %add3A_624 : i32 to index
      %get3A_630 = arith.constant 16 : index
      %get3A_631 = tpu.vector_load %arg7[%get3A_629, %get3A_630] {strides = array<i32>} : memref<128x32xf32, #tpu.memory_space<vmem>>, vector<16xf32>,
      tpu.vector_store_idx %arg9[%iota3A, %broadcast_in_dim3A_625], %get3A_628 : memref<32x129xf32, #tpu.memory_space<vmem>>[vector<16xi32>, vector<16xi32>], vector<16xf32>,
      tpu.vector_store_idx %arg9[%add3A_5, %broadcast_in_dim3A_625], %get3A_631 : memref<32x129xf32, #tpu.memory_space<vmem>>[vector<16xi32>, vector<16xi32>], vector<16xf32>,
      %add3A_632 = arith.constant 2 : i32
      %add3A_633 = arith.addi %mul3A_615, %add3A_632 : i32
      %broadcast_in_dim3A_634 = vector.broadcast %add3A_633 : i32 to vector<16xi32>
      %get3A_635 = arith.index_cast %add3A_633 : i32 to index
      %get3A_636 = arith.constant 0 : index
      %get3A_637 = tpu.vector_load %arg7[%get3A_635, %get3A_636] {strides = array<i32>} : memref<128x32xf32, #tpu.memory_space<vmem>>, vector<16xf32>,
      %get3A_638 = arith.index_cast %add3A_633 : i32 to index
      %get3A_639 = arith.constant 16 : index
      %get3A_640 = tpu.vector_load %arg7[%get3A_638, %get3A_639] {strides = array<i32>} : memref<128x32xf32, #tpu.memory_space<vmem>>, vector<16xf32>,
      tpu.vector_store_idx %arg9[%iota3A, %broadcast_in_dim3A_634], %get3A_637 : memref<32x129xf32, #tpu.memory_space<vmem>>[vector<16xi32>, vector<16xi32>], vector<16xf32>,
      tpu.vector_store_idx %arg9[%add3A_5, %broadcast_in_dim3A_634], %get3A_640 : memref<32x129xf32, #tpu.memory_space<vmem>>[vector<16xi32>, vector<16xi32>], vector<16xf32>,
      %add3A_641 = arith.constant 3 : i32
      %add3A_642 = arith.addi %mul3A_615, %add3A_641 : i32
      %broadcast_in_dim3A_643 = vector.broadcast %add3A_642 : i32 to vector<16xi32>
      %get3A_644 = arith.index_cast %add3A_642 : i32 to index
      %get3A_645 = arith.constant 0 : index
      %get3A_646 = tpu.vector_load %arg7[%get3A_644, %get3A_645] {strides = array<i32>} : memref<128x32xf32, #tpu.memory_space<vmem>>, vector<16xf32>,
      %get3A_647 = arith.index_cast %add3A_642 : i32 to index
      %get3A_648 = arith.constant 16 : index
      %get3A_649 = tpu.vector_load %arg7[%get3A_647, %get3A_648] {strides = array<i32>} : memref<128x32xf32, #tpu.memory_space<vmem>>, vector<16xf32>,
      tpu.vector_store_idx %arg9[%iota3A, %broadcast_in_dim3A_643], %get3A_646 : memref<32x129xf32, #tpu.memory_space<vmem>>[vector<16xi32>, vector<16xi32>], vector<16xf32>,
      tpu.vector_store_idx %arg9[%add3A_5, %broadcast_in_dim3A_643], %get3A_649 : memref<32x129xf32, #tpu.memory_space<vmem>>[vector<16xi32>, vector<16xi32>], vector<16xf32>,
      %add3A_650 = arith.constant 4 : i32
      %add3A_651 = arith.addi %mul3A_615, %add3A_650 : i32
      %broadcast_in_dim3A_652 = vector.broadcast %add3A_651 : i32 to vector<16xi32>
      %get3A_653 = arith.index_cast %add3A_651 : i32 to index
      %get3A_654 = arith.constant 0 : index
      %get3A_655 = tpu.vector_load %arg7[%get3A_653, %get3A_654] {strides = array<i32>} : memref<128x32xf32, #tpu.memory_space<vmem>>, vector<16xf32>,
      %get3A_656 = arith.index_cast %add3A_651 : i32 to index
      %get3A_657 = arith.constant 16 : index
      %get3A_658 = tpu.vector_load %arg7[%get3A_656, %get3A_657] {strides = array<i32>} : memref<128x32xf32, #tpu.memory_space<vmem>>, vector<16xf32>,
      tpu.vector_store_idx %arg9[%iota3A, %broadcast_in_dim3A_652], %get3A_655 : memref<32x129xf32, #tpu.memory_space<vmem>>[vector<16xi32>, vector<16xi32>], vector<16xf32>,
      tpu.vector_store_idx %arg9[%add3A_5, %broadcast_in_dim3A_652], %get3A_658 : memref<32x129xf32, #tpu.memory_space<vmem>>[vector<16xi32>, vector<16xi32>], vector<16xf32>,
      %add3A_659 = arith.constant 5 : i32
      %add3A_660 = arith.addi %mul3A_615, %add3A_659 : i32
      %broadcast_in_dim3A_661 = vector.broadcast %add3A_660 : i32 to vector<16xi32>
      %get3A_662 = arith.index_cast %add3A_660 : i32 to index
      %get3A_663 = arith.constant 0 : index
      %get3A_664 = tpu.vector_load %arg7[%get3A_662, %get3A_663] {strides = array<i32>} : memref<128x32xf32, #tpu.memory_space<vmem>>, vector<16xf32>,
      %get3A_665 = arith.index_cast %add3A_660 : i32 to index
      %get3A_666 = arith.constant 16 : index
      %get3A_667 = tpu.vector_load %arg7[%get3A_665, %get3A_666] {strides = array<i32>} : memref<128x32xf32, #tpu.memory_space<vmem>>, vector<16xf32>,
      tpu.vector_store_idx %arg9[%iota3A, %broadcast_in_dim3A_661], %get3A_664 : memref<32x129xf32, #tpu.memory_space<vmem>>[vector<16xi32>, vector<16xi32>], vector<16xf32>,
      tpu.vector_store_idx %arg9[%add3A_5, %broadcast_in_dim3A_661], %get3A_667 : memref<32x129xf32, #tpu.memory_space<vmem>>[vector<16xi32>, vector<16xi32>], vector<16xf32>,
      %add3A_668 = arith.constant 6 : i32
      %add3A_669 = arith.addi %mul3A_615, %add3A_668 : i32
      %broadcast_in_dim3A_670 = vector.broadcast %add3A_669 : i32 to vector<16xi32>
      %get3A_671 = arith.index_cast %add3A_669 : i32 to index
      %get3A_672 = arith.constant 0 : index
      %get3A_673 = tpu.vector_load %arg7[%get3A_671, %get3A_672] {strides = array<i32>} : memref<128x32xf32, #tpu.memory_space<vmem>>, vector<16xf32>,
      %get3A_674 = arith.index_cast %add3A_669 : i32 to index
      %get3A_675 = arith.constant 16 : index
      %get3A_676 = tpu.vector_load %arg7[%get3A_674, %get3A_675] {strides = array<i32>} : memref<128x32xf32, #tpu.memory_space<vmem>>, vector<16xf32>,
      tpu.vector_store_idx %arg9[%iota3A, %broadcast_in_dim3A_670], %get3A_673 : memref<32x129xf32, #tpu.memory_space<vmem>>[vector<16xi32>, vector<16xi32>], vector<16xf32>,
      tpu.vector_store_idx %arg9[%add3A_5, %broadcast_in_dim3A_670], %get3A_676 : memref<32x129xf32, #tpu.memory_space<vmem>>[vector<16xi32>, vector<16xi32>], vector<16xf32>,
      %add3A_677 = arith.constant 7 : i32
      %add3A_678 = arith.addi %mul3A_615, %add3A_677 : i32
      %broadcast_in_dim3A_679 = vector.broadcast %add3A_678 : i32 to vector<16xi32>
      %get3A_680 = arith.index_cast %add3A_678 : i32 to index
      %get3A_681 = arith.constant 0 : index
      %get3A_682 = tpu.vector_load %arg7[%get3A_680, %get3A_681] {strides = array<i32>} : memref<128x32xf32, #tpu.memory_space<vmem>>, vector<16xf32>,
      %get3A_683 = arith.index_cast %add3A_678 : i32 to index
      %get3A_684 = arith.constant 16 : index
      %get3A_685 = tpu.vector_load %arg7[%get3A_683, %get3A_684] {strides = array<i32>} : memref<128x32xf32, #tpu.memory_space<vmem>>, vector<16xf32>,
      tpu.vector_store_idx %arg9[%iota3A, %broadcast_in_dim3A_679], %get3A_682 : memref<32x129xf32, #tpu.memory_space<vmem>>[vector<16xi32>, vector<16xi32>], vector<16xf32>,
      tpu.vector_store_idx %arg9[%add3A_5, %broadcast_in_dim3A_679], %get3A_685 : memref<32x129xf32, #tpu.memory_space<vmem>>[vector<16xi32>, vector<16xi32>], vector<16xf32>,
    }
    %scan3A_111 = arith.constant 16 : i32
    %dma_start3A_112 = arith.constant 1 : i32
    %dma_start3A_113 = arith.constant 0 : i32
    %dma_start3A_114 = arith.constant 0 : i32
    %dma_start3A_115 = arith.constant 0 : i32
    %dma_start3A_116 = tpu.memref_slice %arg9[%dma_start3A_114, %dma_start3A_115] : memref<32x129xf32, #tpu.memory_space<vmem>> -> memref<8x128xf32, #tpu.memory_space<vmem>>
    %dma_start3A_117 = arith.constant 0 : i32
    %dma_start3A_118 = arith.constant 0 : i32
    %dma_start3A_119 = tpu.memref_slice %arg4[%dma_start3A_112, %dma_start3A_113, %add3A, %dma_start3A_117, %dma_start3A_118] : memref<200x4x32x8x128xf32, #tpu.memory_space<hbm>> -> memref<1x1x1x8x128xf32, #tpu.memory_space<hbm>>
    %dma_start3A_120 = tpu.memref_squeeze %dma_start3A_119 : memref<1x1x1x8x128xf32, #tpu.memory_space<hbm>> -> memref<8x128xf32, #tpu.memory_space<hbm>>
    %dma_start3A_121 = arith.constant 0 : i32
    %dma_start3A_122 = arith.constant 0 : i32
    %dma_start3A_123 = tpu.memref_slice %arg4[%dma_start3A_112, %dma_start3A_113, %add3A, %dma_start3A_121, %dma_start3A_122] : memref<200x4x32x8x128xf32, #tpu.memory_space<hbm>> -> memref<1x1x1x8x128xf32, #tpu.memory_space<hbm>>
    %dma_start3A_124 = tpu.memref_squeeze %dma_start3A_123 : memref<1x1x1x8x128xf32, #tpu.memory_space<hbm>> -> memref<8x128xf32, #tpu.memory_space<hbm>>
    %dma_start3A_125 = arith.constant 0 : i32
    %dma_start3A_126 = arith.constant 0 : i32
    %dma_start3A_127 = tpu.memref_slice %arg9[%dma_start3A_125, %dma_start3A_126] : memref<32x129xf32, #tpu.memory_space<vmem>> -> memref<8x128xf32, #tpu.memory_space<vmem>>
    tpu.enqueue_dma source(%dma_start3A_127 : memref<8x128xf32, #tpu.memory_space<vmem>>) target(%dma_start3A_124 : memref<8x128xf32, #tpu.memory_space<hbm>>) target_semaphore(%arg13 : memref<!tpu.dma_semaphore, #tpu.memory_space<semaphore_mem>>)
    %dma_start3A_128 = arith.constant 1 : i32
    %dma_start3A_129 = arith.constant 1 : i32
    %dma_start3A_130 = arith.constant 8 : i32
    %dma_start3A_131 = arith.constant 0 : i32
    %dma_start3A_132 = tpu.memref_slice %arg9[%dma_start3A_130, %dma_start3A_131] : memref<32x129xf32, #tpu.memory_space<vmem>> -> memref<8x128xf32, #tpu.memory_space<vmem>>
    %dma_start3A_133 = arith.constant 0 : i32
    %dma_start3A_134 = arith.constant 0 : i32
    %dma_start3A_135 = tpu.memref_slice %arg4[%dma_start3A_128, %dma_start3A_129, %add3A, %dma_start3A_133, %dma_start3A_134] : memref<200x4x32x8x128xf32, #tpu.memory_space<hbm>> -> memref<1x1x1x8x128xf32, #tpu.memory_space<hbm>>
    %dma_start3A_136 = tpu.memref_squeeze %dma_start3A_135 : memref<1x1x1x8x128xf32, #tpu.memory_space<hbm>> -> memref<8x128xf32, #tpu.memory_space<hbm>>
    %dma_start3A_137 = arith.constant 0 : i32
    %dma_start3A_138 = arith.constant 0 : i32
    %dma_start3A_139 = tpu.memref_slice %arg4[%dma_start3A_128, %dma_start3A_129, %add3A, %dma_start3A_137, %dma_start3A_138] : memref<200x4x32x8x128xf32, #tpu.memory_space<hbm>> -> memref<1x1x1x8x128xf32, #tpu.memory_space<hbm>>
    %dma_start3A_140 = tpu.memref_squeeze %dma_start3A_139 : memref<1x1x1x8x128xf32, #tpu.memory_space<hbm>> -> memref<8x128xf32, #tpu.memory_space<hbm>>
    %dma_start3A_141 = arith.constant 8 : i32
    %dma_start3A_142 = arith.constant 0 : i32
    %dma_start3A_143 = tpu.memref_slice %arg9[%dma_start3A_141, %dma_start3A_142] : memref<32x129xf32, #tpu.memory_space<vmem>> -> memref<8x128xf32, #tpu.memory_space<vmem>>
    tpu.enqueue_dma source(%dma_start3A_143 : memref<8x128xf32, #tpu.memory_space<vmem>>) target(%dma_start3A_140 : memref<8x128xf32, #tpu.memory_space<hbm>>) target_semaphore(%arg13 : memref<!tpu.dma_semaphore, #tpu.memory_space<semaphore_mem>>)
    %dma_start3A_144 = arith.constant 1 : i32
    %dma_start3A_145 = arith.constant 2 : i32
    %dma_start3A_146 = arith.constant 16 : i32
    %dma_start3A_147 = arith.constant 0 : i32
    %dma_start3A_148 = tpu.memref_slice %arg9[%dma_start3A_146, %dma_start3A_147] : memref<32x129xf32, #tpu.memory_space<vmem>> -> memref<8x128xf32, #tpu.memory_space<vmem>>
    %dma_start3A_149 = arith.constant 0 : i32
    %dma_start3A_150 = arith.constant 0 : i32
    %dma_start3A_151 = tpu.memref_slice %arg4[%dma_start3A_144, %dma_start3A_145, %add3A, %dma_start3A_149, %dma_start3A_150] : memref<200x4x32x8x128xf32, #tpu.memory_space<hbm>> -> memref<1x1x1x8x128xf32, #tpu.memory_space<hbm>>
    %dma_start3A_152 = tpu.memref_squeeze %dma_start3A_151 : memref<1x1x1x8x128xf32, #tpu.memory_space<hbm>> -> memref<8x128xf32, #tpu.memory_space<hbm>>
    %dma_start3A_153 = arith.constant 0 : i32
    %dma_start3A_154 = arith.constant 0 : i32
    %dma_start3A_155 = tpu.memref_slice %arg4[%dma_start3A_144, %dma_start3A_145, %add3A, %dma_start3A_153, %dma_start3A_154] : memref<200x4x32x8x128xf32, #tpu.memory_space<hbm>> -> memref<1x1x1x8x128xf32, #tpu.memory_space<hbm>>
    %dma_start3A_156 = tpu.memref_squeeze %dma_start3A_155 : memref<1x1x1x8x128xf32, #tpu.memory_space<hbm>> -> memref<8x128xf32, #tpu.memory_space<hbm>>
    %dma_start3A_157 = arith.constant 16 : i32
    %dma_start3A_158 = arith.constant 0 : i32
    %dma_start3A_159 = tpu.memref_slice %arg9[%dma_start3A_157, %dma_start3A_158] : memref<32x129xf32, #tpu.memory_space<vmem>> -> memref<8x128xf32, #tpu.memory_space<vmem>>
    tpu.enqueue_dma source(%dma_start3A_159 : memref<8x128xf32, #tpu.memory_space<vmem>>) target(%dma_start3A_156 : memref<8x128xf32, #tpu.memory_space<hbm>>) target_semaphore(%arg13 : memref<!tpu.dma_semaphore, #tpu.memory_space<semaphore_mem>>)
    %dma_start3A_160 = arith.constant 1 : i32
    %dma_start3A_161 = arith.constant 3 : i32
    %dma_start3A_162 = arith.constant 24 : i32
    %dma_start3A_163 = arith.constant 0 : i32
    %dma_start3A_164 = tpu.memref_slice %arg9[%dma_start3A_162, %dma_start3A_163] : memref<32x129xf32, #tpu.memory_space<vmem>> -> memref<8x128xf32, #tpu.memory_space<vmem>>
    %dma_start3A_165 = arith.constant 0 : i32
    %dma_start3A_166 = arith.constant 0 : i32
    %dma_start3A_167 = tpu.memref_slice %arg4[%dma_start3A_160, %dma_start3A_161, %add3A, %dma_start3A_165, %dma_start3A_166] : memref<200x4x32x8x128xf32, #tpu.memory_space<hbm>> -> memref<1x1x1x8x128xf32, #tpu.memory_space<hbm>>
    %dma_start3A_168 = tpu.memref_squeeze %dma_start3A_167 : memref<1x1x1x8x128xf32, #tpu.memory_space<hbm>> -> memref<8x128xf32, #tpu.memory_space<hbm>>
    %dma_start3A_169 = arith.constant 0 : i32
    %dma_start3A_170 = arith.constant 0 : i32
    %dma_start3A_171 = tpu.memref_slice %arg4[%dma_start3A_160, %dma_start3A_161, %add3A, %dma_start3A_169, %dma_start3A_170] : memref<200x4x32x8x128xf32, #tpu.memory_space<hbm>> -> memref<1x1x1x8x128xf32, #tpu.memory_space<hbm>>
    %dma_start3A_172 = tpu.memref_squeeze %dma_start3A_171 : memref<1x1x1x8x128xf32, #tpu.memory_space<hbm>> -> memref<8x128xf32, #tpu.memory_space<hbm>>
    %dma_start3A_173 = arith.constant 24 : i32
    %dma_start3A_174 = arith.constant 0 : i32
    %dma_start3A_175 = tpu.memref_slice %arg9[%dma_start3A_173, %dma_start3A_174] : memref<32x129xf32, #tpu.memory_space<vmem>> -> memref<8x128xf32, #tpu.memory_space<vmem>>
    tpu.enqueue_dma source(%dma_start3A_175 : memref<8x128xf32, #tpu.memory_space<vmem>>) target(%dma_start3A_172 : memref<8x128xf32, #tpu.memory_space<hbm>>) target_semaphore(%arg13 : memref<!tpu.dma_semaphore, #tpu.memory_space<semaphore_mem>>)
    %scan3A_176 = arith.constant 0 : i32
    %scan3A_177 = arith.constant 1 : i32
    %scan3A_178 = arith.constant 98 : i32
    %scan3A_179 = arith.addi %scan3A_177, %scan3A_178 : i32
    %scan3A_180 = arith.constant 1 : i32
    scf.for %scan3A_613 = %scan3A_177 to %scan3A_179 step %scan3A_180  : i32 {
      %mul3A_614 = arith.constant 2 : i32
      %mul3A_615 = arith.muli %mul3A_614, %scan3A_613 : i32
      %add3A_616 = arith.constant 1 : i32
      %add3A_617 = arith.addi %mul3A_615, %add3A_616 : i32
      %dma_start3A_618 = arith.constant 0 : i32
      %dma_start3A_619 = tpu.memref_slice %arg5[%add3A_617, %dma_start3A_618] : memref<200x128xi32, #tpu.memory_space<vmem>> -> memref<1x128xi32, #tpu.memory_space<vmem>>
      %dma_start3A_620 = tpu.memref_squeeze %dma_start3A_619 : memref<1x128xi32, #tpu.memory_space<vmem>> -> memref<128xi32, #tpu.memory_space<vmem>>
      %dma_start3A_621 = arith.constant 0 : i32
      %dma_start3A_622 = arith.constant 0 : i32
      %dma_start3A_623 = tpu.memref_slice %arg2[%dma_start3A_621, %dma_start3A_622] : memref<1000000x32xf32, #tpu.memory_space<hbm>> -> memref<1000000x32xf32, #tpu.memory_space<hbm>>
      tpu.enqueue_indirect_dma source(%dma_start3A_623 : memref<1000000x32xf32, #tpu.memory_space<hbm>>) target(%arg7 : memref<128x32xf32, #tpu.memory_space<vmem>>) offsets(%dma_start3A_620 : memref<128xi32, #tpu.memory_space<vmem>>) semaphore(%arg11 : memref<!tpu.dma_semaphore, #tpu.memory_space<semaphore_mem>>)
      %dma_wait3A_624 = arith.constant 0 : i32
      %dma_wait3A_625 = arith.constant 0 : i32
      %dma_wait3A_626 = tpu.memref_slice %arg2[%dma_wait3A_624, %dma_wait3A_625] : memref<1000000x32xf32, #tpu.memory_space<hbm>> -> memref<128x32xf32, #tpu.memory_space<hbm>>
      %dma_wait3A_627 = arith.constant 0 : i32
      %dma_wait3A_628 = arith.constant 0 : i32
      %dma_wait3A_629 = tpu.memref_slice %arg2[%dma_wait3A_627, %dma_wait3A_628] : memref<1000000x32xf32, #tpu.memory_space<hbm>> -> memref<128x32xf32, #tpu.memory_space<hbm>>
      tpu.wait_dma2 semaphore(%arg10 : memref<!tpu.dma_semaphore, #tpu.memory_space<semaphore_mem>>) src(%dma_wait3A_629 : memref<128x32xf32, #tpu.memory_space<hbm>>) dst(%arg6 : memref<128x32xf32, #tpu.memory_space<vmem>>)
      %dma_wait3A_630 = arith.constant 0 : i32
      %dma_wait3A_631 = arith.constant 0 : i32
      %dma_wait3A_632 = arith.constant 0 : i32
      %dma_wait3A_633 = arith.constant 0 : i32
      %dma_wait3A_634 = arith.constant 0 : i32
      %dma_wait3A_635 = tpu.memref_slice %arg8[%dma_wait3A_633, %dma_wait3A_634] : memref<32x129xf32, #tpu.memory_space<vmem>> -> memref<8x128xf32, #tpu.memory_space<vmem>>
      %dma_wait3A_636 = arith.constant 0 : i32
      %dma_wait3A_637 = arith.constant 0 : i32
      %dma_wait3A_638 = tpu.memref_slice %arg4[%dma_wait3A_630, %dma_wait3A_631, %dma_wait3A_632, %dma_wait3A_636, %dma_wait3A_637] : memref<200x4x32x8x128xf32, #tpu.memory_space<hbm>> -> memref<1x1x1x8x128xf32, #tpu.memory_space<hbm>>
      %dma_wait3A_639 = tpu.memref_squeeze %dma_wait3A_638 : memref<1x1x1x8x128xf32, #tpu.memory_space<hbm>> -> memref<8x128xf32, #tpu.memory_space<hbm>>
      %dma_wait3A_640 = arith.constant 0 : i32
      %dma_wait3A_641 = arith.constant 0 : i32
      %dma_wait3A_642 = tpu.memref_slice %arg4[%dma_wait3A_630, %dma_wait3A_631, %dma_wait3A_632, %dma_wait3A_640, %dma_wait3A_641] : memref<200x4x32x8x128xf32, #tpu.memory_space<hbm>> -> memref<1x1x1x8x128xf32, #tpu.memory_space<hbm>>
      %dma_wait3A_643 = tpu.memref_squeeze %dma_wait3A_642 : memref<1x1x1x8x128xf32, #tpu.memory_space<hbm>> -> memref<8x128xf32, #tpu.memory_space<hbm>>
      %dma_wait3A_644 = arith.constant 0 : i32
      %dma_wait3A_645 = arith.constant 0 : i32
      %dma_wait3A_646 = tpu.memref_slice %arg8[%dma_wait3A_644, %dma_wait3A_645] : memref<32x129xf32, #tpu.memory_space<vmem>> -> memref<8x128xf32, #tpu.memory_space<vmem>>
      tpu.wait_dma2 semaphore(%arg12 : memref<!tpu.dma_semaphore, #tpu.memory_space<semaphore_mem>>) src(%dma_wait3A_646 : memref<8x128xf32, #tpu.memory_space<vmem>>) dst(%dma_wait3A_643 : memref<8x128xf32, #tpu.memory_space<hbm>>)
      %dma_wait3A_647 = arith.constant 0 : i32
      %dma_wait3A_648 = arith.constant 0 : i32
      %dma_wait3A_649 = arith.constant 0 : i32
      %dma_wait3A_650 = arith.constant 8 : i32
      %dma_wait3A_651 = arith.constant 0 : i32
      %dma_wait3A_652 = tpu.memref_slice %arg8[%dma_wait3A_650, %dma_wait3A_651] : memref<32x129xf32, #tpu.memory_space<vmem>> -> memref<8x128xf32, #tpu.memory_space<vmem>>
      %dma_wait3A_653 = arith.constant 0 : i32
      %dma_wait3A_654 = arith.constant 0 : i32
      %dma_wait3A_655 = tpu.memref_slice %arg4[%dma_wait3A_647, %dma_wait3A_648, %dma_wait3A_649, %dma_wait3A_653, %dma_wait3A_654] : memref<200x4x32x8x128xf32, #tpu.memory_space<hbm>> -> memref<1x1x1x8x128xf32, #tpu.memory_space<hbm>>
      %dma_wait3A_656 = tpu.memref_squeeze %dma_wait3A_655 : memref<1x1x1x8x128xf32, #tpu.memory_space<hbm>> -> memref<8x128xf32, #tpu.memory_space<hbm>>
      %dma_wait3A_657 = arith.constant 0 : i32
      %dma_wait3A_658 = arith.constant 0 : i32
      %dma_wait3A_659 = tpu.memref_slice %arg4[%dma_wait3A_647, %dma_wait3A_648, %dma_wait3A_649, %dma_wait3A_657, %dma_wait3A_658] : memref<200x4x32x8x128xf32, #tpu.memory_space<hbm>> -> memref<1x1x1x8x128xf32, #tpu.memory_space<hbm>>
      %dma_wait3A_660 = tpu.memref_squeeze %dma_wait3A_659 : memref<1x1x1x8x128xf32, #tpu.memory_space<hbm>> -> memref<8x128xf32, #tpu.memory_space<hbm>>
      %dma_wait3A_661 = arith.constant 8 : i32
      %dma_wait3A_662 = arith.constant 0 : i32
      %dma_wait3A_663 = tpu.memref_slice %arg8[%dma_wait3A_661, %dma_wait3A_662] : memref<32x129xf32, #tpu.memory_space<vmem>> -> memref<8x128xf32, #tpu.memory_space<vmem>>
      tpu.wait_dma2 semaphore(%arg12 : memref<!tpu.dma_semaphore, #tpu.memory_space<semaphore_mem>>) src(%dma_wait3A_663 : memref<8x128xf32, #tpu.memory_space<vmem>>) dst(%dma_wait3A_660 : memref<8x128xf32, #tpu.memory_space<hbm>>)
      %dma_wait3A_664 = arith.constant 0 : i32
      %dma_wait3A_665 = arith.constant 0 : i32
      %dma_wait3A_666 = arith.constant 0 : i32
      %dma_wait3A_667 = arith.constant 16 : i32
      %dma_wait3A_668 = arith.constant 0 : i32
      %dma_wait3A_669 = tpu.memref_slice %arg8[%dma_wait3A_667, %dma_wait3A_668] : memref<32x129xf32, #tpu.memory_space<vmem>> -> memref<8x128xf32, #tpu.memory_space<vmem>>
      %dma_wait3A_670 = arith.constant 0 : i32
      %dma_wait3A_671 = arith.constant 0 : i32
      %dma_wait3A_672 = tpu.memref_slice %arg4[%dma_wait3A_664, %dma_wait3A_665, %dma_wait3A_666, %dma_wait3A_670, %dma_wait3A_671] : memref<200x4x32x8x128xf32, #tpu.memory_space<hbm>> -> memref<1x1x1x8x128xf32, #tpu.memory_space<hbm>>
      %dma_wait3A_673 = tpu.memref_squeeze %dma_wait3A_672 : memref<1x1x1x8x128xf32, #tpu.memory_space<hbm>> -> memref<8x128xf32, #tpu.memory_space<hbm>>
      %dma_wait3A_674 = arith.constant 0 : i32
      %dma_wait3A_675 = arith.constant 0 : i32
      %dma_wait3A_676 = tpu.memref_slice %arg4[%dma_wait3A_664, %dma_wait3A_665, %dma_wait3A_666, %dma_wait3A_674, %dma_wait3A_675] : memref<200x4x32x8x128xf32, #tpu.memory_space<hbm>> -> memref<1x1x1x8x128xf32, #tpu.memory_space<hbm>>
      %dma_wait3A_677 = tpu.memref_squeeze %dma_wait3A_676 : memref<1x1x1x8x128xf32, #tpu.memory_space<hbm>> -> memref<8x128xf32, #tpu.memory_space<hbm>>
      %dma_wait3A_678 = arith.constant 16 : i32
      %dma_wait3A_679 = arith.constant 0 : i32
      %dma_wait3A_680 = tpu.memref_slice %arg8[%dma_wait3A_678, %dma_wait3A_679] : memref<32x129xf32, #tpu.memory_space<vmem>> -> memref<8x128xf32, #tpu.memory_space<vmem>>
      tpu.wait_dma2 semaphore(%arg12 : memref<!tpu.dma_semaphore, #tpu.memory_space<semaphore_mem>>) src(%dma_wait3A_680 : memref<8x128xf32, #tpu.memory_space<vmem>>) dst(%dma_wait3A_677 : memref<8x128xf32, #tpu.memory_space<hbm>>)
      %dma_wait3A_681 = arith.constant 0 : i32
      %dma_wait3A_682 = arith.constant 0 : i32
      %dma_wait3A_683 = arith.constant 0 : i32
      %dma_wait3A_684 = arith.constant 24 : i32
      %dma_wait3A_685 = arith.constant 0 : i32
      %dma_wait3A_686 = tpu.memref_slice %arg8[%dma_wait3A_684, %dma_wait3A_685] : memref<32x129xf32, #tpu.memory_space<vmem>> -> memref<8x128xf32, #tpu.memory_space<vmem>>
      %dma_wait3A_687 = arith.constant 0 : i32
      %dma_wait3A_688 = arith.constant 0 : i32
      %dma_wait3A_689 = tpu.memref_slice %arg4[%dma_wait3A_681, %dma_wait3A_682, %dma_wait3A_683, %dma_wait3A_687, %dma_wait3A_688] : memref<200x4x32x8x128xf32, #tpu.memory_space<hbm>> -> memref<1x1x1x8x128xf32, #tpu.memory_space<hbm>>
      %dma_wait3A_690 = tpu.memref_squeeze %dma_wait3A_689 : memref<1x1x1x8x128xf32, #tpu.memory_space<hbm>> -> memref<8x128xf32, #tpu.memory_space<hbm>>
      %dma_wait3A_691 = arith.constant 0 : i32
      %dma_wait3A_692 = arith.constant 0 : i32
      %dma_wait3A_693 = tpu.memref_slice %arg4[%dma_wait3A_681, %dma_wait3A_682, %dma_wait3A_683, %dma_wait3A_691, %dma_wait3A_692] : memref<200x4x32x8x128xf32, #tpu.memory_space<hbm>> -> memref<1x1x1x8x128xf32, #tpu.memory_space<hbm>>
      %dma_wait3A_694 = tpu.memref_squeeze %dma_wait3A_693 : memref<1x1x1x8x128xf32, #tpu.memory_space<hbm>> -> memref<8x128xf32, #tpu.memory_space<hbm>>
      %dma_wait3A_695 = arith.constant 24 : i32
      %dma_wait3A_696 = arith.constant 0 : i32
      %dma_wait3A_697 = tpu.memref_slice %arg8[%dma_wait3A_695, %dma_wait3A_696] : memref<32x129xf32, #tpu.memory_space<vmem>> -> memref<8x128xf32, #tpu.memory_space<vmem>>
      tpu.wait_dma2 semaphore(%arg12 : memref<!tpu.dma_semaphore, #tpu.memory_space<semaphore_mem>>) src(%dma_wait3A_697 : memref<8x128xf32, #tpu.memory_space<vmem>>) dst(%dma_wait3A_694 : memref<8x128xf32, #tpu.memory_space<hbm>>)
      %scan3A_698 = arith.constant 0 : i32
      %scan3A_699 = arith.constant 0 : i32
      %scan3A_700 = arith.constant 16 : i32
      %scan3A_701 = arith.addi %scan3A_699, %scan3A_700 : i32
      %scan3A_702 = arith.constant 1 : i32
      scf.for %scan3A_914 = %scan3A_699 to %scan3A_701 step %scan3A_702  : i32 {
        %mul3A_915 = arith.constant 8 : i32
        %mul3A_916 = arith.muli %scan3A_914, %mul3A_915 : i32
        %add3A_917 = arith.constant 0 : i32
        %add3A_918 = arith.addi %mul3A_916, %add3A_917 : i32
        %broadcast_in_dim3A = vector.broadcast %add3A_918 : i32 to vector<16xi32>
        %get3A = arith.index_cast %add3A_918 : i32 to index
        %get3A_919 = arith.constant 0 : index
        %get3A_920 = tpu.vector_load %arg6[%get3A, %get3A_919] {strides = array<i32>} : memref<128x32xf32, #tpu.memory_space<vmem>>, vector<16xf32>,
        %get3A_921 = arith.index_cast %add3A_918 : i32 to index
        %get3A_922 = arith.constant 16 : index
        %get3A_923 = tpu.vector_load %arg6[%get3A_921, %get3A_922] {strides = array<i32>} : memref<128x32xf32, #tpu.memory_space<vmem>>, vector<16xf32>,
        tpu.vector_store_idx %arg8[%iota3A, %broadcast_in_dim3A], %get3A_920 : memref<32x129xf32, #tpu.memory_space<vmem>>[vector<16xi32>, vector<16xi32>], vector<16xf32>,
        tpu.vector_store_idx %arg8[%add3A_5, %broadcast_in_dim3A], %get3A_923 : memref<32x129xf32, #tpu.memory_space<vmem>>[vector<16xi32>, vector<16xi32>], vector<16xf32>,
        %add3A_924 = arith.constant 1 : i32
        %add3A_925 = arith.addi %mul3A_916, %add3A_924 : i32
        %broadcast_in_dim3A_926 = vector.broadcast %add3A_925 : i32 to vector<16xi32>
        %get3A_927 = arith.index_cast %add3A_925 : i32 to index
        %get3A_928 = arith.constant 0 : index
        %get3A_929 = tpu.vector_load %arg6[%get3A_927, %get3A_928] {strides = array<i32>} : memref<128x32xf32, #tpu.memory_space<vmem>>, vector<16xf32>,
        %get3A_930 = arith.index_cast %add3A_925 : i32 to index
        %get3A_931 = arith.constant 16 : index
        %get3A_932 = tpu.vector_load %arg6[%get3A_930, %get3A_931] {strides = array<i32>} : memref<128x32xf32, #tpu.memory_space<vmem>>, vector<16xf32>,
        tpu.vector_store_idx %arg8[%iota3A, %broadcast_in_dim3A_926], %get3A_929 : memref<32x129xf32, #tpu.memory_space<vmem>>[vector<16xi32>, vector<16xi32>], vector<16xf32>,
        tpu.vector_store_idx %arg8[%add3A_5, %broadcast_in_dim3A_926], %get3A_932 : memref<32x129xf32, #tpu.memory_space<vmem>>[vector<16xi32>, vector<16xi32>], vector<16xf32>,
        %add3A_933 = arith.constant 2 : i32
        %add3A_934 = arith.addi %mul3A_916, %add3A_933 : i32
        %broadcast_in_dim3A_935 = vector.broadcast %add3A_934 : i32 to vector<16xi32>
        %get3A_936 = arith.index_cast %add3A_934 : i32 to index
        %get3A_937 = arith.constant 0 : index
        %get3A_938 = tpu.vector_load %arg6[%get3A_936, %get3A_937] {strides = array<i32>} : memref<128x32xf32, #tpu.memory_space<vmem>>, vector<16xf32>,
        %get3A_939 = arith.index_cast %add3A_934 : i32 to index
        %get3A_940 = arith.constant 16 : index
        %get3A_941 = tpu.vector_load %arg6[%get3A_939, %get3A_940] {strides = array<i32>} : memref<128x32xf32, #tpu.memory_space<vmem>>, vector<16xf32>,
        tpu.vector_store_idx %arg8[%iota3A, %broadcast_in_dim3A_935], %get3A_938 : memref<32x129xf32, #tpu.memory_space<vmem>>[vector<16xi32>, vector<16xi32>], vector<16xf32>,
        tpu.vector_store_idx %arg8[%add3A_5, %broadcast_in_dim3A_935], %get3A_941 : memref<32x129xf32, #tpu.memory_space<vmem>>[vector<16xi32>, vector<16xi32>], vector<16xf32>,
        %add3A_942 = arith.constant 3 : i32
        %add3A_943 = arith.addi %mul3A_916, %add3A_942 : i32
        %broadcast_in_dim3A_944 = vector.broadcast %add3A_943 : i32 to vector<16xi32>
        %get3A_945 = arith.index_cast %add3A_943 : i32 to index
        %get3A_946 = arith.constant 0 : index
        %get3A_947 = tpu.vector_load %arg6[%get3A_945, %get3A_946] {strides = array<i32>} : memref<128x32xf32, #tpu.memory_space<vmem>>, vector<16xf32>,
        %get3A_948 = arith.index_cast %add3A_943 : i32 to index
        %get3A_949 = arith.constant 16 : index
        %get3A_950 = tpu.vector_load %arg6[%get3A_948, %get3A_949] {strides = array<i32>} : memref<128x32xf32, #tpu.memory_space<vmem>>, vector<16xf32>,
        tpu.vector_store_idx %arg8[%iota3A, %broadcast_in_dim3A_944], %get3A_947 : memref<32x129xf32, #tpu.memory_space<vmem>>[vector<16xi32>, vector<16xi32>], vector<16xf32>,
        tpu.vector_store_idx %arg8[%add3A_5, %broadcast_in_dim3A_944], %get3A_950 : memref<32x129xf32, #tpu.memory_space<vmem>>[vector<16xi32>, vector<16xi32>], vector<16xf32>,
        %add3A_951 = arith.constant 4 : i32
        %add3A_952 = arith.addi %mul3A_916, %add3A_951 : i32
        %broadcast_in_dim3A_953 = vector.broadcast %add3A_952 : i32 to vector<16xi32>
        %get3A_954 = arith.index_cast %add3A_952 : i32 to index
        %get3A_955 = arith.constant 0 : index
        %get3A_956 = tpu.vector_load %arg6[%get3A_954, %get3A_955] {strides = array<i32>} : memref<128x32xf32, #tpu.memory_space<vmem>>, vector<16xf32>,
        %get3A_957 = arith.index_cast %add3A_952 : i32 to index
        %get3A_958 = arith.constant 16 : index
        %get3A_959 = tpu.vector_load %arg6[%get3A_957, %get3A_958] {strides = array<i32>} : memref<128x32xf32, #tpu.memory_space<vmem>>, vector<16xf32>,
        tpu.vector_store_idx %arg8[%iota3A, %broadcast_in_dim3A_953], %get3A_956 : memref<32x129xf32, #tpu.memory_space<vmem>>[vector<16xi32>, vector<16xi32>], vector<16xf32>,
        tpu.vector_store_idx %arg8[%add3A_5, %broadcast_in_dim3A_953], %get3A_959 : memref<32x129xf32, #tpu.memory_space<vmem>>[vector<16xi32>, vector<16xi32>], vector<16xf32>,
        %add3A_960 = arith.constant 5 : i32
        %add3A_961 = arith.addi %mul3A_916, %add3A_960 : i32
        %broadcast_in_dim3A_962 = vector.broadcast %add3A_961 : i32 to vector<16xi32>
        %get3A_963 = arith.index_cast %add3A_961 : i32 to index
        %get3A_964 = arith.constant 0 : index
        %get3A_965 = tpu.vector_load %arg6[%get3A_963, %get3A_964] {strides = array<i32>} : memref<128x32xf32, #tpu.memory_space<vmem>>, vector<16xf32>,
        %get3A_966 = arith.index_cast %add3A_961 : i32 to index
        %get3A_967 = arith.constant 16 : index
        %get3A_968 = tpu.vector_load %arg6[%get3A_966, %get3A_967] {strides = array<i32>} : memref<128x32xf32, #tpu.memory_space<vmem>>, vector<16xf32>,
        tpu.vector_store_idx %arg8[%iota3A, %broadcast_in_dim3A_962], %get3A_965 : memref<32x129xf32, #tpu.memory_space<vmem>>[vector<16xi32>, vector<16xi32>], vector<16xf32>,
        tpu.vector_store_idx %arg8[%add3A_5, %broadcast_in_dim3A_962], %get3A_968 : memref<32x129xf32, #tpu.memory_space<vmem>>[vector<16xi32>, vector<16xi32>], vector<16xf32>,
        %add3A_969 = arith.constant 6 : i32
        %add3A_970 = arith.addi %mul3A_916, %add3A_969 : i32
        %broadcast_in_dim3A_971 = vector.broadcast %add3A_970 : i32 to vector<16xi32>
        %get3A_972 = arith.index_cast %add3A_970 : i32 to index
        %get3A_973 = arith.constant 0 : index
        %get3A_974 = tpu.vector_load %arg6[%get3A_972, %get3A_973] {strides = array<i32>} : memref<128x32xf32, #tpu.memory_space<vmem>>, vector<16xf32>,
        %get3A_975 = arith.index_cast %add3A_970 : i32 to index
        %get3A_976 = arith.constant 16 : index
        %get3A_977 = tpu.vector_load %arg6[%get3A_975, %get3A_976] {strides = array<i32>} : memref<128x32xf32, #tpu.memory_space<vmem>>, vector<16xf32>,
        tpu.vector_store_idx %arg8[%iota3A, %broadcast_in_dim3A_971], %get3A_974 : memref<32x129xf32, #tpu.memory_space<vmem>>[vector<16xi32>, vector<16xi32>], vector<16xf32>,
        tpu.vector_store_idx %arg8[%add3A_5, %broadcast_in_dim3A_971], %get3A_977 : memref<32x129xf32, #tpu.memory_space<vmem>>[vector<16xi32>, vector<16xi32>], vector<16xf32>,
        %add3A_978 = arith.constant 7 : i32
        %add3A_979 = arith.addi %mul3A_916, %add3A_978 : i32
        %broadcast_in_dim3A_980 = vector.broadcast %add3A_979 : i32 to vector<16xi32>
        %get3A_981 = arith.index_cast %add3A_979 : i32 to index
        %get3A_982 = arith.constant 0 : index
        %get3A_983 = tpu.vector_load %arg6[%get3A_981, %get3A_982] {strides = array<i32>} : memref<128x32xf32, #tpu.memory_space<vmem>>, vector<16xf32>,
        %get3A_984 = arith.index_cast %add3A_979 : i32 to index
        %get3A_985 = arith.constant 16 : index
        %get3A_986 = tpu.vector_load %arg6[%get3A_984, %get3A_985] {strides = array<i32>} : memref<128x32xf32, #tpu.memory_space<vmem>>, vector<16xf32>,
        tpu.vector_store_idx %arg8[%iota3A, %broadcast_in_dim3A_980], %get3A_983 : memref<32x129xf32, #tpu.memory_space<vmem>>[vector<16xi32>, vector<16xi32>], vector<16xf32>,
        tpu.vector_store_idx %arg8[%add3A_5, %broadcast_in_dim3A_980], %get3A_986 : memref<32x129xf32, #tpu.memory_space<vmem>>[vector<16xi32>, vector<16xi32>], vector<16xf32>,
      }
      %scan3A_703 = arith.constant 16 : i32
      %dma_start3A_704 = arith.constant 0 : i32
      %dma_start3A_705 = arith.constant 0 : i32
      %dma_start3A_706 = arith.constant 0 : i32
      %dma_start3A_707 = tpu.memref_slice %arg8[%dma_start3A_705, %dma_start3A_706] : memref<32x129xf32, #tpu.memory_space<vmem>> -> memref<8x128xf32, #tpu.memory_space<vmem>>
      %dma_start3A_708 = arith.constant 0 : i32
      %dma_start3A_709 = arith.constant 0 : i32
      %dma_start3A_710 = tpu.memref_slice %arg4[%mul3A_615, %dma_start3A_704, %add3A, %dma_start3A_708, %dma_start3A_709] : memref<200x4x32x8x128xf32, #tpu.memory_space<hbm>> -> memref<1x1x1x8x128xf32, #tpu.memory_space<hbm>>
      %dma_start3A_711 = tpu.memref_squeeze %dma_start3A_710 : memref<1x1x1x8x128xf32, #tpu.memory_space<hbm>> -> memref<8x128xf32, #tpu.memory_space<hbm>>
      %dma_start3A_712 = arith.constant 0 : i32
      %dma_start3A_713 = arith.constant 0 : i32
      %dma_start3A_714 = tpu.memref_slice %arg4[%mul3A_615, %dma_start3A_704, %add3A, %dma_start3A_712, %dma_start3A_713] : memref<200x4x32x8x128xf32, #tpu.memory_space<hbm>> -> memref<1x1x1x8x128xf32, #tpu.memory_space<hbm>>
      %dma_start3A_715 = tpu.memref_squeeze %dma_start3A_714 : memref<1x1x1x8x128xf32, #tpu.memory_space<hbm>> -> memref<8x128xf32, #tpu.memory_space<hbm>>
      %dma_start3A_716 = arith.constant 0 : i32
      %dma_start3A_717 = arith.constant 0 : i32
      %dma_start3A_718 = tpu.memref_slice %arg8[%dma_start3A_716, %dma_start3A_717] : memref<32x129xf32, #tpu.memory_space<vmem>> -> memref<8x128xf32, #tpu.memory_space<vmem>>
      tpu.enqueue_dma source(%dma_start3A_718 : memref<8x128xf32, #tpu.memory_space<vmem>>) target(%dma_start3A_715 : memref<8x128xf32, #tpu.memory_space<hbm>>) target_semaphore(%arg12 : memref<!tpu.dma_semaphore, #tpu.memory_space<semaphore_mem>>)
      %dma_start3A_719 = arith.constant 1 : i32
      %dma_start3A_720 = arith.constant 8 : i32
      %dma_start3A_721 = arith.constant 0 : i32
      %dma_start3A_722 = tpu.memref_slice %arg8[%dma_start3A_720, %dma_start3A_721] : memref<32x129xf32, #tpu.memory_space<vmem>> -> memref<8x128xf32, #tpu.memory_space<vmem>>
      %dma_start3A_723 = arith.constant 0 : i32
      %dma_start3A_724 = arith.constant 0 : i32
      %dma_start3A_725 = tpu.memref_slice %arg4[%mul3A_615, %dma_start3A_719, %add3A, %dma_start3A_723, %dma_start3A_724] : memref<200x4x32x8x128xf32, #tpu.memory_space<hbm>> -> memref<1x1x1x8x128xf32, #tpu.memory_space<hbm>>
      %dma_start3A_726 = tpu.memref_squeeze %dma_start3A_725 : memref<1x1x1x8x128xf32, #tpu.memory_space<hbm>> -> memref<8x128xf32, #tpu.memory_space<hbm>>
      %dma_start3A_727 = arith.constant 0 : i32
      %dma_start3A_728 = arith.constant 0 : i32
      %dma_start3A_729 = tpu.memref_slice %arg4[%mul3A_615, %dma_start3A_719, %add3A, %dma_start3A_727, %dma_start3A_728] : memref<200x4x32x8x128xf32, #tpu.memory_space<hbm>> -> memref<1x1x1x8x128xf32, #tpu.memory_space<hbm>>
      %dma_start3A_730 = tpu.memref_squeeze %dma_start3A_729 : memref<1x1x1x8x128xf32, #tpu.memory_space<hbm>> -> memref<8x128xf32, #tpu.memory_space<hbm>>
      %dma_start3A_731 = arith.constant 8 : i32
      %dma_start3A_732 = arith.constant 0 : i32
      %dma_start3A_733 = tpu.memref_slice %arg8[%dma_start3A_731, %dma_start3A_732] : memref<32x129xf32, #tpu.memory_space<vmem>> -> memref<8x128xf32, #tpu.memory_space<vmem>>
      tpu.enqueue_dma source(%dma_start3A_733 : memref<8x128xf32, #tpu.memory_space<vmem>>) target(%dma_start3A_730 : memref<8x128xf32, #tpu.memory_space<hbm>>) target_semaphore(%arg12 : memref<!tpu.dma_semaphore, #tpu.memory_space<semaphore_mem>>)
      %dma_start3A_734 = arith.constant 2 : i32
      %dma_start3A_735 = arith.constant 16 : i32
      %dma_start3A_736 = arith.constant 0 : i32
      %dma_start3A_737 = tpu.memref_slice %arg8[%dma_start3A_735, %dma_start3A_736] : memref<32x129xf32, #tpu.memory_space<vmem>> -> memref<8x128xf32, #tpu.memory_space<vmem>>
      %dma_start3A_738 = arith.constant 0 : i32
      %dma_start3A_739 = arith.constant 0 : i32
      %dma_start3A_740 = tpu.memref_slice %arg4[%mul3A_615, %dma_start3A_734, %add3A, %dma_start3A_738, %dma_start3A_739] : memref<200x4x32x8x128xf32, #tpu.memory_space<hbm>> -> memref<1x1x1x8x128xf32, #tpu.memory_space<hbm>>
      %dma_start3A_741 = tpu.memref_squeeze %dma_start3A_740 : memref<1x1x1x8x128xf32, #tpu.memory_space<hbm>> -> memref<8x128xf32, #tpu.memory_space<hbm>>
      %dma_start3A_742 = arith.constant 0 : i32
      %dma_start3A_743 = arith.constant 0 : i32
      %dma_start3A_744 = tpu.memref_slice %arg4[%mul3A_615, %dma_start3A_734, %add3A, %dma_start3A_742, %dma_start3A_743] : memref<200x4x32x8x128xf32, #tpu.memory_space<hbm>> -> memref<1x1x1x8x128xf32, #tpu.memory_space<hbm>>
      %dma_start3A_745 = tpu.memref_squeeze %dma_start3A_744 : memref<1x1x1x8x128xf32, #tpu.memory_space<hbm>> -> memref<8x128xf32, #tpu.memory_space<hbm>>
      %dma_start3A_746 = arith.constant 16 : i32
      %dma_start3A_747 = arith.constant 0 : i32
      %dma_start3A_748 = tpu.memref_slice %arg8[%dma_start3A_746, %dma_start3A_747] : memref<32x129xf32, #tpu.memory_space<vmem>> -> memref<8x128xf32, #tpu.memory_space<vmem>>
      tpu.enqueue_dma source(%dma_start3A_748 : memref<8x128xf32, #tpu.memory_space<vmem>>) target(%dma_start3A_745 : memref<8x128xf32, #tpu.memory_space<hbm>>) target_semaphore(%arg12 : memref<!tpu.dma_semaphore, #tpu.memory_space<semaphore_mem>>)
      %dma_start3A_749 = arith.constant 3 : i32
      %dma_start3A_750 = arith.constant 24 : i32
      %dma_start3A_751 = arith.constant 0 : i32
      %dma_start3A_752 = tpu.memref_slice %arg8[%dma_start3A_750, %dma_start3A_751] : memref<32x129xf32, #tpu.memory_space<vmem>> -> memref<8x128xf32, #tpu.memory_space<vmem>>
      %dma_start3A_753 = arith.constant 0 : i32
      %dma_start3A_754 = arith.constant 0 : i32
      %dma_start3A_755 = tpu.memref_slice %arg4[%mul3A_615, %dma_start3A_749, %add3A, %dma_start3A_753, %dma_start3A_754] : memref<200x4x32x8x128xf32, #tpu.memory_space<hbm>> -> memref<1x1x1x8x128xf32, #tpu.memory_space<hbm>>
      %dma_start3A_756 = tpu.memref_squeeze %dma_start3A_755 : memref<1x1x1x8x128xf32, #tpu.memory_space<hbm>> -> memref<8x128xf32, #tpu.memory_space<hbm>>
      %dma_start3A_757 = arith.constant 0 : i32
      %dma_start3A_758 = arith.constant 0 : i32
      %dma_start3A_759 = tpu.memref_slice %arg4[%mul3A_615, %dma_start3A_749, %add3A, %dma_start3A_757, %dma_start3A_758] : memref<200x4x32x8x128xf32, #tpu.memory_space<hbm>> -> memref<1x1x1x8x128xf32, #tpu.memory_space<hbm>>
      %dma_start3A_760 = tpu.memref_squeeze %dma_start3A_759 : memref<1x1x1x8x128xf32, #tpu.memory_space<hbm>> -> memref<8x128xf32, #tpu.memory_space<hbm>>
      %dma_start3A_761 = arith.constant 24 : i32
      %dma_start3A_762 = arith.constant 0 : i32
      %dma_start3A_763 = tpu.memref_slice %arg8[%dma_start3A_761, %dma_start3A_762] : memref<32x129xf32, #tpu.memory_space<vmem>> -> memref<8x128xf32, #tpu.memory_space<vmem>>
      tpu.enqueue_dma source(%dma_start3A_763 : memref<8x128xf32, #tpu.memory_space<vmem>>) target(%dma_start3A_760 : memref<8x128xf32, #tpu.memory_space<hbm>>) target_semaphore(%arg12 : memref<!tpu.dma_semaphore, #tpu.memory_space<semaphore_mem>>)
      %add3A_764 = arith.constant 2 : i32
      %add3A_765 = arith.addi %mul3A_615, %add3A_764 : i32
      %dma_start3A_766 = arith.constant 0 : i32
      %dma_start3A_767 = tpu.memref_slice %arg5[%add3A_765, %dma_start3A_766] : memref<200x128xi32, #tpu.memory_space<vmem>> -> memref<1x128xi32, #tpu.memory_space<vmem>>
      %dma_start3A_768 = tpu.memref_squeeze %dma_start3A_767 : memref<1x128xi32, #tpu.memory_space<vmem>> -> memref<128xi32, #tpu.memory_space<vmem>>
      %dma_start3A_769 = arith.constant 0 : i32
      %dma_start3A_770 = arith.constant 0 : i32
      %dma_start3A_771 = tpu.memref_slice %arg2[%dma_start3A_769, %dma_start3A_770] : memref<1000000x32xf32, #tpu.memory_space<hbm>> -> memref<1000000x32xf32, #tpu.memory_space<hbm>>
      tpu.enqueue_indirect_dma source(%dma_start3A_771 : memref<1000000x32xf32, #tpu.memory_space<hbm>>) target(%arg6 : memref<128x32xf32, #tpu.memory_space<vmem>>) offsets(%dma_start3A_768 : memref<128xi32, #tpu.memory_space<vmem>>) semaphore(%arg10 : memref<!tpu.dma_semaphore, #tpu.memory_space<semaphore_mem>>)
      %dma_wait3A_772 = arith.constant 0 : i32
      %dma_wait3A_773 = arith.constant 0 : i32
      %dma_wait3A_774 = tpu.memref_slice %arg2[%dma_wait3A_772, %dma_wait3A_773] : memref<1000000x32xf32, #tpu.memory_space<hbm>> -> memref<128x32xf32, #tpu.memory_space<hbm>>
      %dma_wait3A_775 = arith.constant 0 : i32
      %dma_wait3A_776 = arith.constant 0 : i32
      %dma_wait3A_777 = tpu.memref_slice %arg2[%dma_wait3A_775, %dma_wait3A_776] : memref<1000000x32xf32, #tpu.memory_space<hbm>> -> memref<128x32xf32, #tpu.memory_space<hbm>>
      tpu.wait_dma2 semaphore(%arg11 : memref<!tpu.dma_semaphore, #tpu.memory_space<semaphore_mem>>) src(%dma_wait3A_777 : memref<128x32xf32, #tpu.memory_space<hbm>>) dst(%arg7 : memref<128x32xf32, #tpu.memory_space<vmem>>)
      %dma_wait3A_778 = arith.constant 0 : i32
      %dma_wait3A_779 = arith.constant 0 : i32
      %dma_wait3A_780 = arith.constant 0 : i32
      %dma_wait3A_781 = arith.constant 0 : i32
      %dma_wait3A_782 = arith.constant 0 : i32
      %dma_wait3A_783 = tpu.memref_slice %arg9[%dma_wait3A_781, %dma_wait3A_782] : memref<32x129xf32, #tpu.memory_space<vmem>> -> memref<8x128xf32, #tpu.memory_space<vmem>>
      %dma_wait3A_784 = arith.constant 0 : i32
      %dma_wait3A_785 = arith.constant 0 : i32
      %dma_wait3A_786 = tpu.memref_slice %arg4[%dma_wait3A_778, %dma_wait3A_779, %dma_wait3A_780, %dma_wait3A_784, %dma_wait3A_785] : memref<200x4x32x8x128xf32, #tpu.memory_space<hbm>> -> memref<1x1x1x8x128xf32, #tpu.memory_space<hbm>>
      %dma_wait3A_787 = tpu.memref_squeeze %dma_wait3A_786 : memref<1x1x1x8x128xf32, #tpu.memory_space<hbm>> -> memref<8x128xf32, #tpu.memory_space<hbm>>
      %dma_wait3A_788 = arith.constant 0 : i32
      %dma_wait3A_789 = arith.constant 0 : i32
      %dma_wait3A_790 = tpu.memref_slice %arg4[%dma_wait3A_778, %dma_wait3A_779, %dma_wait3A_780, %dma_wait3A_788, %dma_wait3A_789] : memref<200x4x32x8x128xf32, #tpu.memory_space<hbm>> -> memref<1x1x1x8x128xf32, #tpu.memory_space<hbm>>
      %dma_wait3A_791 = tpu.memref_squeeze %dma_wait3A_790 : memref<1x1x1x8x128xf32, #tpu.memory_space<hbm>> -> memref<8x128xf32, #tpu.memory_space<hbm>>
      %dma_wait3A_792 = arith.constant 0 : i32
      %dma_wait3A_793 = arith.constant 0 : i32
      %dma_wait3A_794 = tpu.memref_slice %arg9[%dma_wait3A_792, %dma_wait3A_793] : memref<32x129xf32, #tpu.memory_space<vmem>> -> memref<8x128xf32, #tpu.memory_space<vmem>>
      tpu.wait_dma2 semaphore(%arg13 : memref<!tpu.dma_semaphore, #tpu.memory_space<semaphore_mem>>) src(%dma_wait3A_794 : memref<8x128xf32, #tpu.memory_space<vmem>>) dst(%dma_wait3A_791 : memref<8x128xf32, #tpu.memory_space<hbm>>)
      %dma_wait3A_795 = arith.constant 0 : i32
      %dma_wait3A_796 = arith.constant 0 : i32
      %dma_wait3A_797 = arith.constant 0 : i32
      %dma_wait3A_798 = arith.constant 8 : i32
      %dma_wait3A_799 = arith.constant 0 : i32
      %dma_wait3A_800 = tpu.memref_slice %arg9[%dma_wait3A_798, %dma_wait3A_799] : memref<32x129xf32, #tpu.memory_space<vmem>> -> memref<8x128xf32, #tpu.memory_space<vmem>>
      %dma_wait3A_801 = arith.constant 0 : i32
      %dma_wait3A_802 = arith.constant 0 : i32
      %dma_wait3A_803 = tpu.memref_slice %arg4[%dma_wait3A_795, %dma_wait3A_796, %dma_wait3A_797, %dma_wait3A_801, %dma_wait3A_802] : memref<200x4x32x8x128xf32, #tpu.memory_space<hbm>> -> memref<1x1x1x8x128xf32, #tpu.memory_space<hbm>>
      %dma_wait3A_804 = tpu.memref_squeeze %dma_wait3A_803 : memref<1x1x1x8x128xf32, #tpu.memory_space<hbm>> -> memref<8x128xf32, #tpu.memory_space<hbm>>
      %dma_wait3A_805 = arith.constant 0 : i32
      %dma_wait3A_806 = arith.constant 0 : i32
      %dma_wait3A_807 = tpu.memref_slice %arg4[%dma_wait3A_795, %dma_wait3A_796, %dma_wait3A_797, %dma_wait3A_805, %dma_wait3A_806] : memref<200x4x32x8x128xf32, #tpu.memory_space<hbm>> -> memref<1x1x1x8x128xf32, #tpu.memory_space<hbm>>
      %dma_wait3A_808 = tpu.memref_squeeze %dma_wait3A_807 : memref<1x1x1x8x128xf32, #tpu.memory_space<hbm>> -> memref<8x128xf32, #tpu.memory_space<hbm>>
      %dma_wait3A_809 = arith.constant 8 : i32
      %dma_wait3A_810 = arith.constant 0 : i32
      %dma_wait3A_811 = tpu.memref_slice %arg9[%dma_wait3A_809, %dma_wait3A_810] : memref<32x129xf32, #tpu.memory_space<vmem>> -> memref<8x128xf32, #tpu.memory_space<vmem>>
      tpu.wait_dma2 semaphore(%arg13 : memref<!tpu.dma_semaphore, #tpu.memory_space<semaphore_mem>>) src(%dma_wait3A_811 : memref<8x128xf32, #tpu.memory_space<vmem>>) dst(%dma_wait3A_808 : memref<8x128xf32, #tpu.memory_space<hbm>>)
      %dma_wait3A_812 = arith.constant 0 : i32
      %dma_wait3A_813 = arith.constant 0 : i32
      %dma_wait3A_814 = arith.constant 0 : i32
      %dma_wait3A_815 = arith.constant 16 : i32
      %dma_wait3A_816 = arith.constant 0 : i32
      %dma_wait3A_817 = tpu.memref_slice %arg9[%dma_wait3A_815, %dma_wait3A_816] : memref<32x129xf32, #tpu.memory_space<vmem>> -> memref<8x128xf32, #tpu.memory_space<vmem>>
      %dma_wait3A_818 = arith.constant 0 : i32
      %dma_wait3A_819 = arith.constant 0 : i32
      %dma_wait3A_820 = tpu.memref_slice %arg4[%dma_wait3A_812, %dma_wait3A_813, %dma_wait3A_814, %dma_wait3A_818, %dma_wait3A_819] : memref<200x4x32x8x128xf32, #tpu.memory_space<hbm>> -> memref<1x1x1x8x128xf32, #tpu.memory_space<hbm>>
      %dma_wait3A_821 = tpu.memref_squeeze %dma_wait3A_820 : memref<1x1x1x8x128xf32, #tpu.memory_space<hbm>> -> memref<8x128xf32, #tpu.memory_space<hbm>>
      %dma_wait3A_822 = arith.constant 0 : i32
      %dma_wait3A_823 = arith.constant 0 : i32
      %dma_wait3A_824 = tpu.memref_slice %arg4[%dma_wait3A_812, %dma_wait3A_813, %dma_wait3A_814, %dma_wait3A_822, %dma_wait3A_823] : memref<200x4x32x8x128xf32, #tpu.memory_space<hbm>> -> memref<1x1x1x8x128xf32, #tpu.memory_space<hbm>>
      %dma_wait3A_825 = tpu.memref_squeeze %dma_wait3A_824 : memref<1x1x1x8x128xf32, #tpu.memory_space<hbm>> -> memref<8x128xf32, #tpu.memory_space<hbm>>
      %dma_wait3A_826 = arith.constant 16 : i32
      %dma_wait3A_827 = arith.constant 0 : i32
      %dma_wait3A_828 = tpu.memref_slice %arg9[%dma_wait3A_826, %dma_wait3A_827] : memref<32x129xf32, #tpu.memory_space<vmem>> -> memref<8x128xf32, #tpu.memory_space<vmem>>
      tpu.wait_dma2 semaphore(%arg13 : memref<!tpu.dma_semaphore, #tpu.memory_space<semaphore_mem>>) src(%dma_wait3A_828 : memref<8x128xf32, #tpu.memory_space<vmem>>) dst(%dma_wait3A_825 : memref<8x128xf32, #tpu.memory_space<hbm>>)
      %dma_wait3A_829 = arith.constant 0 : i32
      %dma_wait3A_830 = arith.constant 0 : i32
      %dma_wait3A_831 = arith.constant 0 : i32
      %dma_wait3A_832 = arith.constant 24 : i32
      %dma_wait3A_833 = arith.constant 0 : i32
      %dma_wait3A_834 = tpu.memref_slice %arg9[%dma_wait3A_832, %dma_wait3A_833] : memref<32x129xf32, #tpu.memory_space<vmem>> -> memref<8x128xf32, #tpu.memory_space<vmem>>
      %dma_wait3A_835 = arith.constant 0 : i32
      %dma_wait3A_836 = arith.constant 0 : i32
      %dma_wait3A_837 = tpu.memref_slice %arg4[%dma_wait3A_829, %dma_wait3A_830, %dma_wait3A_831, %dma_wait3A_835, %dma_wait3A_836] : memref<200x4x32x8x128xf32, #tpu.memory_space<hbm>> -> memref<1x1x1x8x128xf32, #tpu.memory_space<hbm>>
      %dma_wait3A_838 = tpu.memref_squeeze %dma_wait3A_837 : memref<1x1x1x8x128xf32, #tpu.memory_space<hbm>> -> memref<8x128xf32, #tpu.memory_space<hbm>>
      %dma_wait3A_839 = arith.constant 0 : i32
      %dma_wait3A_840 = arith.constant 0 : i32
      %dma_wait3A_841 = tpu.memref_slice %arg4[%dma_wait3A_829, %dma_wait3A_830, %dma_wait3A_831, %dma_wait3A_839, %dma_wait3A_840] : memref<200x4x32x8x128xf32, #tpu.memory_space<hbm>> -> memref<1x1x1x8x128xf32, #tpu.memory_space<hbm>>
      %dma_wait3A_842 = tpu.memref_squeeze %dma_wait3A_841 : memref<1x1x1x8x128xf32, #tpu.memory_space<hbm>> -> memref<8x128xf32, #tpu.memory_space<hbm>>
      %dma_wait3A_843 = arith.constant 24 : i32
      %dma_wait3A_844 = arith.constant 0 : i32
      %dma_wait3A_845 = tpu.memref_slice %arg9[%dma_wait3A_843, %dma_wait3A_844] : memref<32x129xf32, #tpu.memory_space<vmem>> -> memref<8x128xf32, #tpu.memory_space<vmem>>
      tpu.wait_dma2 semaphore(%arg13 : memref<!tpu.dma_semaphore, #tpu.memory_space<semaphore_mem>>) src(%dma_wait3A_845 : memref<8x128xf32, #tpu.memory_space<vmem>>) dst(%dma_wait3A_842 : memref<8x128xf32, #tpu.memory_space<hbm>>)
      %scan3A_846 = arith.constant 0 : i32
      %scan3A_847 = arith.constant 0 : i32
      %scan3A_848 = arith.constant 16 : i32
      %scan3A_849 = arith.addi %scan3A_847, %scan3A_848 : i32
      %scan3A_850 = arith.constant 1 : i32
      scf.for %scan3A_914 = %scan3A_847 to %scan3A_849 step %scan3A_850  : i32 {
        %mul3A_915 = arith.constant 8 : i32
        %mul3A_916 = arith.muli %scan3A_914, %mul3A_915 : i32
        %add3A_917 = arith.constant 0 : i32
        %add3A_918 = arith.addi %mul3A_916, %add3A_917 : i32
        %broadcast_in_dim3A = vector.broadcast %add3A_918 : i32 to vector<16xi32>
        %get3A = arith.index_cast %add3A_918 : i32 to index
        %get3A_919 = arith.constant 0 : index
        %get3A_920 = tpu.vector_load %arg7[%get3A, %get3A_919] {strides = array<i32>} : memref<128x32xf32, #tpu.memory_space<vmem>>, vector<16xf32>,
        %get3A_921 = arith.index_cast %add3A_918 : i32 to index
        %get3A_922 = arith.constant 16 : index
        %get3A_923 = tpu.vector_load %arg7[%get3A_921, %get3A_922] {strides = array<i32>} : memref<128x32xf32, #tpu.memory_space<vmem>>, vector<16xf32>,
        tpu.vector_store_idx %arg9[%iota3A, %broadcast_in_dim3A], %get3A_920 : memref<32x129xf32, #tpu.memory_space<vmem>>[vector<16xi32>, vector<16xi32>], vector<16xf32>,
        tpu.vector_store_idx %arg9[%add3A_5, %broadcast_in_dim3A], %get3A_923 : memref<32x129xf32, #tpu.memory_space<vmem>>[vector<16xi32>, vector<16xi32>], vector<16xf32>,
        %add3A_924 = arith.constant 1 : i32
        %add3A_925 = arith.addi %mul3A_916, %add3A_924 : i32
        %broadcast_in_dim3A_926 = vector.broadcast %add3A_925 : i32 to vector<16xi32>
        %get3A_927 = arith.index_cast %add3A_925 : i32 to index
        %get3A_928 = arith.constant 0 : index
        %get3A_929 = tpu.vector_load %arg7[%get3A_927, %get3A_928] {strides = array<i32>} : memref<128x32xf32, #tpu.memory_space<vmem>>, vector<16xf32>,
        %get3A_930 = arith.index_cast %add3A_925 : i32 to index
        %get3A_931 = arith.constant 16 : index
        %get3A_932 = tpu.vector_load %arg7[%get3A_930, %get3A_931] {strides = array<i32>} : memref<128x32xf32, #tpu.memory_space<vmem>>, vector<16xf32>,
        tpu.vector_store_idx %arg9[%iota3A, %broadcast_in_dim3A_926], %get3A_929 : memref<32x129xf32, #tpu.memory_space<vmem>>[vector<16xi32>, vector<16xi32>], vector<16xf32>,
        tpu.vector_store_idx %arg9[%add3A_5, %broadcast_in_dim3A_926], %get3A_932 : memref<32x129xf32, #tpu.memory_space<vmem>>[vector<16xi32>, vector<16xi32>], vector<16xf32>,
        %add3A_933 = arith.constant 2 : i32
        %add3A_934 = arith.addi %mul3A_916, %add3A_933 : i32
        %broadcast_in_dim3A_935 = vector.broadcast %add3A_934 : i32 to vector<16xi32>
        %get3A_936 = arith.index_cast %add3A_934 : i32 to index
        %get3A_937 = arith.constant 0 : index
        %get3A_938 = tpu.vector_load %arg7[%get3A_936, %get3A_937] {strides = array<i32>} : memref<128x32xf32, #tpu.memory_space<vmem>>, vector<16xf32>,
        %get3A_939 = arith.index_cast %add3A_934 : i32 to index
        %get3A_940 = arith.constant 16 : index
        %get3A_941 = tpu.vector_load %arg7[%get3A_939, %get3A_940] {strides = array<i32>} : memref<128x32xf32, #tpu.memory_space<vmem>>, vector<16xf32>,
        tpu.vector_store_idx %arg9[%iota3A, %broadcast_in_dim3A_935], %get3A_938 : memref<32x129xf32, #tpu.memory_space<vmem>>[vector<16xi32>, vector<16xi32>], vector<16xf32>,
        tpu.vector_store_idx %arg9[%add3A_5, %broadcast_in_dim3A_935], %get3A_941 : memref<32x129xf32, #tpu.memory_space<vmem>>[vector<16xi32>, vector<16xi32>], vector<16xf32>,
        %add3A_942 = arith.constant 3 : i32
        %add3A_943 = arith.addi %mul3A_916, %add3A_942 : i32
        %broadcast_in_dim3A_944 = vector.broadcast %add3A_943 : i32 to vector<16xi32>
        %get3A_945 = arith.index_cast %add3A_943 : i32 to index
        %get3A_946 = arith.constant 0 : index
        %get3A_947 = tpu.vector_load %arg7[%get3A_945, %get3A_946] {strides = array<i32>} : memref<128x32xf32, #tpu.memory_space<vmem>>, vector<16xf32>,
        %get3A_948 = arith.index_cast %add3A_943 : i32 to index
        %get3A_949 = arith.constant 16 : index
        %get3A_950 = tpu.vector_load %arg7[%get3A_948, %get3A_949] {strides = array<i32>} : memref<128x32xf32, #tpu.memory_space<vmem>>, vector<16xf32>,
        tpu.vector_store_idx %arg9[%iota3A, %broadcast_in_dim3A_944], %get3A_947 : memref<32x129xf32, #tpu.memory_space<vmem>>[vector<16xi32>, vector<16xi32>], vector<16xf32>,
        tpu.vector_store_idx %arg9[%add3A_5, %broadcast_in_dim3A_944], %get3A_950 : memref<32x129xf32, #tpu.memory_space<vmem>>[vector<16xi32>, vector<16xi32>], vector<16xf32>,
        %add3A_951 = arith.constant 4 : i32
        %add3A_952 = arith.addi %mul3A_916, %add3A_951 : i32
        %broadcast_in_dim3A_953 = vector.broadcast %add3A_952 : i32 to vector<16xi32>
        %get3A_954 = arith.index_cast %add3A_952 : i32 to index
        %get3A_955 = arith.constant 0 : index
        %get3A_956 = tpu.vector_load %arg7[%get3A_954, %get3A_955] {strides = array<i32>} : memref<128x32xf32, #tpu.memory_space<vmem>>, vector<16xf32>,
        %get3A_957 = arith.index_cast %add3A_952 : i32 to index
        %get3A_958 = arith.constant 16 : index
        %get3A_959 = tpu.vector_load %arg7[%get3A_957, %get3A_958] {strides = array<i32>} : memref<128x32xf32, #tpu.memory_space<vmem>>, vector<16xf32>,
        tpu.vector_store_idx %arg9[%iota3A, %broadcast_in_dim3A_953], %get3A_956 : memref<32x129xf32, #tpu.memory_space<vmem>>[vector<16xi32>, vector<16xi32>], vector<16xf32>,
        tpu.vector_store_idx %arg9[%add3A_5, %broadcast_in_dim3A_953], %get3A_959 : memref<32x129xf32, #tpu.memory_space<vmem>>[vector<16xi32>, vector<16xi32>], vector<16xf32>,
        %add3A_960 = arith.constant 5 : i32
        %add3A_961 = arith.addi %mul3A_916, %add3A_960 : i32
        %broadcast_in_dim3A_962 = vector.broadcast %add3A_961 : i32 to vector<16xi32>
        %get3A_963 = arith.index_cast %add3A_961 : i32 to index
        %get3A_964 = arith.constant 0 : index
        %get3A_965 = tpu.vector_load %arg7[%get3A_963, %get3A_964] {strides = array<i32>} : memref<128x32xf32, #tpu.memory_space<vmem>>, vector<16xf32>,
        %get3A_966 = arith.index_cast %add3A_961 : i32 to index
        %get3A_967 = arith.constant 16 : index
        %get3A_968 = tpu.vector_load %arg7[%get3A_966, %get3A_967] {strides = array<i32>} : memref<128x32xf32, #tpu.memory_space<vmem>>, vector<16xf32>,
        tpu.vector_store_idx %arg9[%iota3A, %broadcast_in_dim3A_962], %get3A_965 : memref<32x129xf32, #tpu.memory_space<vmem>>[vector<16xi32>, vector<16xi32>], vector<16xf32>,
        tpu.vector_store_idx %arg9[%add3A_5, %broadcast_in_dim3A_962], %get3A_968 : memref<32x129xf32, #tpu.memory_space<vmem>>[vector<16xi32>, vector<16xi32>], vector<16xf32>,
        %add3A_969 = arith.constant 6 : i32
        %add3A_970 = arith.addi %mul3A_916, %add3A_969 : i32
        %broadcast_in_dim3A_971 = vector.broadcast %add3A_970 : i32 to vector<16xi32>
        %get3A_972 = arith.index_cast %add3A_970 : i32 to index
        %get3A_973 = arith.constant 0 : index
        %get3A_974 = tpu.vector_load %arg7[%get3A_972, %get3A_973] {strides = array<i32>} : memref<128x32xf32, #tpu.memory_space<vmem>>, vector<16xf32>,
        %get3A_975 = arith.index_cast %add3A_970 : i32 to index
        %get3A_976 = arith.constant 16 : index
        %get3A_977 = tpu.vector_load %arg7[%get3A_975, %get3A_976] {strides = array<i32>} : memref<128x32xf32, #tpu.memory_space<vmem>>, vector<16xf32>,
        tpu.vector_store_idx %arg9[%iota3A, %broadcast_in_dim3A_971], %get3A_974 : memref<32x129xf32, #tpu.memory_space<vmem>>[vector<16xi32>, vector<16xi32>], vector<16xf32>,
        tpu.vector_store_idx %arg9[%add3A_5, %broadcast_in_dim3A_971], %get3A_977 : memref<32x129xf32, #tpu.memory_space<vmem>>[vector<16xi32>, vector<16xi32>], vector<16xf32>,
        %add3A_978 = arith.constant 7 : i32
        %add3A_979 = arith.addi %mul3A_916, %add3A_978 : i32
        %broadcast_in_dim3A_980 = vector.broadcast %add3A_979 : i32 to vector<16xi32>
        %get3A_981 = arith.index_cast %add3A_979 : i32 to index
        %get3A_982 = arith.constant 0 : index
        %get3A_983 = tpu.vector_load %arg7[%get3A_981, %get3A_982] {strides = array<i32>} : memref<128x32xf32, #tpu.memory_space<vmem>>, vector<16xf32>,
        %get3A_984 = arith.index_cast %add3A_979 : i32 to index
        %get3A_985 = arith.constant 16 : index
        %get3A_986 = tpu.vector_load %arg7[%get3A_984, %get3A_985] {strides = array<i32>} : memref<128x32xf32, #tpu.memory_space<vmem>>, vector<16xf32>,
        tpu.vector_store_idx %arg9[%iota3A, %broadcast_in_dim3A_980], %get3A_983 : memref<32x129xf32, #tpu.memory_space<vmem>>[vector<16xi32>, vector<16xi32>], vector<16xf32>,
        tpu.vector_store_idx %arg9[%add3A_5, %broadcast_in_dim3A_980], %get3A_986 : memref<32x129xf32, #tpu.memory_space<vmem>>[vector<16xi32>, vector<16xi32>], vector<16xf32>,
      }
      %scan3A_851 = arith.constant 16 : i32
      %add3A_852 = arith.constant 1 : i32
      %add3A_853 = arith.addi %mul3A_615, %add3A_852 : i32
      %dma_start3A_854 = arith.constant 0 : i32
      %dma_start3A_855 = arith.constant 0 : i32
      %dma_start3A_856 = arith.constant 0 : i32
      %dma_start3A_857 = tpu.memref_slice %arg9[%dma_start3A_855, %dma_start3A_856] : memref<32x129xf32, #tpu.memory_space<vmem>> -> memref<8x128xf32, #tpu.memory_space<vmem>>
      %dma_start3A_858 = arith.constant 0 : i32
      %dma_start3A_859 = arith.constant 0 : i32
      %dma_start3A_860 = tpu.memref_slice %arg4[%add3A_853, %dma_start3A_854, %add3A, %dma_start3A_858, %dma_start3A_859] : memref<200x4x32x8x128xf32, #tpu.memory_space<hbm>> -> memref<1x1x1x8x128xf32, #tpu.memory_space<hbm>>
      %dma_start3A_861 = tpu.memref_squeeze %dma_start3A_860 : memref<1x1x1x8x128xf32, #tpu.memory_space<hbm>> -> memref<8x128xf32, #tpu.memory_space<hbm>>
      %dma_start3A_862 = arith.constant 0 : i32
      %dma_start3A_863 = arith.constant 0 : i32
      %dma_start3A_864 = tpu.memref_slice %arg4[%add3A_853, %dma_start3A_854, %add3A, %dma_start3A_862, %dma_start3A_863] : memref<200x4x32x8x128xf32, #tpu.memory_space<hbm>> -> memref<1x1x1x8x128xf32, #tpu.memory_space<hbm>>
      %dma_start3A_865 = tpu.memref_squeeze %dma_start3A_864 : memref<1x1x1x8x128xf32, #tpu.memory_space<hbm>> -> memref<8x128xf32, #tpu.memory_space<hbm>>
      %dma_start3A_866 = arith.constant 0 : i32
      %dma_start3A_867 = arith.constant 0 : i32
      %dma_start3A_868 = tpu.memref_slice %arg9[%dma_start3A_866, %dma_start3A_867] : memref<32x129xf32, #tpu.memory_space<vmem>> -> memref<8x128xf32, #tpu.memory_space<vmem>>
      tpu.enqueue_dma source(%dma_start3A_868 : memref<8x128xf32, #tpu.memory_space<vmem>>) target(%dma_start3A_865 : memref<8x128xf32, #tpu.memory_space<hbm>>) target_semaphore(%arg13 : memref<!tpu.dma_semaphore, #tpu.memory_space<semaphore_mem>>)
      %dma_start3A_869 = arith.constant 1 : i32
      %dma_start3A_870 = arith.constant 8 : i32
      %dma_start3A_871 = arith.constant 0 : i32
      %dma_start3A_872 = tpu.memref_slice %arg9[%dma_start3A_870, %dma_start3A_871] : memref<32x129xf32, #tpu.memory_space<vmem>> -> memref<8x128xf32, #tpu.memory_space<vmem>>
      %dma_start3A_873 = arith.constant 0 : i32
      %dma_start3A_874 = arith.constant 0 : i32
      %dma_start3A_875 = tpu.memref_slice %arg4[%add3A_853, %dma_start3A_869, %add3A, %dma_start3A_873, %dma_start3A_874] : memref<200x4x32x8x128xf32, #tpu.memory_space<hbm>> -> memref<1x1x1x8x128xf32, #tpu.memory_space<hbm>>
      %dma_start3A_876 = tpu.memref_squeeze %dma_start3A_875 : memref<1x1x1x8x128xf32, #tpu.memory_space<hbm>> -> memref<8x128xf32, #tpu.memory_space<hbm>>
      %dma_start3A_877 = arith.constant 0 : i32
      %dma_start3A_878 = arith.constant 0 : i32
      %dma_start3A_879 = tpu.memref_slice %arg4[%add3A_853, %dma_start3A_869, %add3A, %dma_start3A_877, %dma_start3A_878] : memref<200x4x32x8x128xf32, #tpu.memory_space<hbm>> -> memref<1x1x1x8x128xf32, #tpu.memory_space<hbm>>
      %dma_start3A_880 = tpu.memref_squeeze %dma_start3A_879 : memref<1x1x1x8x128xf32, #tpu.memory_space<hbm>> -> memref<8x128xf32, #tpu.memory_space<hbm>>
      %dma_start3A_881 = arith.constant 8 : i32
      %dma_start3A_882 = arith.constant 0 : i32
      %dma_start3A_883 = tpu.memref_slice %arg9[%dma_start3A_881, %dma_start3A_882] : memref<32x129xf32, #tpu.memory_space<vmem>> -> memref<8x128xf32, #tpu.memory_space<vmem>>
      tpu.enqueue_dma source(%dma_start3A_883 : memref<8x128xf32, #tpu.memory_space<vmem>>) target(%dma_start3A_880 : memref<8x128xf32, #tpu.memory_space<hbm>>) target_semaphore(%arg13 : memref<!tpu.dma_semaphore, #tpu.memory_space<semaphore_mem>>)
      %dma_start3A_884 = arith.constant 2 : i32
      %dma_start3A_885 = arith.constant 16 : i32
      %dma_start3A_886 = arith.constant 0 : i32
      %dma_start3A_887 = tpu.memref_slice %arg9[%dma_start3A_885, %dma_start3A_886] : memref<32x129xf32, #tpu.memory_space<vmem>> -> memref<8x128xf32, #tpu.memory_space<vmem>>
      %dma_start3A_888 = arith.constant 0 : i32
      %dma_start3A_889 = arith.constant 0 : i32
      %dma_start3A_890 = tpu.memref_slice %arg4[%add3A_853, %dma_start3A_884, %add3A, %dma_start3A_888, %dma_start3A_889] : memref<200x4x32x8x128xf32, #tpu.memory_space<hbm>> -> memref<1x1x1x8x128xf32, #tpu.memory_space<hbm>>
      %dma_start3A_891 = tpu.memref_squeeze %dma_start3A_890 : memref<1x1x1x8x128xf32, #tpu.memory_space<hbm>> -> memref<8x128xf32, #tpu.memory_space<hbm>>
      %dma_start3A_892 = arith.constant 0 : i32
      %dma_start3A_893 = arith.constant 0 : i32
      %dma_start3A_894 = tpu.memref_slice %arg4[%add3A_853, %dma_start3A_884, %add3A, %dma_start3A_892, %dma_start3A_893] : memref<200x4x32x8x128xf32, #tpu.memory_space<hbm>> -> memref<1x1x1x8x128xf32, #tpu.memory_space<hbm>>
      %dma_start3A_895 = tpu.memref_squeeze %dma_start3A_894 : memref<1x1x1x8x128xf32, #tpu.memory_space<hbm>> -> memref<8x128xf32, #tpu.memory_space<hbm>>
      %dma_start3A_896 = arith.constant 16 : i32
      %dma_start3A_897 = arith.constant 0 : i32
      %dma_start3A_898 = tpu.memref_slice %arg9[%dma_start3A_896, %dma_start3A_897] : memref<32x129xf32, #tpu.memory_space<vmem>> -> memref<8x128xf32, #tpu.memory_space<vmem>>
      tpu.enqueue_dma source(%dma_start3A_898 : memref<8x128xf32, #tpu.memory_space<vmem>>) target(%dma_start3A_895 : memref<8x128xf32, #tpu.memory_space<hbm>>) target_semaphore(%arg13 : memref<!tpu.dma_semaphore, #tpu.memory_space<semaphore_mem>>)
      %dma_start3A_899 = arith.constant 3 : i32
      %dma_start3A_900 = arith.constant 24 : i32
      %dma_start3A_901 = arith.constant 0 : i32
      %dma_start3A_902 = tpu.memref_slice %arg9[%dma_start3A_900, %dma_start3A_901] : memref<32x129xf32, #tpu.memory_space<vmem>> -> memref<8x128xf32, #tpu.memory_space<vmem>>
      %dma_start3A_903 = arith.constant 0 : i32
      %dma_start3A_904 = arith.constant 0 : i32
      %dma_start3A_905 = tpu.memref_slice %arg4[%add3A_853, %dma_start3A_899, %add3A, %dma_start3A_903, %dma_start3A_904] : memref<200x4x32x8x128xf32, #tpu.memory_space<hbm>> -> memref<1x1x1x8x128xf32, #tpu.memory_space<hbm>>
      %dma_start3A_906 = tpu.memref_squeeze %dma_start3A_905 : memref<1x1x1x8x128xf32, #tpu.memory_space<hbm>> -> memref<8x128xf32, #tpu.memory_space<hbm>>
      %dma_start3A_907 = arith.constant 0 : i32
      %dma_start3A_908 = arith.constant 0 : i32
      %dma_start3A_909 = tpu.memref_slice %arg4[%add3A_853, %dma_start3A_899, %add3A, %dma_start3A_907, %dma_start3A_908] : memref<200x4x32x8x128xf32, #tpu.memory_space<hbm>> -> memref<1x1x1x8x128xf32, #tpu.memory_space<hbm>>
      %dma_start3A_910 = tpu.memref_squeeze %dma_start3A_909 : memref<1x1x1x8x128xf32, #tpu.memory_space<hbm>> -> memref<8x128xf32, #tpu.memory_space<hbm>>
      %dma_start3A_911 = arith.constant 24 : i32
      %dma_start3A_912 = arith.constant 0 : i32
      %dma_start3A_913 = tpu.memref_slice %arg9[%dma_start3A_911, %dma_start3A_912] : memref<32x129xf32, #tpu.memory_space<vmem>> -> memref<8x128xf32, #tpu.memory_space<vmem>>
      tpu.enqueue_dma source(%dma_start3A_913 : memref<8x128xf32, #tpu.memory_space<vmem>>) target(%dma_start3A_910 : memref<8x128xf32, #tpu.memory_space<hbm>>) target_semaphore(%arg13 : memref<!tpu.dma_semaphore, #tpu.memory_space<semaphore_mem>>)
    }
    %scan3A_181 = arith.constant 98 : i32
    %dma_start3A_182 = arith.constant 199 : i32
    %dma_start3A_183 = arith.constant 0 : i32
    %dma_start3A_184 = tpu.memref_slice %arg5[%dma_start3A_182, %dma_start3A_183] : memref<200x128xi32, #tpu.memory_space<vmem>> -> memref<1x128xi32, #tpu.memory_space<vmem>>
    %dma_start3A_185 = tpu.memref_squeeze %dma_start3A_184 : memref<1x128xi32, #tpu.memory_space<vmem>> -> memref<128xi32, #tpu.memory_space<vmem>>
    %dma_start3A_186 = arith.constant 0 : i32
    %dma_start3A_187 = arith.constant 0 : i32
    %dma_start3A_188 = tpu.memref_slice %arg2[%dma_start3A_186, %dma_start3A_187] : memref<1000000x32xf32, #tpu.memory_space<hbm>> -> memref<1000000x32xf32, #tpu.memory_space<hbm>>
    tpu.enqueue_indirect_dma source(%dma_start3A_188 : memref<1000000x32xf32, #tpu.memory_space<hbm>>) target(%arg7 : memref<128x32xf32, #tpu.memory_space<vmem>>) offsets(%dma_start3A_185 : memref<128xi32, #tpu.memory_space<vmem>>) semaphore(%arg11 : memref<!tpu.dma_semaphore, #tpu.memory_space<semaphore_mem>>)
    %dma_wait3A_189 = arith.constant 0 : i32
    %dma_wait3A_190 = arith.constant 0 : i32
    %dma_wait3A_191 = tpu.memref_slice %arg2[%dma_wait3A_189, %dma_wait3A_190] : memref<1000000x32xf32, #tpu.memory_space<hbm>> -> memref<128x32xf32, #tpu.memory_space<hbm>>
    %dma_wait3A_192 = arith.constant 0 : i32
    %dma_wait3A_193 = arith.constant 0 : i32
    %dma_wait3A_194 = tpu.memref_slice %arg2[%dma_wait3A_192, %dma_wait3A_193] : memref<1000000x32xf32, #tpu.memory_space<hbm>> -> memref<128x32xf32, #tpu.memory_space<hbm>>
    tpu.wait_dma2 semaphore(%arg10 : memref<!tpu.dma_semaphore, #tpu.memory_space<semaphore_mem>>) src(%dma_wait3A_194 : memref<128x32xf32, #tpu.memory_space<hbm>>) dst(%arg6 : memref<128x32xf32, #tpu.memory_space<vmem>>)
    %dma_wait3A_195 = arith.constant 0 : i32
    %dma_wait3A_196 = arith.constant 0 : i32
    %dma_wait3A_197 = arith.constant 0 : i32
    %dma_wait3A_198 = arith.constant 0 : i32
    %dma_wait3A_199 = arith.constant 0 : i32
    %dma_wait3A_200 = tpu.memref_slice %arg8[%dma_wait3A_198, %dma_wait3A_199] : memref<32x129xf32, #tpu.memory_space<vmem>> -> memref<8x128xf32, #tpu.memory_space<vmem>>
    %dma_wait3A_201 = arith.constant 0 : i32
    %dma_wait3A_202 = arith.constant 0 : i32
    %dma_wait3A_203 = tpu.memref_slice %arg4[%dma_wait3A_195, %dma_wait3A_196, %dma_wait3A_197, %dma_wait3A_201, %dma_wait3A_202] : memref<200x4x32x8x128xf32, #tpu.memory_space<hbm>> -> memref<1x1x1x8x128xf32, #tpu.memory_space<hbm>>
    %dma_wait3A_204 = tpu.memref_squeeze %dma_wait3A_203 : memref<1x1x1x8x128xf32, #tpu.memory_space<hbm>> -> memref<8x128xf32, #tpu.memory_space<hbm>>
    %dma_wait3A_205 = arith.constant 0 : i32
    %dma_wait3A_206 = arith.constant 0 : i32
    %dma_wait3A_207 = tpu.memref_slice %arg4[%dma_wait3A_195, %dma_wait3A_196, %dma_wait3A_197, %dma_wait3A_205, %dma_wait3A_206] : memref<200x4x32x8x128xf32, #tpu.memory_space<hbm>> -> memref<1x1x1x8x128xf32, #tpu.memory_space<hbm>>
    %dma_wait3A_208 = tpu.memref_squeeze %dma_wait3A_207 : memref<1x1x1x8x128xf32, #tpu.memory_space<hbm>> -> memref<8x128xf32, #tpu.memory_space<hbm>>
    %dma_wait3A_209 = arith.constant 0 : i32
    %dma_wait3A_210 = arith.constant 0 : i32
    %dma_wait3A_211 = tpu.memref_slice %arg8[%dma_wait3A_209, %dma_wait3A_210] : memref<32x129xf32, #tpu.memory_space<vmem>> -> memref<8x128xf32, #tpu.memory_space<vmem>>
    tpu.wait_dma2 semaphore(%arg12 : memref<!tpu.dma_semaphore, #tpu.memory_space<semaphore_mem>>) src(%dma_wait3A_211 : memref<8x128xf32, #tpu.memory_space<vmem>>) dst(%dma_wait3A_208 : memref<8x128xf32, #tpu.memory_space<hbm>>)
    %dma_wait3A_212 = arith.constant 0 : i32
    %dma_wait3A_213 = arith.constant 0 : i32
    %dma_wait3A_214 = arith.constant 0 : i32
    %dma_wait3A_215 = arith.constant 8 : i32
    %dma_wait3A_216 = arith.constant 0 : i32
    %dma_wait3A_217 = tpu.memref_slice %arg8[%dma_wait3A_215, %dma_wait3A_216] : memref<32x129xf32, #tpu.memory_space<vmem>> -> memref<8x128xf32, #tpu.memory_space<vmem>>
    %dma_wait3A_218 = arith.constant 0 : i32
    %dma_wait3A_219 = arith.constant 0 : i32
    %dma_wait3A_220 = tpu.memref_slice %arg4[%dma_wait3A_212, %dma_wait3A_213, %dma_wait3A_214, %dma_wait3A_218, %dma_wait3A_219] : memref<200x4x32x8x128xf32, #tpu.memory_space<hbm>> -> memref<1x1x1x8x128xf32, #tpu.memory_space<hbm>>
    %dma_wait3A_221 = tpu.memref_squeeze %dma_wait3A_220 : memref<1x1x1x8x128xf32, #tpu.memory_space<hbm>> -> memref<8x128xf32, #tpu.memory_space<hbm>>
    %dma_wait3A_222 = arith.constant 0 : i32
    %dma_wait3A_223 = arith.constant 0 : i32
    %dma_wait3A_224 = tpu.memref_slice %arg4[%dma_wait3A_212, %dma_wait3A_213, %dma_wait3A_214, %dma_wait3A_222, %dma_wait3A_223] : memref<200x4x32x8x128xf32, #tpu.memory_space<hbm>> -> memref<1x1x1x8x128xf32, #tpu.memory_space<hbm>>
    %dma_wait3A_225 = tpu.memref_squeeze %dma_wait3A_224 : memref<1x1x1x8x128xf32, #tpu.memory_space<hbm>> -> memref<8x128xf32, #tpu.memory_space<hbm>>
    %dma_wait3A_226 = arith.constant 8 : i32
    %dma_wait3A_227 = arith.constant 0 : i32
    %dma_wait3A_228 = tpu.memref_slice %arg8[%dma_wait3A_226, %dma_wait3A_227] : memref<32x129xf32, #tpu.memory_space<vmem>> -> memref<8x128xf32, #tpu.memory_space<vmem>>
    tpu.wait_dma2 semaphore(%arg12 : memref<!tpu.dma_semaphore, #tpu.memory_space<semaphore_mem>>) src(%dma_wait3A_228 : memref<8x128xf32, #tpu.memory_space<vmem>>) dst(%dma_wait3A_225 : memref<8x128xf32, #tpu.memory_space<hbm>>)
    %dma_wait3A_229 = arith.constant 0 : i32
    %dma_wait3A_230 = arith.constant 0 : i32
    %dma_wait3A_231 = arith.constant 0 : i32
    %dma_wait3A_232 = arith.constant 16 : i32
    %dma_wait3A_233 = arith.constant 0 : i32
    %dma_wait3A_234 = tpu.memref_slice %arg8[%dma_wait3A_232, %dma_wait3A_233] : memref<32x129xf32, #tpu.memory_space<vmem>> -> memref<8x128xf32, #tpu.memory_space<vmem>>
    %dma_wait3A_235 = arith.constant 0 : i32
    %dma_wait3A_236 = arith.constant 0 : i32
    %dma_wait3A_237 = tpu.memref_slice %arg4[%dma_wait3A_229, %dma_wait3A_230, %dma_wait3A_231, %dma_wait3A_235, %dma_wait3A_236] : memref<200x4x32x8x128xf32, #tpu.memory_space<hbm>> -> memref<1x1x1x8x128xf32, #tpu.memory_space<hbm>>
    %dma_wait3A_238 = tpu.memref_squeeze %dma_wait3A_237 : memref<1x1x1x8x128xf32, #tpu.memory_space<hbm>> -> memref<8x128xf32, #tpu.memory_space<hbm>>
    %dma_wait3A_239 = arith.constant 0 : i32
    %dma_wait3A_240 = arith.constant 0 : i32
    %dma_wait3A_241 = tpu.memref_slice %arg4[%dma_wait3A_229, %dma_wait3A_230, %dma_wait3A_231, %dma_wait3A_239, %dma_wait3A_240] : memref<200x4x32x8x128xf32, #tpu.memory_space<hbm>> -> memref<1x1x1x8x128xf32, #tpu.memory_space<hbm>>
    %dma_wait3A_242 = tpu.memref_squeeze %dma_wait3A_241 : memref<1x1x1x8x128xf32, #tpu.memory_space<hbm>> -> memref<8x128xf32, #tpu.memory_space<hbm>>
    %dma_wait3A_243 = arith.constant 16 : i32
    %dma_wait3A_244 = arith.constant 0 : i32
    %dma_wait3A_245 = tpu.memref_slice %arg8[%dma_wait3A_243, %dma_wait3A_244] : memref<32x129xf32, #tpu.memory_space<vmem>> -> memref<8x128xf32, #tpu.memory_space<vmem>>
    tpu.wait_dma2 semaphore(%arg12 : memref<!tpu.dma_semaphore, #tpu.memory_space<semaphore_mem>>) src(%dma_wait3A_245 : memref<8x128xf32, #tpu.memory_space<vmem>>) dst(%dma_wait3A_242 : memref<8x128xf32, #tpu.memory_space<hbm>>)
    %dma_wait3A_246 = arith.constant 0 : i32
    %dma_wait3A_247 = arith.constant 0 : i32
    %dma_wait3A_248 = arith.constant 0 : i32
    %dma_wait3A_249 = arith.constant 24 : i32
    %dma_wait3A_250 = arith.constant 0 : i32
    %dma_wait3A_251 = tpu.memref_slice %arg8[%dma_wait3A_249, %dma_wait3A_250] : memref<32x129xf32, #tpu.memory_space<vmem>> -> memref<8x128xf32, #tpu.memory_space<vmem>>
    %dma_wait3A_252 = arith.constant 0 : i32
    %dma_wait3A_253 = arith.constant 0 : i32
    %dma_wait3A_254 = tpu.memref_slice %arg4[%dma_wait3A_246, %dma_wait3A_247, %dma_wait3A_248, %dma_wait3A_252, %dma_wait3A_253] : memref<200x4x32x8x128xf32, #tpu.memory_space<hbm>> -> memref<1x1x1x8x128xf32, #tpu.memory_space<hbm>>
    %dma_wait3A_255 = tpu.memref_squeeze %dma_wait3A_254 : memref<1x1x1x8x128xf32, #tpu.memory_space<hbm>> -> memref<8x128xf32, #tpu.memory_space<hbm>>
    %dma_wait3A_256 = arith.constant 0 : i32
    %dma_wait3A_257 = arith.constant 0 : i32
    %dma_wait3A_258 = tpu.memref_slice %arg4[%dma_wait3A_246, %dma_wait3A_247, %dma_wait3A_248, %dma_wait3A_256, %dma_wait3A_257] : memref<200x4x32x8x128xf32, #tpu.memory_space<hbm>> -> memref<1x1x1x8x128xf32, #tpu.memory_space<hbm>>
    %dma_wait3A_259 = tpu.memref_squeeze %dma_wait3A_258 : memref<1x1x1x8x128xf32, #tpu.memory_space<hbm>> -> memref<8x128xf32, #tpu.memory_space<hbm>>
    %dma_wait3A_260 = arith.constant 24 : i32
    %dma_wait3A_261 = arith.constant 0 : i32
    %dma_wait3A_262 = tpu.memref_slice %arg8[%dma_wait3A_260, %dma_wait3A_261] : memref<32x129xf32, #tpu.memory_space<vmem>> -> memref<8x128xf32, #tpu.memory_space<vmem>>
    tpu.wait_dma2 semaphore(%arg12 : memref<!tpu.dma_semaphore, #tpu.memory_space<semaphore_mem>>) src(%dma_wait3A_262 : memref<8x128xf32, #tpu.memory_space<vmem>>) dst(%dma_wait3A_259 : memref<8x128xf32, #tpu.memory_space<hbm>>)
    %scan3A_263 = arith.constant 0 : i32
    %scan3A_264 = arith.constant 0 : i32
    %scan3A_265 = arith.constant 16 : i32
    %scan3A_266 = arith.addi %scan3A_264, %scan3A_265 : i32
    %scan3A_267 = arith.constant 1 : i32
    scf.for %scan3A_613 = %scan3A_264 to %scan3A_266 step %scan3A_267  : i32 {
      %mul3A_614 = arith.constant 8 : i32
      %mul3A_615 = arith.muli %scan3A_613, %mul3A_614 : i32
      %add3A_616 = arith.constant 0 : i32
      %add3A_617 = arith.addi %mul3A_615, %add3A_616 : i32
      %broadcast_in_dim3A = vector.broadcast %add3A_617 : i32 to vector<16xi32>
      %get3A = arith.index_cast %add3A_617 : i32 to index
      %get3A_618 = arith.constant 0 : index
      %get3A_619 = tpu.vector_load %arg6[%get3A, %get3A_618] {strides = array<i32>} : memref<128x32xf32, #tpu.memory_space<vmem>>, vector<16xf32>,
      %get3A_620 = arith.index_cast %add3A_617 : i32 to index
      %get3A_621 = arith.constant 16 : index
      %get3A_622 = tpu.vector_load %arg6[%get3A_620, %get3A_621] {strides = array<i32>} : memref<128x32xf32, #tpu.memory_space<vmem>>, vector<16xf32>,
      tpu.vector_store_idx %arg8[%iota3A, %broadcast_in_dim3A], %get3A_619 : memref<32x129xf32, #tpu.memory_space<vmem>>[vector<16xi32>, vector<16xi32>], vector<16xf32>,
      tpu.vector_store_idx %arg8[%add3A_5, %broadcast_in_dim3A], %get3A_622 : memref<32x129xf32, #tpu.memory_space<vmem>>[vector<16xi32>, vector<16xi32>], vector<16xf32>,
      %add3A_623 = arith.constant 1 : i32
      %add3A_624 = arith.addi %mul3A_615, %add3A_623 : i32
      %broadcast_in_dim3A_625 = vector.broadcast %add3A_624 : i32 to vector<16xi32>
      %get3A_626 = arith.index_cast %add3A_624 : i32 to index
      %get3A_627 = arith.constant 0 : index
      %get3A_628 = tpu.vector_load %arg6[%get3A_626, %get3A_627] {strides = array<i32>} : memref<128x32xf32, #tpu.memory_space<vmem>>, vector<16xf32>,
      %get3A_629 = arith.index_cast %add3A_624 : i32 to index
      %get3A_630 = arith.constant 16 : index
      %get3A_631 = tpu.vector_load %arg6[%get3A_629, %get3A_630] {strides = array<i32>} : memref<128x32xf32, #tpu.memory_space<vmem>>, vector<16xf32>,
      tpu.vector_store_idx %arg8[%iota3A, %broadcast_in_dim3A_625], %get3A_628 : memref<32x129xf32, #tpu.memory_space<vmem>>[vector<16xi32>, vector<16xi32>], vector<16xf32>,
      tpu.vector_store_idx %arg8[%add3A_5, %broadcast_in_dim3A_625], %get3A_631 : memref<32x129xf32, #tpu.memory_space<vmem>>[vector<16xi32>, vector<16xi32>], vector<16xf32>,
      %add3A_632 = arith.constant 2 : i32
      %add3A_633 = arith.addi %mul3A_615, %add3A_632 : i32
      %broadcast_in_dim3A_634 = vector.broadcast %add3A_633 : i32 to vector<16xi32>
      %get3A_635 = arith.index_cast %add3A_633 : i32 to index
      %get3A_636 = arith.constant 0 : index
      %get3A_637 = tpu.vector_load %arg6[%get3A_635, %get3A_636] {strides = array<i32>} : memref<128x32xf32, #tpu.memory_space<vmem>>, vector<16xf32>,
      %get3A_638 = arith.index_cast %add3A_633 : i32 to index
      %get3A_639 = arith.constant 16 : index
      %get3A_640 = tpu.vector_load %arg6[%get3A_638, %get3A_639] {strides = array<i32>} : memref<128x32xf32, #tpu.memory_space<vmem>>, vector<16xf32>,
      tpu.vector_store_idx %arg8[%iota3A, %broadcast_in_dim3A_634], %get3A_637 : memref<32x129xf32, #tpu.memory_space<vmem>>[vector<16xi32>, vector<16xi32>], vector<16xf32>,
      tpu.vector_store_idx %arg8[%add3A_5, %broadcast_in_dim3A_634], %get3A_640 : memref<32x129xf32, #tpu.memory_space<vmem>>[vector<16xi32>, vector<16xi32>], vector<16xf32>,
      %add3A_641 = arith.constant 3 : i32
      %add3A_642 = arith.addi %mul3A_615, %add3A_641 : i32
      %broadcast_in_dim3A_643 = vector.broadcast %add3A_642 : i32 to vector<16xi32>
      %get3A_644 = arith.index_cast %add3A_642 : i32 to index
      %get3A_645 = arith.constant 0 : index
      %get3A_646 = tpu.vector_load %arg6[%get3A_644, %get3A_645] {strides = array<i32>} : memref<128x32xf32, #tpu.memory_space<vmem>>, vector<16xf32>,
      %get3A_647 = arith.index_cast %add3A_642 : i32 to index
      %get3A_648 = arith.constant 16 : index
      %get3A_649 = tpu.vector_load %arg6[%get3A_647, %get3A_648] {strides = array<i32>} : memref<128x32xf32, #tpu.memory_space<vmem>>, vector<16xf32>,
      tpu.vector_store_idx %arg8[%iota3A, %broadcast_in_dim3A_643], %get3A_646 : memref<32x129xf32, #tpu.memory_space<vmem>>[vector<16xi32>, vector<16xi32>], vector<16xf32>,
      tpu.vector_store_idx %arg8[%add3A_5, %broadcast_in_dim3A_643], %get3A_649 : memref<32x129xf32, #tpu.memory_space<vmem>>[vector<16xi32>, vector<16xi32>], vector<16xf32>,
      %add3A_650 = arith.constant 4 : i32
      %add3A_651 = arith.addi %mul3A_615, %add3A_650 : i32
      %broadcast_in_dim3A_652 = vector.broadcast %add3A_651 : i32 to vector<16xi32>
      %get3A_653 = arith.index_cast %add3A_651 : i32 to index
      %get3A_654 = arith.constant 0 : index
      %get3A_655 = tpu.vector_load %arg6[%get3A_653, %get3A_654] {strides = array<i32>} : memref<128x32xf32, #tpu.memory_space<vmem>>, vector<16xf32>,
      %get3A_656 = arith.index_cast %add3A_651 : i32 to index
      %get3A_657 = arith.constant 16 : index
      %get3A_658 = tpu.vector_load %arg6[%get3A_656, %get3A_657] {strides = array<i32>} : memref<128x32xf32, #tpu.memory_space<vmem>>, vector<16xf32>,
      tpu.vector_store_idx %arg8[%iota3A, %broadcast_in_dim3A_652], %get3A_655 : memref<32x129xf32, #tpu.memory_space<vmem>>[vector<16xi32>, vector<16xi32>], vector<16xf32>,
      tpu.vector_store_idx %arg8[%add3A_5, %broadcast_in_dim3A_652], %get3A_658 : memref<32x129xf32, #tpu.memory_space<vmem>>[vector<16xi32>, vector<16xi32>], vector<16xf32>,
      %add3A_659 = arith.constant 5 : i32
      %add3A_660 = arith.addi %mul3A_615, %add3A_659 : i32
      %broadcast_in_dim3A_661 = vector.broadcast %add3A_660 : i32 to vector<16xi32>
      %get3A_662 = arith.index_cast %add3A_660 : i32 to index
      %get3A_663 = arith.constant 0 : index
      %get3A_664 = tpu.vector_load %arg6[%get3A_662, %get3A_663] {strides = array<i32>} : memref<128x32xf32, #tpu.memory_space<vmem>>, vector<16xf32>,
      %get3A_665 = arith.index_cast %add3A_660 : i32 to index
      %get3A_666 = arith.constant 16 : index
      %get3A_667 = tpu.vector_load %arg6[%get3A_665, %get3A_666] {strides = array<i32>} : memref<128x32xf32, #tpu.memory_space<vmem>>, vector<16xf32>,
      tpu.vector_store_idx %arg8[%iota3A, %broadcast_in_dim3A_661], %get3A_664 : memref<32x129xf32, #tpu.memory_space<vmem>>[vector<16xi32>, vector<16xi32>], vector<16xf32>,
      tpu.vector_store_idx %arg8[%add3A_5, %broadcast_in_dim3A_661], %get3A_667 : memref<32x129xf32, #tpu.memory_space<vmem>>[vector<16xi32>, vector<16xi32>], vector<16xf32>,
      %add3A_668 = arith.constant 6 : i32
      %add3A_669 = arith.addi %mul3A_615, %add3A_668 : i32
      %broadcast_in_dim3A_670 = vector.broadcast %add3A_669 : i32 to vector<16xi32>
      %get3A_671 = arith.index_cast %add3A_669 : i32 to index
      %get3A_672 = arith.constant 0 : index
      %get3A_673 = tpu.vector_load %arg6[%get3A_671, %get3A_672] {strides = array<i32>} : memref<128x32xf32, #tpu.memory_space<vmem>>, vector<16xf32>,
      %get3A_674 = arith.index_cast %add3A_669 : i32 to index
      %get3A_675 = arith.constant 16 : index
      %get3A_676 = tpu.vector_load %arg6[%get3A_674, %get3A_675] {strides = array<i32>} : memref<128x32xf32, #tpu.memory_space<vmem>>, vector<16xf32>,
      tpu.vector_store_idx %arg8[%iota3A, %broadcast_in_dim3A_670], %get3A_673 : memref<32x129xf32, #tpu.memory_space<vmem>>[vector<16xi32>, vector<16xi32>], vector<16xf32>,
      tpu.vector_store_idx %arg8[%add3A_5, %broadcast_in_dim3A_670], %get3A_676 : memref<32x129xf32, #tpu.memory_space<vmem>>[vector<16xi32>, vector<16xi32>], vector<16xf32>,
      %add3A_677 = arith.constant 7 : i32
      %add3A_678 = arith.addi %mul3A_615, %add3A_677 : i32
      %broadcast_in_dim3A_679 = vector.broadcast %add3A_678 : i32 to vector<16xi32>
      %get3A_680 = arith.index_cast %add3A_678 : i32 to index
      %get3A_681 = arith.constant 0 : index
      %get3A_682 = tpu.vector_load %arg6[%get3A_680, %get3A_681] {strides = array<i32>} : memref<128x32xf32, #tpu.memory_space<vmem>>, vector<16xf32>,
      %get3A_683 = arith.index_cast %add3A_678 : i32 to index
      %get3A_684 = arith.constant 16 : index
      %get3A_685 = tpu.vector_load %arg6[%get3A_683, %get3A_684] {strides = array<i32>} : memref<128x32xf32, #tpu.memory_space<vmem>>, vector<16xf32>,
      tpu.vector_store_idx %arg8[%iota3A, %broadcast_in_dim3A_679], %get3A_682 : memref<32x129xf32, #tpu.memory_space<vmem>>[vector<16xi32>, vector<16xi32>], vector<16xf32>,
      tpu.vector_store_idx %arg8[%add3A_5, %broadcast_in_dim3A_679], %get3A_685 : memref<32x129xf32, #tpu.memory_space<vmem>>[vector<16xi32>, vector<16xi32>], vector<16xf32>,
    }
    %scan3A_268 = arith.constant 16 : i32
    %dma_start3A_269 = arith.constant 198 : i32
    %dma_start3A_270 = arith.constant 0 : i32
    %dma_start3A_271 = arith.constant 0 : i32
    %dma_start3A_272 = arith.constant 0 : i32
    %dma_start3A_273 = tpu.memref_slice %arg8[%dma_start3A_271, %dma_start3A_272] : memref<32x129xf32, #tpu.memory_space<vmem>> -> memref<8x128xf32, #tpu.memory_space<vmem>>
    %dma_start3A_274 = arith.constant 0 : i32
    %dma_start3A_275 = arith.constant 0 : i32
    %dma_start3A_276 = tpu.memref_slice %arg4[%dma_start3A_269, %dma_start3A_270, %add3A, %dma_start3A_274, %dma_start3A_275] : memref<200x4x32x8x128xf32, #tpu.memory_space<hbm>> -> memref<1x1x1x8x128xf32, #tpu.memory_space<hbm>>
    %dma_start3A_277 = tpu.memref_squeeze %dma_start3A_276 : memref<1x1x1x8x128xf32, #tpu.memory_space<hbm>> -> memref<8x128xf32, #tpu.memory_space<hbm>>
    %dma_start3A_278 = arith.constant 0 : i32
    %dma_start3A_279 = arith.constant 0 : i32
    %dma_start3A_280 = tpu.memref_slice %arg4[%dma_start3A_269, %dma_start3A_270, %add3A, %dma_start3A_278, %dma_start3A_279] : memref<200x4x32x8x128xf32, #tpu.memory_space<hbm>> -> memref<1x1x1x8x128xf32, #tpu.memory_space<hbm>>
    %dma_start3A_281 = tpu.memref_squeeze %dma_start3A_280 : memref<1x1x1x8x128xf32, #tpu.memory_space<hbm>> -> memref<8x128xf32, #tpu.memory_space<hbm>>
    %dma_start3A_282 = arith.constant 0 : i32
    %dma_start3A_283 = arith.constant 0 : i32
    %dma_start3A_284 = tpu.memref_slice %arg8[%dma_start3A_282, %dma_start3A_283] : memref<32x129xf32, #tpu.memory_space<vmem>> -> memref<8x128xf32, #tpu.memory_space<vmem>>
    tpu.enqueue_dma source(%dma_start3A_284 : memref<8x128xf32, #tpu.memory_space<vmem>>) target(%dma_start3A_281 : memref<8x128xf32, #tpu.memory_space<hbm>>) target_semaphore(%arg12 : memref<!tpu.dma_semaphore, #tpu.memory_space<semaphore_mem>>)
    %dma_start3A_285 = arith.constant 198 : i32
    %dma_start3A_286 = arith.constant 1 : i32
    %dma_start3A_287 = arith.constant 8 : i32
    %dma_start3A_288 = arith.constant 0 : i32
    %dma_start3A_289 = tpu.memref_slice %arg8[%dma_start3A_287, %dma_start3A_288] : memref<32x129xf32, #tpu.memory_space<vmem>> -> memref<8x128xf32, #tpu.memory_space<vmem>>
    %dma_start3A_290 = arith.constant 0 : i32
    %dma_start3A_291 = arith.constant 0 : i32
    %dma_start3A_292 = tpu.memref_slice %arg4[%dma_start3A_285, %dma_start3A_286, %add3A, %dma_start3A_290, %dma_start3A_291] : memref<200x4x32x8x128xf32, #tpu.memory_space<hbm>> -> memref<1x1x1x8x128xf32, #tpu.memory_space<hbm>>
    %dma_start3A_293 = tpu.memref_squeeze %dma_start3A_292 : memref<1x1x1x8x128xf32, #tpu.memory_space<hbm>> -> memref<8x128xf32, #tpu.memory_space<hbm>>
    %dma_start3A_294 = arith.constant 0 : i32
    %dma_start3A_295 = arith.constant 0 : i32
    %dma_start3A_296 = tpu.memref_slice %arg4[%dma_start3A_285, %dma_start3A_286, %add3A, %dma_start3A_294, %dma_start3A_295] : memref<200x4x32x8x128xf32, #tpu.memory_space<hbm>> -> memref<1x1x1x8x128xf32, #tpu.memory_space<hbm>>
    %dma_start3A_297 = tpu.memref_squeeze %dma_start3A_296 : memref<1x1x1x8x128xf32, #tpu.memory_space<hbm>> -> memref<8x128xf32, #tpu.memory_space<hbm>>
    %dma_start3A_298 = arith.constant 8 : i32
    %dma_start3A_299 = arith.constant 0 : i32
    %dma_start3A_300 = tpu.memref_slice %arg8[%dma_start3A_298, %dma_start3A_299] : memref<32x129xf32, #tpu.memory_space<vmem>> -> memref<8x128xf32, #tpu.memory_space<vmem>>
    tpu.enqueue_dma source(%dma_start3A_300 : memref<8x128xf32, #tpu.memory_space<vmem>>) target(%dma_start3A_297 : memref<8x128xf32, #tpu.memory_space<hbm>>) target_semaphore(%arg12 : memref<!tpu.dma_semaphore, #tpu.memory_space<semaphore_mem>>)
    %dma_start3A_301 = arith.constant 198 : i32
    %dma_start3A_302 = arith.constant 2 : i32
    %dma_start3A_303 = arith.constant 16 : i32
    %dma_start3A_304 = arith.constant 0 : i32
    %dma_start3A_305 = tpu.memref_slice %arg8[%dma_start3A_303, %dma_start3A_304] : memref<32x129xf32, #tpu.memory_space<vmem>> -> memref<8x128xf32, #tpu.memory_space<vmem>>
    %dma_start3A_306 = arith.constant 0 : i32
    %dma_start3A_307 = arith.constant 0 : i32
    %dma_start3A_308 = tpu.memref_slice %arg4[%dma_start3A_301, %dma_start3A_302, %add3A, %dma_start3A_306, %dma_start3A_307] : memref<200x4x32x8x128xf32, #tpu.memory_space<hbm>> -> memref<1x1x1x8x128xf32, #tpu.memory_space<hbm>>
    %dma_start3A_309 = tpu.memref_squeeze %dma_start3A_308 : memref<1x1x1x8x128xf32, #tpu.memory_space<hbm>> -> memref<8x128xf32, #tpu.memory_space<hbm>>
    %dma_start3A_310 = arith.constant 0 : i32
    %dma_start3A_311 = arith.constant 0 : i32
    %dma_start3A_312 = tpu.memref_slice %arg4[%dma_start3A_301, %dma_start3A_302, %add3A, %dma_start3A_310, %dma_start3A_311] : memref<200x4x32x8x128xf32, #tpu.memory_space<hbm>> -> memref<1x1x1x8x128xf32, #tpu.memory_space<hbm>>
    %dma_start3A_313 = tpu.memref_squeeze %dma_start3A_312 : memref<1x1x1x8x128xf32, #tpu.memory_space<hbm>> -> memref<8x128xf32, #tpu.memory_space<hbm>>
    %dma_start3A_314 = arith.constant 16 : i32
    %dma_start3A_315 = arith.constant 0 : i32
    %dma_start3A_316 = tpu.memref_slice %arg8[%dma_start3A_314, %dma_start3A_315] : memref<32x129xf32, #tpu.memory_space<vmem>> -> memref<8x128xf32, #tpu.memory_space<vmem>>
    tpu.enqueue_dma source(%dma_start3A_316 : memref<8x128xf32, #tpu.memory_space<vmem>>) target(%dma_start3A_313 : memref<8x128xf32, #tpu.memory_space<hbm>>) target_semaphore(%arg12 : memref<!tpu.dma_semaphore, #tpu.memory_space<semaphore_mem>>)
    %dma_start3A_317 = arith.constant 198 : i32
    %dma_start3A_318 = arith.constant 3 : i32
    %dma_start3A_319 = arith.constant 24 : i32
    %dma_start3A_320 = arith.constant 0 : i32
    %dma_start3A_321 = tpu.memref_slice %arg8[%dma_start3A_319, %dma_start3A_320] : memref<32x129xf32, #tpu.memory_space<vmem>> -> memref<8x128xf32, #tpu.memory_space<vmem>>
    %dma_start3A_322 = arith.constant 0 : i32
    %dma_start3A_323 = arith.constant 0 : i32
    %dma_start3A_324 = tpu.memref_slice %arg4[%dma_start3A_317, %dma_start3A_318, %add3A, %dma_start3A_322, %dma_start3A_323] : memref<200x4x32x8x128xf32, #tpu.memory_space<hbm>> -> memref<1x1x1x8x128xf32, #tpu.memory_space<hbm>>
    %dma_start3A_325 = tpu.memref_squeeze %dma_start3A_324 : memref<1x1x1x8x128xf32, #tpu.memory_space<hbm>> -> memref<8x128xf32, #tpu.memory_space<hbm>>
    %dma_start3A_326 = arith.constant 0 : i32
    %dma_start3A_327 = arith.constant 0 : i32
    %dma_start3A_328 = tpu.memref_slice %arg4[%dma_start3A_317, %dma_start3A_318, %add3A, %dma_start3A_326, %dma_start3A_327] : memref<200x4x32x8x128xf32, #tpu.memory_space<hbm>> -> memref<1x1x1x8x128xf32, #tpu.memory_space<hbm>>
    %dma_start3A_329 = tpu.memref_squeeze %dma_start3A_328 : memref<1x1x1x8x128xf32, #tpu.memory_space<hbm>> -> memref<8x128xf32, #tpu.memory_space<hbm>>
    %dma_start3A_330 = arith.constant 24 : i32
    %dma_start3A_331 = arith.constant 0 : i32
    %dma_start3A_332 = tpu.memref_slice %arg8[%dma_start3A_330, %dma_start3A_331] : memref<32x129xf32, #tpu.memory_space<vmem>> -> memref<8x128xf32, #tpu.memory_space<vmem>>
    tpu.enqueue_dma source(%dma_start3A_332 : memref<8x128xf32, #tpu.memory_space<vmem>>) target(%dma_start3A_329 : memref<8x128xf32, #tpu.memory_space<hbm>>) target_semaphore(%arg12 : memref<!tpu.dma_semaphore, #tpu.memory_space<semaphore_mem>>)
    %dma_wait3A_333 = arith.constant 0 : i32
    %dma_wait3A_334 = arith.constant 0 : i32
    %dma_wait3A_335 = tpu.memref_slice %arg2[%dma_wait3A_333, %dma_wait3A_334] : memref<1000000x32xf32, #tpu.memory_space<hbm>> -> memref<128x32xf32, #tpu.memory_space<hbm>>
    %dma_wait3A_336 = arith.constant 0 : i32
    %dma_wait3A_337 = arith.constant 0 : i32
    %dma_wait3A_338 = tpu.memref_slice %arg2[%dma_wait3A_336, %dma_wait3A_337] : memref<1000000x32xf32, #tpu.memory_space<hbm>> -> memref<128x32xf32, #tpu.memory_space<hbm>>
    tpu.wait_dma2 semaphore(%arg11 : memref<!tpu.dma_semaphore, #tpu.memory_space<semaphore_mem>>) src(%dma_wait3A_338 : memref<128x32xf32, #tpu.memory_space<hbm>>) dst(%arg7 : memref<128x32xf32, #tpu.memory_space<vmem>>)
    %dma_wait3A_339 = arith.constant 0 : i32
    %dma_wait3A_340 = arith.constant 0 : i32
    %dma_wait3A_341 = arith.constant 0 : i32
    %dma_wait3A_342 = arith.constant 0 : i32
    %dma_wait3A_343 = arith.constant 0 : i32
    %dma_wait3A_344 = tpu.memref_slice %arg9[%dma_wait3A_342, %dma_wait3A_343] : memref<32x129xf32, #tpu.memory_space<vmem>> -> memref<8x128xf32, #tpu.memory_space<vmem>>
    %dma_wait3A_345 = arith.constant 0 : i32
    %dma_wait3A_346 = arith.constant 0 : i32
    %dma_wait3A_347 = tpu.memref_slice %arg4[%dma_wait3A_339, %dma_wait3A_340, %dma_wait3A_341, %dma_wait3A_345, %dma_wait3A_346] : memref<200x4x32x8x128xf32, #tpu.memory_space<hbm>> -> memref<1x1x1x8x128xf32, #tpu.memory_space<hbm>>
    %dma_wait3A_348 = tpu.memref_squeeze %dma_wait3A_347 : memref<1x1x1x8x128xf32, #tpu.memory_space<hbm>> -> memref<8x128xf32, #tpu.memory_space<hbm>>
    %dma_wait3A_349 = arith.constant 0 : i32
    %dma_wait3A_350 = arith.constant 0 : i32
    %dma_wait3A_351 = tpu.memref_slice %arg4[%dma_wait3A_339, %dma_wait3A_340, %dma_wait3A_341, %dma_wait3A_349, %dma_wait3A_350] : memref<200x4x32x8x128xf32, #tpu.memory_space<hbm>> -> memref<1x1x1x8x128xf32, #tpu.memory_space<hbm>>
    %dma_wait3A_352 = tpu.memref_squeeze %dma_wait3A_351 : memref<1x1x1x8x128xf32, #tpu.memory_space<hbm>> -> memref<8x128xf32, #tpu.memory_space<hbm>>
    %dma_wait3A_353 = arith.constant 0 : i32
    %dma_wait3A_354 = arith.constant 0 : i32
    %dma_wait3A_355 = tpu.memref_slice %arg9[%dma_wait3A_353, %dma_wait3A_354] : memref<32x129xf32, #tpu.memory_space<vmem>> -> memref<8x128xf32, #tpu.memory_space<vmem>>
    tpu.wait_dma2 semaphore(%arg13 : memref<!tpu.dma_semaphore, #tpu.memory_space<semaphore_mem>>) src(%dma_wait3A_355 : memref<8x128xf32, #tpu.memory_space<vmem>>) dst(%dma_wait3A_352 : memref<8x128xf32, #tpu.memory_space<hbm>>)
    %dma_wait3A_356 = arith.constant 0 : i32
    %dma_wait3A_357 = arith.constant 0 : i32
    %dma_wait3A_358 = arith.constant 0 : i32
    %dma_wait3A_359 = arith.constant 8 : i32
    %dma_wait3A_360 = arith.constant 0 : i32
    %dma_wait3A_361 = tpu.memref_slice %arg9[%dma_wait3A_359, %dma_wait3A_360] : memref<32x129xf32, #tpu.memory_space<vmem>> -> memref<8x128xf32, #tpu.memory_space<vmem>>
    %dma_wait3A_362 = arith.constant 0 : i32
    %dma_wait3A_363 = arith.constant 0 : i32
    %dma_wait3A_364 = tpu.memref_slice %arg4[%dma_wait3A_356, %dma_wait3A_357, %dma_wait3A_358, %dma_wait3A_362, %dma_wait3A_363] : memref<200x4x32x8x128xf32, #tpu.memory_space<hbm>> -> memref<1x1x1x8x128xf32, #tpu.memory_space<hbm>>
    %dma_wait3A_365 = tpu.memref_squeeze %dma_wait3A_364 : memref<1x1x1x8x128xf32, #tpu.memory_space<hbm>> -> memref<8x128xf32, #tpu.memory_space<hbm>>
    %dma_wait3A_366 = arith.constant 0 : i32
    %dma_wait3A_367 = arith.constant 0 : i32
    %dma_wait3A_368 = tpu.memref_slice %arg4[%dma_wait3A_356, %dma_wait3A_357, %dma_wait3A_358, %dma_wait3A_366, %dma_wait3A_367] : memref<200x4x32x8x128xf32, #tpu.memory_space<hbm>> -> memref<1x1x1x8x128xf32, #tpu.memory_space<hbm>>
    %dma_wait3A_369 = tpu.memref_squeeze %dma_wait3A_368 : memref<1x1x1x8x128xf32, #tpu.memory_space<hbm>> -> memref<8x128xf32, #tpu.memory_space<hbm>>
    %dma_wait3A_370 = arith.constant 8 : i32
    %dma_wait3A_371 = arith.constant 0 : i32
    %dma_wait3A_372 = tpu.memref_slice %arg9[%dma_wait3A_370, %dma_wait3A_371] : memref<32x129xf32, #tpu.memory_space<vmem>> -> memref<8x128xf32, #tpu.memory_space<vmem>>
    tpu.wait_dma2 semaphore(%arg13 : memref<!tpu.dma_semaphore, #tpu.memory_space<semaphore_mem>>) src(%dma_wait3A_372 : memref<8x128xf32, #tpu.memory_space<vmem>>) dst(%dma_wait3A_369 : memref<8x128xf32, #tpu.memory_space<hbm>>)
    %dma_wait3A_373 = arith.constant 0 : i32
    %dma_wait3A_374 = arith.constant 0 : i32
    %dma_wait3A_375 = arith.constant 0 : i32
    %dma_wait3A_376 = arith.constant 16 : i32
    %dma_wait3A_377 = arith.constant 0 : i32
    %dma_wait3A_378 = tpu.memref_slice %arg9[%dma_wait3A_376, %dma_wait3A_377] : memref<32x129xf32, #tpu.memory_space<vmem>> -> memref<8x128xf32, #tpu.memory_space<vmem>>
    %dma_wait3A_379 = arith.constant 0 : i32
    %dma_wait3A_380 = arith.constant 0 : i32
    %dma_wait3A_381 = tpu.memref_slice %arg4[%dma_wait3A_373, %dma_wait3A_374, %dma_wait3A_375, %dma_wait3A_379, %dma_wait3A_380] : memref<200x4x32x8x128xf32, #tpu.memory_space<hbm>> -> memref<1x1x1x8x128xf32, #tpu.memory_space<hbm>>
    %dma_wait3A_382 = tpu.memref_squeeze %dma_wait3A_381 : memref<1x1x1x8x128xf32, #tpu.memory_space<hbm>> -> memref<8x128xf32, #tpu.memory_space<hbm>>
    %dma_wait3A_383 = arith.constant 0 : i32
    %dma_wait3A_384 = arith.constant 0 : i32
    %dma_wait3A_385 = tpu.memref_slice %arg4[%dma_wait3A_373, %dma_wait3A_374, %dma_wait3A_375, %dma_wait3A_383, %dma_wait3A_384] : memref<200x4x32x8x128xf32, #tpu.memory_space<hbm>> -> memref<1x1x1x8x128xf32, #tpu.memory_space<hbm>>
    %dma_wait3A_386 = tpu.memref_squeeze %dma_wait3A_385 : memref<1x1x1x8x128xf32, #tpu.memory_space<hbm>> -> memref<8x128xf32, #tpu.memory_space<hbm>>
    %dma_wait3A_387 = arith.constant 16 : i32
    %dma_wait3A_388 = arith.constant 0 : i32
    %dma_wait3A_389 = tpu.memref_slice %arg9[%dma_wait3A_387, %dma_wait3A_388] : memref<32x129xf32, #tpu.memory_space<vmem>> -> memref<8x128xf32, #tpu.memory_space<vmem>>
    tpu.wait_dma2 semaphore(%arg13 : memref<!tpu.dma_semaphore, #tpu.memory_space<semaphore_mem>>) src(%dma_wait3A_389 : memref<8x128xf32, #tpu.memory_space<vmem>>) dst(%dma_wait3A_386 : memref<8x128xf32, #tpu.memory_space<hbm>>)
    %dma_wait3A_390 = arith.constant 0 : i32
    %dma_wait3A_391 = arith.constant 0 : i32
    %dma_wait3A_392 = arith.constant 0 : i32
    %dma_wait3A_393 = arith.constant 24 : i32
    %dma_wait3A_394 = arith.constant 0 : i32
    %dma_wait3A_395 = tpu.memref_slice %arg9[%dma_wait3A_393, %dma_wait3A_394] : memref<32x129xf32, #tpu.memory_space<vmem>> -> memref<8x128xf32, #tpu.memory_space<vmem>>
    %dma_wait3A_396 = arith.constant 0 : i32
    %dma_wait3A_397 = arith.constant 0 : i32
    %dma_wait3A_398 = tpu.memref_slice %arg4[%dma_wait3A_390, %dma_wait3A_391, %dma_wait3A_392, %dma_wait3A_396, %dma_wait3A_397] : memref<200x4x32x8x128xf32, #tpu.memory_space<hbm>> -> memref<1x1x1x8x128xf32, #tpu.memory_space<hbm>>
    %dma_wait3A_399 = tpu.memref_squeeze %dma_wait3A_398 : memref<1x1x1x8x128xf32, #tpu.memory_space<hbm>> -> memref<8x128xf32, #tpu.memory_space<hbm>>
    %dma_wait3A_400 = arith.constant 0 : i32
    %dma_wait3A_401 = arith.constant 0 : i32
    %dma_wait3A_402 = tpu.memref_slice %arg4[%dma_wait3A_390, %dma_wait3A_391, %dma_wait3A_392, %dma_wait3A_400, %dma_wait3A_401] : memref<200x4x32x8x128xf32, #tpu.memory_space<hbm>> -> memref<1x1x1x8x128xf32, #tpu.memory_space<hbm>>
    %dma_wait3A_403 = tpu.memref_squeeze %dma_wait3A_402 : memref<1x1x1x8x128xf32, #tpu.memory_space<hbm>> -> memref<8x128xf32, #tpu.memory_space<hbm>>
    %dma_wait3A_404 = arith.constant 24 : i32
    %dma_wait3A_405 = arith.constant 0 : i32
    %dma_wait3A_406 = tpu.memref_slice %arg9[%dma_wait3A_404, %dma_wait3A_405] : memref<32x129xf32, #tpu.memory_space<vmem>> -> memref<8x128xf32, #tpu.memory_space<vmem>>
    tpu.wait_dma2 semaphore(%arg13 : memref<!tpu.dma_semaphore, #tpu.memory_space<semaphore_mem>>) src(%dma_wait3A_406 : memref<8x128xf32, #tpu.memory_space<vmem>>) dst(%dma_wait3A_403 : memref<8x128xf32, #tpu.memory_space<hbm>>)
    %scan3A_407 = arith.constant 0 : i32
    %scan3A_408 = arith.constant 0 : i32
    %scan3A_409 = arith.constant 16 : i32
    %scan3A_410 = arith.addi %scan3A_408, %scan3A_409 : i32
    %scan3A_411 = arith.constant 1 : i32
    scf.for %scan3A_613 = %scan3A_408 to %scan3A_410 step %scan3A_411  : i32 {
      %mul3A_614 = arith.constant 8 : i32
      %mul3A_615 = arith.muli %scan3A_613, %mul3A_614 : i32
      %add3A_616 = arith.constant 0 : i32
      %add3A_617 = arith.addi %mul3A_615, %add3A_616 : i32
      %broadcast_in_dim3A = vector.broadcast %add3A_617 : i32 to vector<16xi32>
      %get3A = arith.index_cast %add3A_617 : i32 to index
      %get3A_618 = arith.constant 0 : index
      %get3A_619 = tpu.vector_load %arg7[%get3A, %get3A_618] {strides = array<i32>} : memref<128x32xf32, #tpu.memory_space<vmem>>, vector<16xf32>,
      %get3A_620 = arith.index_cast %add3A_617 : i32 to index
      %get3A_621 = arith.constant 16 : index
      %get3A_622 = tpu.vector_load %arg7[%get3A_620, %get3A_621] {strides = array<i32>} : memref<128x32xf32, #tpu.memory_space<vmem>>, vector<16xf32>,
      tpu.vector_store_idx %arg9[%iota3A, %broadcast_in_dim3A], %get3A_619 : memref<32x129xf32, #tpu.memory_space<vmem>>[vector<16xi32>, vector<16xi32>], vector<16xf32>,
      tpu.vector_store_idx %arg9[%add3A_5, %broadcast_in_dim3A], %get3A_622 : memref<32x129xf32, #tpu.memory_space<vmem>>[vector<16xi32>, vector<16xi32>], vector<16xf32>,
      %add3A_623 = arith.constant 1 : i32
      %add3A_624 = arith.addi %mul3A_615, %add3A_623 : i32
      %broadcast_in_dim3A_625 = vector.broadcast %add3A_624 : i32 to vector<16xi32>
      %get3A_626 = arith.index_cast %add3A_624 : i32 to index
      %get3A_627 = arith.constant 0 : index
      %get3A_628 = tpu.vector_load %arg7[%get3A_626, %get3A_627] {strides = array<i32>} : memref<128x32xf32, #tpu.memory_space<vmem>>, vector<16xf32>,
      %get3A_629 = arith.index_cast %add3A_624 : i32 to index
      %get3A_630 = arith.constant 16 : index
      %get3A_631 = tpu.vector_load %arg7[%get3A_629, %get3A_630] {strides = array<i32>} : memref<128x32xf32, #tpu.memory_space<vmem>>, vector<16xf32>,
      tpu.vector_store_idx %arg9[%iota3A, %broadcast_in_dim3A_625], %get3A_628 : memref<32x129xf32, #tpu.memory_space<vmem>>[vector<16xi32>, vector<16xi32>], vector<16xf32>,
      tpu.vector_store_idx %arg9[%add3A_5, %broadcast_in_dim3A_625], %get3A_631 : memref<32x129xf32, #tpu.memory_space<vmem>>[vector<16xi32>, vector<16xi32>], vector<16xf32>,
      %add3A_632 = arith.constant 2 : i32
      %add3A_633 = arith.addi %mul3A_615, %add3A_632 : i32
      %broadcast_in_dim3A_634 = vector.broadcast %add3A_633 : i32 to vector<16xi32>
      %get3A_635 = arith.index_cast %add3A_633 : i32 to index
      %get3A_636 = arith.constant 0 : index
      %get3A_637 = tpu.vector_load %arg7[%get3A_635, %get3A_636] {strides = array<i32>} : memref<128x32xf32, #tpu.memory_space<vmem>>, vector<16xf32>,
      %get3A_638 = arith.index_cast %add3A_633 : i32 to index
      %get3A_639 = arith.constant 16 : index
      %get3A_640 = tpu.vector_load %arg7[%get3A_638, %get3A_639] {strides = array<i32>} : memref<128x32xf32, #tpu.memory_space<vmem>>, vector<16xf32>,
      tpu.vector_store_idx %arg9[%iota3A, %broadcast_in_dim3A_634], %get3A_637 : memref<32x129xf32, #tpu.memory_space<vmem>>[vector<16xi32>, vector<16xi32>], vector<16xf32>,
      tpu.vector_store_idx %arg9[%add3A_5, %broadcast_in_dim3A_634], %get3A_640 : memref<32x129xf32, #tpu.memory_space<vmem>>[vector<16xi32>, vector<16xi32>], vector<16xf32>,
      %add3A_641 = arith.constant 3 : i32
      %add3A_642 = arith.addi %mul3A_615, %add3A_641 : i32
      %broadcast_in_dim3A_643 = vector.broadcast %add3A_642 : i32 to vector<16xi32>
      %get3A_644 = arith.index_cast %add3A_642 : i32 to index
      %get3A_645 = arith.constant 0 : index
      %get3A_646 = tpu.vector_load %arg7[%get3A_644, %get3A_645] {strides = array<i32>} : memref<128x32xf32, #tpu.memory_space<vmem>>, vector<16xf32>,
      %get3A_647 = arith.index_cast %add3A_642 : i32 to index
      %get3A_648 = arith.constant 16 : index
      %get3A_649 = tpu.vector_load %arg7[%get3A_647, %get3A_648] {strides = array<i32>} : memref<128x32xf32, #tpu.memory_space<vmem>>, vector<16xf32>,
      tpu.vector_store_idx %arg9[%iota3A, %broadcast_in_dim3A_643], %get3A_646 : memref<32x129xf32, #tpu.memory_space<vmem>>[vector<16xi32>, vector<16xi32>], vector<16xf32>,
      tpu.vector_store_idx %arg9[%add3A_5, %broadcast_in_dim3A_643], %get3A_649 : memref<32x129xf32, #tpu.memory_space<vmem>>[vector<16xi32>, vector<16xi32>], vector<16xf32>,
      %add3A_650 = arith.constant 4 : i32
      %add3A_651 = arith.addi %mul3A_615, %add3A_650 : i32
      %broadcast_in_dim3A_652 = vector.broadcast %add3A_651 : i32 to vector<16xi32>
      %get3A_653 = arith.index_cast %add3A_651 : i32 to index
      %get3A_654 = arith.constant 0 : index
      %get3A_655 = tpu.vector_load %arg7[%get3A_653, %get3A_654] {strides = array<i32>} : memref<128x32xf32, #tpu.memory_space<vmem>>, vector<16xf32>,
      %get3A_656 = arith.index_cast %add3A_651 : i32 to index
      %get3A_657 = arith.constant 16 : index
      %get3A_658 = tpu.vector_load %arg7[%get3A_656, %get3A_657] {strides = array<i32>} : memref<128x32xf32, #tpu.memory_space<vmem>>, vector<16xf32>,
      tpu.vector_store_idx %arg9[%iota3A, %broadcast_in_dim3A_652], %get3A_655 : memref<32x129xf32, #tpu.memory_space<vmem>>[vector<16xi32>, vector<16xi32>], vector<16xf32>,
      tpu.vector_store_idx %arg9[%add3A_5, %broadcast_in_dim3A_652], %get3A_658 : memref<32x129xf32, #tpu.memory_space<vmem>>[vector<16xi32>, vector<16xi32>], vector<16xf32>,
      %add3A_659 = arith.constant 5 : i32
      %add3A_660 = arith.addi %mul3A_615, %add3A_659 : i32
      %broadcast_in_dim3A_661 = vector.broadcast %add3A_660 : i32 to vector<16xi32>
      %get3A_662 = arith.index_cast %add3A_660 : i32 to index
      %get3A_663 = arith.constant 0 : index
      %get3A_664 = tpu.vector_load %arg7[%get3A_662, %get3A_663] {strides = array<i32>} : memref<128x32xf32, #tpu.memory_space<vmem>>, vector<16xf32>,
      %get3A_665 = arith.index_cast %add3A_660 : i32 to index
      %get3A_666 = arith.constant 16 : index
      %get3A_667 = tpu.vector_load %arg7[%get3A_665, %get3A_666] {strides = array<i32>} : memref<128x32xf32, #tpu.memory_space<vmem>>, vector<16xf32>,
      tpu.vector_store_idx %arg9[%iota3A, %broadcast_in_dim3A_661], %get3A_664 : memref<32x129xf32, #tpu.memory_space<vmem>>[vector<16xi32>, vector<16xi32>], vector<16xf32>,
      tpu.vector_store_idx %arg9[%add3A_5, %broadcast_in_dim3A_661], %get3A_667 : memref<32x129xf32, #tpu.memory_space<vmem>>[vector<16xi32>, vector<16xi32>], vector<16xf32>,
      %add3A_668 = arith.constant 6 : i32
      %add3A_669 = arith.addi %mul3A_615, %add3A_668 : i32
      %broadcast_in_dim3A_670 = vector.broadcast %add3A_669 : i32 to vector<16xi32>
      %get3A_671 = arith.index_cast %add3A_669 : i32 to index
      %get3A_672 = arith.constant 0 : index
      %get3A_673 = tpu.vector_load %arg7[%get3A_671, %get3A_672] {strides = array<i32>} : memref<128x32xf32, #tpu.memory_space<vmem>>, vector<16xf32>,
      %get3A_674 = arith.index_cast %add3A_669 : i32 to index
      %get3A_675 = arith.constant 16 : index
      %get3A_676 = tpu.vector_load %arg7[%get3A_674, %get3A_675] {strides = array<i32>} : memref<128x32xf32, #tpu.memory_space<vmem>>, vector<16xf32>,
      tpu.vector_store_idx %arg9[%iota3A, %broadcast_in_dim3A_670], %get3A_673 : memref<32x129xf32, #tpu.memory_space<vmem>>[vector<16xi32>, vector<16xi32>], vector<16xf32>,
      tpu.vector_store_idx %arg9[%add3A_5, %broadcast_in_dim3A_670], %get3A_676 : memref<32x129xf32, #tpu.memory_space<vmem>>[vector<16xi32>, vector<16xi32>], vector<16xf32>,
      %add3A_677 = arith.constant 7 : i32
      %add3A_678 = arith.addi %mul3A_615, %add3A_677 : i32
      %broadcast_in_dim3A_679 = vector.broadcast %add3A_678 : i32 to vector<16xi32>
      %get3A_680 = arith.index_cast %add3A_678 : i32 to index
      %get3A_681 = arith.constant 0 : index
      %get3A_682 = tpu.vector_load %arg7[%get3A_680, %get3A_681] {strides = array<i32>} : memref<128x32xf32, #tpu.memory_space<vmem>>, vector<16xf32>,
      %get3A_683 = arith.index_cast %add3A_678 : i32 to index
      %get3A_684 = arith.constant 16 : index
      %get3A_685 = tpu.vector_load %arg7[%get3A_683, %get3A_684] {strides = array<i32>} : memref<128x32xf32, #tpu.memory_space<vmem>>, vector<16xf32>,
      tpu.vector_store_idx %arg9[%iota3A, %broadcast_in_dim3A_679], %get3A_682 : memref<32x129xf32, #tpu.memory_space<vmem>>[vector<16xi32>, vector<16xi32>], vector<16xf32>,
      tpu.vector_store_idx %arg9[%add3A_5, %broadcast_in_dim3A_679], %get3A_685 : memref<32x129xf32, #tpu.memory_space<vmem>>[vector<16xi32>, vector<16xi32>], vector<16xf32>,
    }
    %scan3A_412 = arith.constant 16 : i32
    %dma_start3A_413 = arith.constant 199 : i32
    %dma_start3A_414 = arith.constant 0 : i32
    %dma_start3A_415 = arith.constant 0 : i32
    %dma_start3A_416 = arith.constant 0 : i32
    %dma_start3A_417 = tpu.memref_slice %arg9[%dma_start3A_415, %dma_start3A_416] : memref<32x129xf32, #tpu.memory_space<vmem>> -> memref<8x128xf32, #tpu.memory_space<vmem>>
    %dma_start3A_418 = arith.constant 0 : i32
    %dma_start3A_419 = arith.constant 0 : i32
    %dma_start3A_420 = tpu.memref_slice %arg4[%dma_start3A_413, %dma_start3A_414, %add3A, %dma_start3A_418, %dma_start3A_419] : memref<200x4x32x8x128xf32, #tpu.memory_space<hbm>> -> memref<1x1x1x8x128xf32, #tpu.memory_space<hbm>>
    %dma_start3A_421 = tpu.memref_squeeze %dma_start3A_420 : memref<1x1x1x8x128xf32, #tpu.memory_space<hbm>> -> memref<8x128xf32, #tpu.memory_space<hbm>>
    %dma_start3A_422 = arith.constant 0 : i32
    %dma_start3A_423 = arith.constant 0 : i32
    %dma_start3A_424 = tpu.memref_slice %arg4[%dma_start3A_413, %dma_start3A_414, %add3A, %dma_start3A_422, %dma_start3A_423] : memref<200x4x32x8x128xf32, #tpu.memory_space<hbm>> -> memref<1x1x1x8x128xf32, #tpu.memory_space<hbm>>
    %dma_start3A_425 = tpu.memref_squeeze %dma_start3A_424 : memref<1x1x1x8x128xf32, #tpu.memory_space<hbm>> -> memref<8x128xf32, #tpu.memory_space<hbm>>
    %dma_start3A_426 = arith.constant 0 : i32
    %dma_start3A_427 = arith.constant 0 : i32
    %dma_start3A_428 = tpu.memref_slice %arg9[%dma_start3A_426, %dma_start3A_427] : memref<32x129xf32, #tpu.memory_space<vmem>> -> memref<8x128xf32, #tpu.memory_space<vmem>>
    tpu.enqueue_dma source(%dma_start3A_428 : memref<8x128xf32, #tpu.memory_space<vmem>>) target(%dma_start3A_425 : memref<8x128xf32, #tpu.memory_space<hbm>>) target_semaphore(%arg13 : memref<!tpu.dma_semaphore, #tpu.memory_space<semaphore_mem>>)
    %dma_start3A_429 = arith.constant 199 : i32
    %dma_start3A_430 = arith.constant 1 : i32
    %dma_start3A_431 = arith.constant 8 : i32
    %dma_start3A_432 = arith.constant 0 : i32
    %dma_start3A_433 = tpu.memref_slice %arg9[%dma_start3A_431, %dma_start3A_432] : memref<32x129xf32, #tpu.memory_space<vmem>> -> memref<8x128xf32, #tpu.memory_space<vmem>>
    %dma_start3A_434 = arith.constant 0 : i32
    %dma_start3A_435 = arith.constant 0 : i32
    %dma_start3A_436 = tpu.memref_slice %arg4[%dma_start3A_429, %dma_start3A_430, %add3A, %dma_start3A_434, %dma_start3A_435] : memref<200x4x32x8x128xf32, #tpu.memory_space<hbm>> -> memref<1x1x1x8x128xf32, #tpu.memory_space<hbm>>
    %dma_start3A_437 = tpu.memref_squeeze %dma_start3A_436 : memref<1x1x1x8x128xf32, #tpu.memory_space<hbm>> -> memref<8x128xf32, #tpu.memory_space<hbm>>
    %dma_start3A_438 = arith.constant 0 : i32
    %dma_start3A_439 = arith.constant 0 : i32
    %dma_start3A_440 = tpu.memref_slice %arg4[%dma_start3A_429, %dma_start3A_430, %add3A, %dma_start3A_438, %dma_start3A_439] : memref<200x4x32x8x128xf32, #tpu.memory_space<hbm>> -> memref<1x1x1x8x128xf32, #tpu.memory_space<hbm>>
    %dma_start3A_441 = tpu.memref_squeeze %dma_start3A_440 : memref<1x1x1x8x128xf32, #tpu.memory_space<hbm>> -> memref<8x128xf32, #tpu.memory_space<hbm>>
    %dma_start3A_442 = arith.constant 8 : i32
    %dma_start3A_443 = arith.constant 0 : i32
    %dma_start3A_444 = tpu.memref_slice %arg9[%dma_start3A_442, %dma_start3A_443] : memref<32x129xf32, #tpu.memory_space<vmem>> -> memref<8x128xf32, #tpu.memory_space<vmem>>
    tpu.enqueue_dma source(%dma_start3A_444 : memref<8x128xf32, #tpu.memory_space<vmem>>) target(%dma_start3A_441 : memref<8x128xf32, #tpu.memory_space<hbm>>) target_semaphore(%arg13 : memref<!tpu.dma_semaphore, #tpu.memory_space<semaphore_mem>>)
    %dma_start3A_445 = arith.constant 199 : i32
    %dma_start3A_446 = arith.constant 2 : i32
    %dma_start3A_447 = arith.constant 16 : i32
    %dma_start3A_448 = arith.constant 0 : i32
    %dma_start3A_449 = tpu.memref_slice %arg9[%dma_start3A_447, %dma_start3A_448] : memref<32x129xf32, #tpu.memory_space<vmem>> -> memref<8x128xf32, #tpu.memory_space<vmem>>
    %dma_start3A_450 = arith.constant 0 : i32
    %dma_start3A_451 = arith.constant 0 : i32
    %dma_start3A_452 = tpu.memref_slice %arg4[%dma_start3A_445, %dma_start3A_446, %add3A, %dma_start3A_450, %dma_start3A_451] : memref<200x4x32x8x128xf32, #tpu.memory_space<hbm>> -> memref<1x1x1x8x128xf32, #tpu.memory_space<hbm>>
    %dma_start3A_453 = tpu.memref_squeeze %dma_start3A_452 : memref<1x1x1x8x128xf32, #tpu.memory_space<hbm>> -> memref<8x128xf32, #tpu.memory_space<hbm>>
    %dma_start3A_454 = arith.constant 0 : i32
    %dma_start3A_455 = arith.constant 0 : i32
    %dma_start3A_456 = tpu.memref_slice %arg4[%dma_start3A_445, %dma_start3A_446, %add3A, %dma_start3A_454, %dma_start3A_455] : memref<200x4x32x8x128xf32, #tpu.memory_space<hbm>> -> memref<1x1x1x8x128xf32, #tpu.memory_space<hbm>>
    %dma_start3A_457 = tpu.memref_squeeze %dma_start3A_456 : memref<1x1x1x8x128xf32, #tpu.memory_space<hbm>> -> memref<8x128xf32, #tpu.memory_space<hbm>>
    %dma_start3A_458 = arith.constant 16 : i32
    %dma_start3A_459 = arith.constant 0 : i32
    %dma_start3A_460 = tpu.memref_slice %arg9[%dma_start3A_458, %dma_start3A_459] : memref<32x129xf32, #tpu.memory_space<vmem>> -> memref<8x128xf32, #tpu.memory_space<vmem>>
    tpu.enqueue_dma source(%dma_start3A_460 : memref<8x128xf32, #tpu.memory_space<vmem>>) target(%dma_start3A_457 : memref<8x128xf32, #tpu.memory_space<hbm>>) target_semaphore(%arg13 : memref<!tpu.dma_semaphore, #tpu.memory_space<semaphore_mem>>)
    %dma_start3A_461 = arith.constant 199 : i32
    %dma_start3A_462 = arith.constant 3 : i32
    %dma_start3A_463 = arith.constant 24 : i32
    %dma_start3A_464 = arith.constant 0 : i32
    %dma_start3A_465 = tpu.memref_slice %arg9[%dma_start3A_463, %dma_start3A_464] : memref<32x129xf32, #tpu.memory_space<vmem>> -> memref<8x128xf32, #tpu.memory_space<vmem>>
    %dma_start3A_466 = arith.constant 0 : i32
    %dma_start3A_467 = arith.constant 0 : i32
    %dma_start3A_468 = tpu.memref_slice %arg4[%dma_start3A_461, %dma_start3A_462, %add3A, %dma_start3A_466, %dma_start3A_467] : memref<200x4x32x8x128xf32, #tpu.memory_space<hbm>> -> memref<1x1x1x8x128xf32, #tpu.memory_space<hbm>>
    %dma_start3A_469 = tpu.memref_squeeze %dma_start3A_468 : memref<1x1x1x8x128xf32, #tpu.memory_space<hbm>> -> memref<8x128xf32, #tpu.memory_space<hbm>>
    %dma_start3A_470 = arith.constant 0 : i32
    %dma_start3A_471 = arith.constant 0 : i32
    %dma_start3A_472 = tpu.memref_slice %arg4[%dma_start3A_461, %dma_start3A_462, %add3A, %dma_start3A_470, %dma_start3A_471] : memref<200x4x32x8x128xf32, #tpu.memory_space<hbm>> -> memref<1x1x1x8x128xf32, #tpu.memory_space<hbm>>
    %dma_start3A_473 = tpu.memref_squeeze %dma_start3A_472 : memref<1x1x1x8x128xf32, #tpu.memory_space<hbm>> -> memref<8x128xf32, #tpu.memory_space<hbm>>
    %dma_start3A_474 = arith.constant 24 : i32
    %dma_start3A_475 = arith.constant 0 : i32
    %dma_start3A_476 = tpu.memref_slice %arg9[%dma_start3A_474, %dma_start3A_475] : memref<32x129xf32, #tpu.memory_space<vmem>> -> memref<8x128xf32, #tpu.memory_space<vmem>>
    tpu.enqueue_dma source(%dma_start3A_476 : memref<8x128xf32, #tpu.memory_space<vmem>>) target(%dma_start3A_473 : memref<8x128xf32, #tpu.memory_space<hbm>>) target_semaphore(%arg13 : memref<!tpu.dma_semaphore, #tpu.memory_space<semaphore_mem>>)
    %dma_wait3A_477 = arith.constant 0 : i32
    %dma_wait3A_478 = arith.constant 0 : i32
    %dma_wait3A_479 = arith.constant 0 : i32
    %dma_wait3A_480 = arith.constant 0 : i32
    %dma_wait3A_481 = arith.constant 0 : i32
    %dma_wait3A_482 = tpu.memref_slice %arg8[%dma_wait3A_480, %dma_wait3A_481] : memref<32x129xf32, #tpu.memory_space<vmem>> -> memref<8x128xf32, #tpu.memory_space<vmem>>
    %dma_wait3A_483 = arith.constant 0 : i32
    %dma_wait3A_484 = arith.constant 0 : i32
    %dma_wait3A_485 = tpu.memref_slice %arg4[%dma_wait3A_477, %dma_wait3A_478, %dma_wait3A_479, %dma_wait3A_483, %dma_wait3A_484] : memref<200x4x32x8x128xf32, #tpu.memory_space<hbm>> -> memref<1x1x1x8x128xf32, #tpu.memory_space<hbm>>
    %dma_wait3A_486 = tpu.memref_squeeze %dma_wait3A_485 : memref<1x1x1x8x128xf32, #tpu.memory_space<hbm>> -> memref<8x128xf32, #tpu.memory_space<hbm>>
    %dma_wait3A_487 = arith.constant 0 : i32
    %dma_wait3A_488 = arith.constant 0 : i32
    %dma_wait3A_489 = tpu.memref_slice %arg4[%dma_wait3A_477, %dma_wait3A_478, %dma_wait3A_479, %dma_wait3A_487, %dma_wait3A_488] : memref<200x4x32x8x128xf32, #tpu.memory_space<hbm>> -> memref<1x1x1x8x128xf32, #tpu.memory_space<hbm>>
    %dma_wait3A_490 = tpu.memref_squeeze %dma_wait3A_489 : memref<1x1x1x8x128xf32, #tpu.memory_space<hbm>> -> memref<8x128xf32, #tpu.memory_space<hbm>>
    %dma_wait3A_491 = arith.constant 0 : i32
    %dma_wait3A_492 = arith.constant 0 : i32
    %dma_wait3A_493 = tpu.memref_slice %arg8[%dma_wait3A_491, %dma_wait3A_492] : memref<32x129xf32, #tpu.memory_space<vmem>> -> memref<8x128xf32, #tpu.memory_space<vmem>>
    tpu.wait_dma2 semaphore(%arg12 : memref<!tpu.dma_semaphore, #tpu.memory_space<semaphore_mem>>) src(%dma_wait3A_493 : memref<8x128xf32, #tpu.memory_space<vmem>>) dst(%dma_wait3A_490 : memref<8x128xf32, #tpu.memory_space<hbm>>)
    %dma_wait3A_494 = arith.constant 0 : i32
    %dma_wait3A_495 = arith.constant 0 : i32
    %dma_wait3A_496 = arith.constant 0 : i32
    %dma_wait3A_497 = arith.constant 8 : i32
    %dma_wait3A_498 = arith.constant 0 : i32
    %dma_wait3A_499 = tpu.memref_slice %arg8[%dma_wait3A_497, %dma_wait3A_498] : memref<32x129xf32, #tpu.memory_space<vmem>> -> memref<8x128xf32, #tpu.memory_space<vmem>>
    %dma_wait3A_500 = arith.constant 0 : i32
    %dma_wait3A_501 = arith.constant 0 : i32
    %dma_wait3A_502 = tpu.memref_slice %arg4[%dma_wait3A_494, %dma_wait3A_495, %dma_wait3A_496, %dma_wait3A_500, %dma_wait3A_501] : memref<200x4x32x8x128xf32, #tpu.memory_space<hbm>> -> memref<1x1x1x8x128xf32, #tpu.memory_space<hbm>>
    %dma_wait3A_503 = tpu.memref_squeeze %dma_wait3A_502 : memref<1x1x1x8x128xf32, #tpu.memory_space<hbm>> -> memref<8x128xf32, #tpu.memory_space<hbm>>
    %dma_wait3A_504 = arith.constant 0 : i32
    %dma_wait3A_505 = arith.constant 0 : i32
    %dma_wait3A_506 = tpu.memref_slice %arg4[%dma_wait3A_494, %dma_wait3A_495, %dma_wait3A_496, %dma_wait3A_504, %dma_wait3A_505] : memref<200x4x32x8x128xf32, #tpu.memory_space<hbm>> -> memref<1x1x1x8x128xf32, #tpu.memory_space<hbm>>
    %dma_wait3A_507 = tpu.memref_squeeze %dma_wait3A_506 : memref<1x1x1x8x128xf32, #tpu.memory_space<hbm>> -> memref<8x128xf32, #tpu.memory_space<hbm>>
    %dma_wait3A_508 = arith.constant 8 : i32
    %dma_wait3A_509 = arith.constant 0 : i32
    %dma_wait3A_510 = tpu.memref_slice %arg8[%dma_wait3A_508, %dma_wait3A_509] : memref<32x129xf32, #tpu.memory_space<vmem>> -> memref<8x128xf32, #tpu.memory_space<vmem>>
    tpu.wait_dma2 semaphore(%arg12 : memref<!tpu.dma_semaphore, #tpu.memory_space<semaphore_mem>>) src(%dma_wait3A_510 : memref<8x128xf32, #tpu.memory_space<vmem>>) dst(%dma_wait3A_507 : memref<8x128xf32, #tpu.memory_space<hbm>>)
    %dma_wait3A_511 = arith.constant 0 : i32
    %dma_wait3A_512 = arith.constant 0 : i32
    %dma_wait3A_513 = arith.constant 0 : i32
    %dma_wait3A_514 = arith.constant 16 : i32
    %dma_wait3A_515 = arith.constant 0 : i32
    %dma_wait3A_516 = tpu.memref_slice %arg8[%dma_wait3A_514, %dma_wait3A_515] : memref<32x129xf32, #tpu.memory_space<vmem>> -> memref<8x128xf32, #tpu.memory_space<vmem>>
    %dma_wait3A_517 = arith.constant 0 : i32
    %dma_wait3A_518 = arith.constant 0 : i32
    %dma_wait3A_519 = tpu.memref_slice %arg4[%dma_wait3A_511, %dma_wait3A_512, %dma_wait3A_513, %dma_wait3A_517, %dma_wait3A_518] : memref<200x4x32x8x128xf32, #tpu.memory_space<hbm>> -> memref<1x1x1x8x128xf32, #tpu.memory_space<hbm>>
    %dma_wait3A_520 = tpu.memref_squeeze %dma_wait3A_519 : memref<1x1x1x8x128xf32, #tpu.memory_space<hbm>> -> memref<8x128xf32, #tpu.memory_space<hbm>>
    %dma_wait3A_521 = arith.constant 0 : i32
    %dma_wait3A_522 = arith.constant 0 : i32
    %dma_wait3A_523 = tpu.memref_slice %arg4[%dma_wait3A_511, %dma_wait3A_512, %dma_wait3A_513, %dma_wait3A_521, %dma_wait3A_522] : memref<200x4x32x8x128xf32, #tpu.memory_space<hbm>> -> memref<1x1x1x8x128xf32, #tpu.memory_space<hbm>>
    %dma_wait3A_524 = tpu.memref_squeeze %dma_wait3A_523 : memref<1x1x1x8x128xf32, #tpu.memory_space<hbm>> -> memref<8x128xf32, #tpu.memory_space<hbm>>
    %dma_wait3A_525 = arith.constant 16 : i32
    %dma_wait3A_526 = arith.constant 0 : i32
    %dma_wait3A_527 = tpu.memref_slice %arg8[%dma_wait3A_525, %dma_wait3A_526] : memref<32x129xf32, #tpu.memory_space<vmem>> -> memref<8x128xf32, #tpu.memory_space<vmem>>
    tpu.wait_dma2 semaphore(%arg12 : memref<!tpu.dma_semaphore, #tpu.memory_space<semaphore_mem>>) src(%dma_wait3A_527 : memref<8x128xf32, #tpu.memory_space<vmem>>) dst(%dma_wait3A_524 : memref<8x128xf32, #tpu.memory_space<hbm>>)
    %dma_wait3A_528 = arith.constant 0 : i32
    %dma_wait3A_529 = arith.constant 0 : i32
    %dma_wait3A_530 = arith.constant 0 : i32
    %dma_wait3A_531 = arith.constant 24 : i32
    %dma_wait3A_532 = arith.constant 0 : i32
    %dma_wait3A_533 = tpu.memref_slice %arg8[%dma_wait3A_531, %dma_wait3A_532] : memref<32x129xf32, #tpu.memory_space<vmem>> -> memref<8x128xf32, #tpu.memory_space<vmem>>
    %dma_wait3A_534 = arith.constant 0 : i32
    %dma_wait3A_535 = arith.constant 0 : i32
    %dma_wait3A_536 = tpu.memref_slice %arg4[%dma_wait3A_528, %dma_wait3A_529, %dma_wait3A_530, %dma_wait3A_534, %dma_wait3A_535] : memref<200x4x32x8x128xf32, #tpu.memory_space<hbm>> -> memref<1x1x1x8x128xf32, #tpu.memory_space<hbm>>
    %dma_wait3A_537 = tpu.memref_squeeze %dma_wait3A_536 : memref<1x1x1x8x128xf32, #tpu.memory_space<hbm>> -> memref<8x128xf32, #tpu.memory_space<hbm>>
    %dma_wait3A_538 = arith.constant 0 : i32
    %dma_wait3A_539 = arith.constant 0 : i32
    %dma_wait3A_540 = tpu.memref_slice %arg4[%dma_wait3A_528, %dma_wait3A_529, %dma_wait3A_530, %dma_wait3A_538, %dma_wait3A_539] : memref<200x4x32x8x128xf32, #tpu.memory_space<hbm>> -> memref<1x1x1x8x128xf32, #tpu.memory_space<hbm>>
    %dma_wait3A_541 = tpu.memref_squeeze %dma_wait3A_540 : memref<1x1x1x8x128xf32, #tpu.memory_space<hbm>> -> memref<8x128xf32, #tpu.memory_space<hbm>>
    %dma_wait3A_542 = arith.constant 24 : i32
    %dma_wait3A_543 = arith.constant 0 : i32
    %dma_wait3A_544 = tpu.memref_slice %arg8[%dma_wait3A_542, %dma_wait3A_543] : memref<32x129xf32, #tpu.memory_space<vmem>> -> memref<8x128xf32, #tpu.memory_space<vmem>>
    tpu.wait_dma2 semaphore(%arg12 : memref<!tpu.dma_semaphore, #tpu.memory_space<semaphore_mem>>) src(%dma_wait3A_544 : memref<8x128xf32, #tpu.memory_space<vmem>>) dst(%dma_wait3A_541 : memref<8x128xf32, #tpu.memory_space<hbm>>)
    %dma_wait3A_545 = arith.constant 0 : i32
    %dma_wait3A_546 = arith.constant 0 : i32
    %dma_wait3A_547 = arith.constant 0 : i32
    %dma_wait3A_548 = arith.constant 0 : i32
    %dma_wait3A_549 = arith.constant 0 : i32
    %dma_wait3A_550 = tpu.memref_slice %arg9[%dma_wait3A_548, %dma_wait3A_549] : memref<32x129xf32, #tpu.memory_space<vmem>> -> memref<8x128xf32, #tpu.memory_space<vmem>>
    %dma_wait3A_551 = arith.constant 0 : i32
    %dma_wait3A_552 = arith.constant 0 : i32
    %dma_wait3A_553 = tpu.memref_slice %arg4[%dma_wait3A_545, %dma_wait3A_546, %dma_wait3A_547, %dma_wait3A_551, %dma_wait3A_552] : memref<200x4x32x8x128xf32, #tpu.memory_space<hbm>> -> memref<1x1x1x8x128xf32, #tpu.memory_space<hbm>>
    %dma_wait3A_554 = tpu.memref_squeeze %dma_wait3A_553 : memref<1x1x1x8x128xf32, #tpu.memory_space<hbm>> -> memref<8x128xf32, #tpu.memory_space<hbm>>
    %dma_wait3A_555 = arith.constant 0 : i32
    %dma_wait3A_556 = arith.constant 0 : i32
    %dma_wait3A_557 = tpu.memref_slice %arg4[%dma_wait3A_545, %dma_wait3A_546, %dma_wait3A_547, %dma_wait3A_555, %dma_wait3A_556] : memref<200x4x32x8x128xf32, #tpu.memory_space<hbm>> -> memref<1x1x1x8x128xf32, #tpu.memory_space<hbm>>
    %dma_wait3A_558 = tpu.memref_squeeze %dma_wait3A_557 : memref<1x1x1x8x128xf32, #tpu.memory_space<hbm>> -> memref<8x128xf32, #tpu.memory_space<hbm>>
    %dma_wait3A_559 = arith.constant 0 : i32
    %dma_wait3A_560 = arith.constant 0 : i32
    %dma_wait3A_561 = tpu.memref_slice %arg9[%dma_wait3A_559, %dma_wait3A_560] : memref<32x129xf32, #tpu.memory_space<vmem>> -> memref<8x128xf32, #tpu.memory_space<vmem>>
    tpu.wait_dma2 semaphore(%arg13 : memref<!tpu.dma_semaphore, #tpu.memory_space<semaphore_mem>>) src(%dma_wait3A_561 : memref<8x128xf32, #tpu.memory_space<vmem>>) dst(%dma_wait3A_558 : memref<8x128xf32, #tpu.memory_space<hbm>>)
    %dma_wait3A_562 = arith.constant 0 : i32
    %dma_wait3A_563 = arith.constant 0 : i32
    %dma_wait3A_564 = arith.constant 0 : i32
    %dma_wait3A_565 = arith.constant 8 : i32
    %dma_wait3A_566 = arith.constant 0 : i32
    %dma_wait3A_567 = tpu.memref_slice %arg9[%dma_wait3A_565, %dma_wait3A_566] : memref<32x129xf32, #tpu.memory_space<vmem>> -> memref<8x128xf32, #tpu.memory_space<vmem>>
    %dma_wait3A_568 = arith.constant 0 : i32
    %dma_wait3A_569 = arith.constant 0 : i32
    %dma_wait3A_570 = tpu.memref_slice %arg4[%dma_wait3A_562, %dma_wait3A_563, %dma_wait3A_564, %dma_wait3A_568, %dma_wait3A_569] : memref<200x4x32x8x128xf32, #tpu.memory_space<hbm>> -> memref<1x1x1x8x128xf32, #tpu.memory_space<hbm>>
    %dma_wait3A_571 = tpu.memref_squeeze %dma_wait3A_570 : memref<1x1x1x8x128xf32, #tpu.memory_space<hbm>> -> memref<8x128xf32, #tpu.memory_space<hbm>>
    %dma_wait3A_572 = arith.constant 0 : i32
    %dma_wait3A_573 = arith.constant 0 : i32
    %dma_wait3A_574 = tpu.memref_slice %arg4[%dma_wait3A_562, %dma_wait3A_563, %dma_wait3A_564, %dma_wait3A_572, %dma_wait3A_573] : memref<200x4x32x8x128xf32, #tpu.memory_space<hbm>> -> memref<1x1x1x8x128xf32, #tpu.memory_space<hbm>>
    %dma_wait3A_575 = tpu.memref_squeeze %dma_wait3A_574 : memref<1x1x1x8x128xf32, #tpu.memory_space<hbm>> -> memref<8x128xf32, #tpu.memory_space<hbm>>
    %dma_wait3A_576 = arith.constant 8 : i32
    %dma_wait3A_577 = arith.constant 0 : i32
    %dma_wait3A_578 = tpu.memref_slice %arg9[%dma_wait3A_576, %dma_wait3A_577] : memref<32x129xf32, #tpu.memory_space<vmem>> -> memref<8x128xf32, #tpu.memory_space<vmem>>
    tpu.wait_dma2 semaphore(%arg13 : memref<!tpu.dma_semaphore, #tpu.memory_space<semaphore_mem>>) src(%dma_wait3A_578 : memref<8x128xf32, #tpu.memory_space<vmem>>) dst(%dma_wait3A_575 : memref<8x128xf32, #tpu.memory_space<hbm>>)
    %dma_wait3A_579 = arith.constant 0 : i32
    %dma_wait3A_580 = arith.constant 0 : i32
    %dma_wait3A_581 = arith.constant 0 : i32
    %dma_wait3A_582 = arith.constant 16 : i32
    %dma_wait3A_583 = arith.constant 0 : i32
    %dma_wait3A_584 = tpu.memref_slice %arg9[%dma_wait3A_582, %dma_wait3A_583] : memref<32x129xf32, #tpu.memory_space<vmem>> -> memref<8x128xf32, #tpu.memory_space<vmem>>
    %dma_wait3A_585 = arith.constant 0 : i32
    %dma_wait3A_586 = arith.constant 0 : i32
    %dma_wait3A_587 = tpu.memref_slice %arg4[%dma_wait3A_579, %dma_wait3A_580, %dma_wait3A_581, %dma_wait3A_585, %dma_wait3A_586] : memref<200x4x32x8x128xf32, #tpu.memory_space<hbm>> -> memref<1x1x1x8x128xf32, #tpu.memory_space<hbm>>
    %dma_wait3A_588 = tpu.memref_squeeze %dma_wait3A_587 : memref<1x1x1x8x128xf32, #tpu.memory_space<hbm>> -> memref<8x128xf32, #tpu.memory_space<hbm>>
    %dma_wait3A_589 = arith.constant 0 : i32
    %dma_wait3A_590 = arith.constant 0 : i32
    %dma_wait3A_591 = tpu.memref_slice %arg4[%dma_wait3A_579, %dma_wait3A_580, %dma_wait3A_581, %dma_wait3A_589, %dma_wait3A_590] : memref<200x4x32x8x128xf32, #tpu.memory_space<hbm>> -> memref<1x1x1x8x128xf32, #tpu.memory_space<hbm>>
    %dma_wait3A_592 = tpu.memref_squeeze %dma_wait3A_591 : memref<1x1x1x8x128xf32, #tpu.memory_space<hbm>> -> memref<8x128xf32, #tpu.memory_space<hbm>>
    %dma_wait3A_593 = arith.constant 16 : i32
    %dma_wait3A_594 = arith.constant 0 : i32
    %dma_wait3A_595 = tpu.memref_slice %arg9[%dma_wait3A_593, %dma_wait3A_594] : memref<32x129xf32, #tpu.memory_space<vmem>> -> memref<8x128xf32, #tpu.memory_space<vmem>>
    tpu.wait_dma2 semaphore(%arg13 : memref<!tpu.dma_semaphore, #tpu.memory_space<semaphore_mem>>) src(%dma_wait3A_595 : memref<8x128xf32, #tpu.memory_space<vmem>>) dst(%dma_wait3A_592 : memref<8x128xf32, #tpu.memory_space<hbm>>)
    %dma_wait3A_596 = arith.constant 0 : i32
    %dma_wait3A_597 = arith.constant 0 : i32
    %dma_wait3A_598 = arith.constant 0 : i32
    %dma_wait3A_599 = arith.constant 24 : i32
    %dma_wait3A_600 = arith.constant 0 : i32
    %dma_wait3A_601 = tpu.memref_slice %arg9[%dma_wait3A_599, %dma_wait3A_600] : memref<32x129xf32, #tpu.memory_space<vmem>> -> memref<8x128xf32, #tpu.memory_space<vmem>>
    %dma_wait3A_602 = arith.constant 0 : i32
    %dma_wait3A_603 = arith.constant 0 : i32
    %dma_wait3A_604 = tpu.memref_slice %arg4[%dma_wait3A_596, %dma_wait3A_597, %dma_wait3A_598, %dma_wait3A_602, %dma_wait3A_603] : memref<200x4x32x8x128xf32, #tpu.memory_space<hbm>> -> memref<1x1x1x8x128xf32, #tpu.memory_space<hbm>>
    %dma_wait3A_605 = tpu.memref_squeeze %dma_wait3A_604 : memref<1x1x1x8x128xf32, #tpu.memory_space<hbm>> -> memref<8x128xf32, #tpu.memory_space<hbm>>
    %dma_wait3A_606 = arith.constant 0 : i32
    %dma_wait3A_607 = arith.constant 0 : i32
    %dma_wait3A_608 = tpu.memref_slice %arg4[%dma_wait3A_596, %dma_wait3A_597, %dma_wait3A_598, %dma_wait3A_606, %dma_wait3A_607] : memref<200x4x32x8x128xf32, #tpu.memory_space<hbm>> -> memref<1x1x1x8x128xf32, #tpu.memory_space<hbm>>
    %dma_wait3A_609 = tpu.memref_squeeze %dma_wait3A_608 : memref<1x1x1x8x128xf32, #tpu.memory_space<hbm>> -> memref<8x128xf32, #tpu.memory_space<hbm>>
    %dma_wait3A_610 = arith.constant 24 : i32
    %dma_wait3A_611 = arith.constant 0 : i32
    %dma_wait3A_612 = tpu.memref_slice %arg9[%dma_wait3A_610, %dma_wait3A_611] : memref<32x129xf32, #tpu.memory_space<vmem>> -> memref<8x128xf32, #tpu.memory_space<vmem>>
    tpu.wait_dma2 semaphore(%arg13 : memref<!tpu.dma_semaphore, #tpu.memory_space<semaphore_mem>>) src(%dma_wait3A_612 : memref<8x128xf32, #tpu.memory_space<vmem>>) dst(%dma_wait3A_609 : memref<8x128xf32, #tpu.memory_space<hbm>>)
    return
  }
}

module attributes {stable_mosaic.version = 14 : i64} {
  func.func @body(%arg0: i32, %arg1: memref<32x8192xf32, #tpu.memory_space<vmem>>, %arg2: memref<2048x128xf32, #tpu.memory_space<vmem>>) attributes {dimension_semantics = [#tpu.dimension_semantics<arbitrary>], iteration_bounds = array<i64: 123>, scalar_prefetch = 0 : i64, scratch_operands = 0 : i64, tpu.core_type = #tpu.core_type<tc>, window_params = [{transform_indices = @transform_0, window_bounds = array<i64: 32, 8192>}, {transform_indices = @transform_1, window_bounds = array<i64: 2048, 128>}]} {
    %get3A = arith.constant 0 : index
    %get3A_0 = arith.constant 0 : index
    %get3A_1 = vector.load %arg1[%get3A, %get3A_0] : memref<32x8192xf32, #tpu.memory_space<vmem>>, vector<32x8192xf32>
    %transpose3A = tpu.transpose %get3A_1, [1, 0] : vector<32x8192xf32> -> vector<8192x32xf32>
    %reshape3A = vector.shape_cast %transpose3A : vector<8192x32xf32> to vector<2048x4x32xf32>
    %slice3A = vector.extract_strided_slice %reshape3A {offsets = [0, 0, 0], sizes = [2048, 1, 32], strides = [1, 1, 1]} : vector<2048x4x32xf32> to vector<2048x1x32xf32>
    %squeeze3A = vector.shape_cast %slice3A : vector<2048x1x32xf32> to vector<2048x32xf32>
    %swap3A = arith.constant 0 : index
    %swap3A_2 = arith.constant 0 : index
    %swap3A_3 = vector.load %arg2[%swap3A, %swap3A_2] : memref<2048x128xf32, #tpu.memory_space<vmem>>, vector<2048x32xf32>
    tpu.vector_store %arg2[%swap3A, %swap3A_2], %squeeze3A {strides = array<i32>} : memref<2048x128xf32, #tpu.memory_space<vmem>>, vector<2048x32xf32>,
    %slice3A_4 = vector.extract_strided_slice %reshape3A {offsets = [0, 1, 0], sizes = [2048, 1, 32], strides = [1, 1, 1]} : vector<2048x4x32xf32> to vector<2048x1x32xf32>
    %squeeze3A_5 = vector.shape_cast %slice3A_4 : vector<2048x1x32xf32> to vector<2048x32xf32>
    %swap3A_6 = arith.constant 0 : index
    %swap3A_7 = arith.constant 32 : index
    %swap3A_8 = vector.load %arg2[%swap3A_6, %swap3A_7] : memref<2048x128xf32, #tpu.memory_space<vmem>>, vector<2048x32xf32>
    tpu.vector_store %arg2[%swap3A_6, %swap3A_7], %squeeze3A_5 {strides = array<i32>} : memref<2048x128xf32, #tpu.memory_space<vmem>>, vector<2048x32xf32>,
    %slice3A_9 = vector.extract_strided_slice %reshape3A {offsets = [0, 2, 0], sizes = [2048, 1, 32], strides = [1, 1, 1]} : vector<2048x4x32xf32> to vector<2048x1x32xf32>
    %squeeze3A_10 = vector.shape_cast %slice3A_9 : vector<2048x1x32xf32> to vector<2048x32xf32>
    %swap3A_11 = arith.constant 0 : index
    %swap3A_12 = arith.constant 64 : index
    %swap3A_13 = vector.load %arg2[%swap3A_11, %swap3A_12] : memref<2048x128xf32, #tpu.memory_space<vmem>>, vector<2048x32xf32>
    tpu.vector_store %arg2[%swap3A_11, %swap3A_12], %squeeze3A_10 {strides = array<i32>} : memref<2048x128xf32, #tpu.memory_space<vmem>>, vector<2048x32xf32>,
    %slice3A_14 = vector.extract_strided_slice %reshape3A {offsets = [0, 3, 0], sizes = [2048, 1, 32], strides = [1, 1, 1]} : vector<2048x4x32xf32> to vector<2048x1x32xf32>
    %squeeze3A_15 = vector.shape_cast %slice3A_14 : vector<2048x1x32xf32> to vector<2048x32xf32>
    %swap3A_16 = arith.constant 0 : index
    %swap3A_17 = arith.constant 96 : index
    %swap3A_18 = vector.load %arg2[%swap3A_16, %swap3A_17] : memref<2048x128xf32, #tpu.memory_space<vmem>>, vector<2048x32xf32>
    tpu.vector_store %arg2[%swap3A_16, %swap3A_17], %squeeze3A_15 {strides = array<i32>} : memref<2048x128xf32, #tpu.memory_space<vmem>>, vector<2048x32xf32>,
    return
  }
  func.func @transform_0(%arg0: i32) -> (i32, i32) {
    %c0_i32 = arith.constant 0 : i32
    %c0_i32_0 = arith.constant 0 : i32
    return %c0_i32, %arg0 : i32, i32
  }
  func.func @transform_1(%arg0: i32) -> (i32, i32) {
    %c0_i32 = arith.constant 0 : i32
    %c0_i32_0 = arith.constant 0 : i32
    return %arg0, %c0_i32 : i32, i32
  }
}

</mosaic_0001>

<sc_bundles>
// kernel: kernel.4.cloned.1.call-start
scs
__scs_entry_jumppad:
0x0: {  	(pc) =	sbr.rel $0x88, $3  }
0x1: {  	(tag) =	ssettag $0x0;
	lr =	simm.s32 $0x1  }
0x2: {  	[smem:$0x3F9F] =	sst lr;
	_ =	strace $0xD0000000  }
0x3: {  	_ = 	snop  }
0x4: {  	_ = 	snop  }
0x5: {  	_ = 	snop  }
0x6: {  	_ = 	snop  }
0x7: {  	_ = 	snop  }
__scs_overlays_trampoline_lowered:
0x8: {  	[smem:$0x3FAE] =	sst s0  }
0x9: {  	[smem:$0x3FAF] =	sst s1  }
0xa: {  	[smem:$0x3FB0] =	sst s2  }
0xb: {  	[smem:$0x3FB1] =	sst s3  }
0xc: {  	[smem:$0x3FB2] =	sst s4  }
0xd: {  	[smem:$0x3FB3] =	sst s5  }
0xe: {  	[smem:$0x3FB4] =	sst s6  }
0xf: {  	[smem:$0x3FB5] =	sst s7  }
0x10: {  	[smem:$0x3FB6] =	sst s8  }
0x11: {  	[smem:$0x3FB7] =	sst s9;
	s0 =	simm.s32 @!p0 $0x0  }
0x12: {  	s1 =	sld [smem:$0x3F9D];
	s0 =	simm.s32 @p0 $0x1  }
0x13: {  	[smem:$0x3FB8] =	sst s0;
	s0 =	simm.s32 @!p1 $0x0  }
0x14: {  	s2 =	sld [smem:$0x3F9C];
	s0 =	simm.s32 @p1 $0x1  }
0x15: {  	[smem:$0x3FB9] =	sst s0;
	s0 =	simm.s32 @!p2 $0x0  }
0x16: {  	s3 =	sld [smem:$0x3FDB];
	s0 =	simm.s32 @p2 $0x1  }
0x17: {  	s4 =	simm.s32 $0x1BF5;
	[smem:$0x3FBB] =	sst s0  }
0x18: {  	s0 =	sld [smem:$0x3F9E];
	_ =	swait.ge [sflag:s4], $0x0  }
0x19: {  	s7 =	sld [smem:$0x3F9F]  }
0x1a: {  	s8 =	sadd.s32 $0xFFFFE003, lr  }
0x1b: {  	s9 =	sadd.s32 $0xFFFFFEF7, lr;
	s5 =	simm.s32 $0xFFFFFFFF;
	p2 =	slt.u32 s8, $0xFFFFF086  }
0x1c: {  	p1 =	slt.u32 s9, $0xF7A;
	s5 =	simm.s32 @!p2 $0x0  }
0x1d: {  	s5 =	simm.s32 @p1 $0x1;
	p0 =	seq.s32 s7, s2  }
0x1e: {  	s7 =	smul.u32 @!p0 $0xF7A, s2;
	p2 =	seq.s32 @!p0 s5, $0x0  }
0x1f: {  	s9 =	smul.u32 $0xF7A, s1;
	s8 =	simm.s32 @!p0 $0x1BF5;
	p2 =	por !p2, p0  }
0x20: {  	[sflag:s8] =	ssyncset.s32 @!p0 $0xFFFFF086;
	s6 =	sadd.s32 @!p0 s3, s7;
	s7 =	simm.s32 @!p0 $0x108  }
0x21: {  	s3 =	sadd.s32 s3, s9;
	s6 =	sadd.s32 @!p0 $0x88, s6;
	s7 =	simm.s32 @p2 $0x1082  }
0x22: {  	[simem:s7], [sflag:s8] =	dma.local @!p0 [hbm:s6], $0xF7A  }
0x23: {  	s9 =	sor.u32 $0xD0000000, s2;
	s6 =	simm.s32 $0x108;
	_ =	swait.ge @!p0 [sflag:s8], $0x0  }
0x24: {  	s3 =	sadd.s32 $0x88, s3;
	s6 =	simm.s32 @!p1 $0x1082;
	[sflag:s4] =	ssyncset.s32 $0xFFFFF086  }
0x25: {  	[simem:s6], [sflag:s4] =	dma.local [hbm:s3], $0xF7A  }
0x26: {  	[smem:$0x3F9F] =	sst s1;
	(tag) =	ssettag s2;
	_ =	strace s9  }
0x27: {  	s1 =	sld [smem:$0x3FAF]  }
0x28: {  	s2 =	sld [smem:$0x3FB0]  }
0x29: {  	s4 =	sld [smem:$0x3FB2]  }
0x2a: {  	p0 =	seq.s32 s5, $0x0;
	s5 =	sld [smem:$0x3FB3]  }
0x2b: {  	s6 =	sld [smem:$0x3FB4]  }
0x2c: {  	s7 =	sld [smem:$0x3FB5]  }
0x2d: {  	s3 =	simm.s32 $0x108;
	s8 =	sld [smem:$0x3FB6]  }
0x2e: {  	s3 =	simm.s32 @!p0 $0x1082;
	s9 =	sld [smem:$0x3FB7]  }
0x2f: {  	lr =	sadd.s32 s0, s3;
	s0 =	sld [smem:$0x3FAE]  }
0x30: {  	s3 =	sld [smem:$0x3FB1]  }
0x31: {  	[smem:$0x3FBA] =	sst s10  }
0x32: {  	s10 =	sld [smem:$0x3FB8];
	_ =	sdelay $0x3  }
0x33: {  	p0 =	seq.s32 s10, $0x1;
	s10 =	sld [smem:$0x3FBA];
	_ =	sdelay $0x3  }
0x34: {  	[smem:$0x3FBA] =	sst s10  }
0x35: {  	s10 =	sld [smem:$0x3FB9];
	_ =	sdelay $0x3  }
0x36: {  	p1 =	seq.s32 s10, $0x1;
	s10 =	sld [smem:$0x3FBA];
	_ =	sdelay $0x3  }
0x37: {  	[smem:$0x3FBA] =	sst s10  }
0x38: {  	s10 =	sld [smem:$0x3FBB]  }
0x39: {  	_ = 	snop;
	(pc) =	sbr.ind lr, $3  }
0x3a: {  	_ = 	snop  }
0x3b: {  	_ = 	snop  }
0x3c: {  	p2 =	seq.s32 s10, $0x1;
	s10 =	sld [smem:$0x3FBA]  }
0x3d: {  	_ =	shalt  }
0x3e: {  	_ =	shalt  }
0x3f: {  	_ =	shalt  }
0x40: {  	_ =	shalt  }
0x41: {  	_ =	shalt  }
0x42: {  	_ =	shalt  }
0x43: {  	_ =	shalt  }
0x44: {  	_ =	shalt  }
0x45: {  	_ =	shalt  }
0x46: {  	_ =	shalt  }
0x47: {  	_ =	shalt  }
0x48: {  	_ =	shalt  }
0x49: {  	_ =	shalt  }
0x4a: {  	_ =	shalt  }
0x4b: {  	_ =	shalt  }
0x4c: {  	_ =	shalt  }
0x4d: {  	_ =	shalt  }
0x4e: {  	_ =	shalt  }
0x4f: {  	_ =	shalt  }
0x50: {  	_ =	shalt  }
0x51: {  	_ =	shalt  }
0x52: {  	_ =	shalt  }
0x53: {  	_ =	shalt  }
0x54: {  	_ =	shalt  }
0x55: {  	_ =	shalt  }
0x56: {  	_ =	shalt  }
0x57: {  	_ =	shalt  }
0x58: {  	_ =	shalt  }
0x59: {  	_ =	shalt  }
0x5a: {  	_ =	shalt  }
0x5b: {  	_ =	shalt  }
0x5c: {  	_ =	shalt  }
0x5d: {  	_ =	shalt  }
0x5e: {  	_ =	shalt  }
0x5f: {  	_ =	shalt  }
0x60: {  	_ =	shalt  }
0x61: {  	_ =	shalt  }
0x62: {  	_ =	shalt  }
0x63: {  	_ =	shalt  }
0x64: {  	_ =	shalt  }
0x65: {  	_ =	shalt  }
0x66: {  	_ =	shalt  }
0x67: {  	_ =	shalt  }
0x68: {  	_ =	shalt  }
0x69: {  	_ =	shalt  }
0x6a: {  	_ =	shalt  }
0x6b: {  	_ =	shalt  }
0x6c: {  	_ =	shalt  }
0x6d: {  	_ =	shalt  }
0x6e: {  	_ =	shalt  }
0x6f: {  	_ =	shalt  }
0x70: {  	_ =	shalt  }
0x71: {  	_ =	shalt  }
0x72: {  	_ =	shalt  }
0x73: {  	_ =	shalt  }
0x74: {  	_ =	shalt  }
0x75: {  	_ =	shalt  }
0x76: {  	_ =	shalt  }
0x77: {  	_ =	shalt  }
0x78: {  	_ =	shalt  }
0x79: {  	_ =	shalt  }
0x7a: {  	_ =	shalt  }
0x7b: {  	_ =	shalt  }
0x7c: {  	_ =	shalt  }
0x7d: {  	_ =	shalt  }
0x7e: {  	_ =	shalt  }
0x7f: {  	_ =	shalt  }
0x80: {  	_ =	shalt  }
0x81: {  	_ =	shalt  }
0x82: {  	_ =	shalt  }
0x83: {  	_ =	shalt  }
0x84: {  	_ =	shalt  }
0x85: {  	_ =	shalt  }
0x86: {  	_ =	shalt  }
0x87: {  	_ =	shalt  }
.Lfunc_end0:
.L_simem_size_0:
called_computation_lowered:
.L_overlay_start_0:
0x88: {  	s2 =	sld [smem:$0x3FD9]  }
0x89: {  	s3 =	sld [smem:$0x3FFE];
	_ =	sdelay $0x1  }
0x8a: {  	s1 =	srdreg.scid  }
0x8b: {  	s0 =	sand.u32 $0x1, s1  }
0x8c: {  	s17 =	sshll.u32 s0, $0xA;
	s2 =	sadd.s32 s3, s2  }
0x8d: {  	s2 =	sadd.s32 s2, s17  }
0x8e: {  	[smem:$0x3FC6] =	sst s2  }
0x8f: {  	_ = 	snop  }
0x90: {  	s2 =	sld [smem:$0x3FD0];
	(tm) =	ssettm $0x1  }
0x91: {  	s18 =	sld [smem:$0x3FFB];
	_ =	sdelay $0x3  }
0x92: {  	_ =	strace s18  }
0x93: {  	s3 =	sld [smem:$0x3FFC];
	_ =	sdelay $0x3  }
0x94: {  	_ =	strace s3  }
0x95: {  	s3 =	sld [smem:$0x3FFD];
	_ =	sdelay $0x3  }
0x96: {  	_ =	strace s3  }
0x97: {  	_ =	strace $0x8FFFFFFF  }
0x98: {  	s19 =	sld [smem:$0x3FDB];
	_ =	sdelay $0x1  }
0x99: {  	s4 =	simm.s32 $_scs_section_size  }
0x9a: {  	s5 =	simm.s32 $_size__tile_overlayer_lowered;
	s6 =	simm.s32 $_tile_overlayer_lowered  }
0x9b: {  	s22 =	simm.s32 $0x1BFF;
	s21 =	sshll.u32 s6, $0x1;
	s3 =	sadd.s32 s4, s19  }
0x9c: {  	s7 =	simm.s32 $0x0;
	s20 =	sshll.u32 s5, $0x1;
	s5 =	sadd.s32 s21, s3  }
0x9d: {  	[timem:s7], [sflag:s22] =	dma.local [hbm:s5], s20  }
0x9e: {  	_ =	swait.ge [sflag:s22], s20  }
0x9f: {  	s4 =	ssub.s32 $0x0, s20;
	[sflag:s22] =	ssyncset.done $0x0  }
0xa0: {  	[sflag:s22] =	ssyncadd.s32 s4;
	_ =	sdelay $0x1  }
0xa1: {  	s23 =	simm.s32 $0x1B8B  }
0xa2: {  	_ =	swait.ge [sflag:s23], $0x1  }
0xa3: {  	[sflag:s23] =	ssyncset.done $0x0  }
0xa4: {  	s25 =	simm.s32 $0x1B8E;
	s24 =	sld [smem:$0x3FFE];
	[sflag:s23] =	ssyncadd.s32 $0xFFFFFFFF  }
0xa5: {  	s26 =	simm.s32 $execute0_lowered;
	[smem:$0x3FD2] =	sst s25  }
0xa6: {  	s5 =	sshll.u32 s26, $0x1;
	_ =	strace $0x80000046;
	[dreg:$0x1] =	wrdreg $0xFFFFFFFF  }
0xa7: {  	s28 =	simm.s32 $_size_execute0_lowered;
	s3 =	sadd.s32 s3, s5;
	[dreg:$0x0] =	wrdreg $0x0  }
0xa8: {  	s5 =	sshll.u32 s28, $0x1;
	[dreg:$0x2] =	wrdreg s3  }
0xa9: {  	[dreg:$0x3] =	wrdreg s5  }
0xaa: {  	[dreg:$0x4] =	wrdreg $0xC0  }
0xab: {  	_ =	task [dreg:s7], $0x5FFFF  }
0xac: {  	[dreg:$0x1] =	wrdreg $0xFFFFFFFF  }
0xad: {  	[dreg:$0x0] =	wrdreg $0x60  }
0xae: {  	[dreg:$0x2] =	wrdreg s24  }
0xaf: {  	[dreg:$0x3] =	wrdreg s2  }
0xb0: {  	[dreg:$0x4] =	wrdreg $0x9  }
0xb1: {  	_ =	task.clear_ibuf [dreg:s7], $0x5FFFF;
	_ =	strace $0x90000046  }
0xb2: {  	s29 =	simm.s32 $0x9;
	_ =	strace $0x80000048  }
0xb3: {  	_ =	swait.ge [sflag:s29], $0x1  }
0xb4: {  	[sflag:s29] =	ssyncadd.s32 $0xFFFFFFFF  }
0xb5: {  	_ =	strace $0x90000048  }
0xb6: {  	_ =	sfence  }
0xb7: {  	s30 =	sld [smem:$0x0];
	_ =	sdelay $0x2  }
0xb8: {  	s31 =	sshll.u32 s1, $0xD;
	s1 =	sshrl.u32 s1, $0x2  }
0xb9: {  	s3 =	sand.u32 $0x4000, s31;
	s1 =	sadd.s32 s1, s30  }
0xba: {  	s0 =	sor.u32 s3, s0;
	s1 =	sshll.u32 s1, $0x11  }
0xbb: {  	s0 =	sor.u32 s1, s0  }
0xbc: {  	s0 =	sadd.s32 $0x8F2B, s0  }
0xbd: {  	[sflag:s0] =	ssyncadd.remote.s32 $0x1  }
0xbe: {  	_ =	sfence.sel $0xFFFF  }
0xbf: {  	[dreg:$0x0] =	wrdreg $0xFFFFFFFF;
	(pc) =	sbr.abs _section_cstart, $3  }
0xc0: {  	[dreg:$0x1] =	wrdreg $0xFFFFFFFF  }
0xc1: {  	_ =	task.clear_ibuf [dreg:s7], $0x2FFFF;
	_ =	strace $0x9FFFFFFF  }
0xc2: {  	(tm) =	ssettm $0x7FFFFFFF  }
0xc3: {  	_ =	shalt  }
tec
execute0_lowered:
.L_overlay_start_1:
0x0: {  	(tag) =	ssettag $0x1  }
0x1: {  	s0 =	rddreg [dreg:$0x0]  }
0x2: {  	s2 =	rddreg [dreg:$0x1]  }
0x3: {  	s1 =	srdreg.scid;
	s4 =	stileid.u32  }
0x4: {  	s3 =	simm.s32 $0x0;
	s1 =	sand.u32 $0x1, s1;
	s4 =	sshll.u32 s4, $0x1  }
0x5: {  	[smem:$0x7FF] =	sst s3;
	s8 =	sadd.s32 $0x1000, s2;
	s5 =	sor.u32 s1, s4  }
0x6: {  	s9 =	sadd.s32 $0x2000, s2;
	_ =	strace $0x80000047;
	s11 =	sshll.u32 s5, $0x7  }
0x7: {  	s4 =	sadd.s32 $0x19400, s0;
	s6 =	sshll.u32 s5, $0x4;
	s12 =	sadd.s32 s11, s8  }
0x8: {  	s0 =	sadd.s32 s6, s0;
	s13 =	sadd.s32 s11, s9;
	[dreg:$0x5] =	wrdreg s12  }
0x9: {  	s6 =	sshll.u32 s5, $0xA;
	s5 =	sadd.s32 s2, s11;
	[dreg:$0x6] =	wrdreg s13  }
0xa: {  	s0 =	sadd.s32 $0x400, s0;
	[dreg:$0x4] =	wrdreg s5  }
0xb: {  	s28 =	simm.s32 $0x80;
	s14 =	sadd.s32 $0x4000, s5;
	[dreg:$0x3] =	wrdreg s0  }
0xc: {  	s29 =	simm.s32 $0x8400;
	s15 =	sadd.s32 $0x5000, s5;
	[dreg:$0x8] =	wrdreg s14  }
0xd: {  	s31 =	simm.s32 $0xA358;
	s16 =	sadd.s32 $0x6000, s5;
	[dreg:$0x9] =	wrdreg s15  }
0xe: {  	s30 =	simm.s32 $0xA578;
	s17 =	sadd.s32 $0x7000, s5;
	[dreg:$0xa] =	wrdreg s16  }
0xf: {  	s10 =	simm.s32 $0x3;
	s18 =	sadd.s32 $0x318000, s5;
	[dreg:$0xb] =	wrdreg s17  }
0x10: {  	s1 =	ssub.s32 $0x2, s1;
	s19 =	sadd.s32 $0x319000, s5;
	[dreg:$0xc] =	wrdreg s18  }
0x11: {  	s7 =	sshrl.u32 s1, $0x1;
	s20 =	sadd.s32 $0x31A000, s5;
	[dreg:$0xd] =	wrdreg s19  }
0x12: {  	s1 =	ssub.s32 s1, s7;
	s21 =	sadd.s32 $0x31B000, s5;
	[dreg:$0xe] =	wrdreg s20  }
0x13: {  	s7 =	simm.s32 $0xA2D0;
	s22 =	sadd.s32 $0x31C000, s5;
	[dreg:$0xf] =	wrdreg s21  }
0x14: {  	v0 =	vlaneseq.u32;
	s12 =	sadd.s32 $0x3000, s2;
	s23 =	sadd.s32 $0x31D000, s5;
	[dreg:$0x10] =	wrdreg s22  }
0x15: {  	v1 =	vimm.s32 $0x0;
	vm0 =	vcmask $0x300;
	v0 =	vmul.u32 $0x88, v0;
	s24 =	sadd.s32 $0x31E000, s5;
	s25 =	smax.u32 s1, $0x1;
	[dreg:$0x11] =	wrdreg s23  }
0x16: {  	v1 =	vsel vm0, $0x3, v1;
	s26 =	sadd.s32 $0x31F000, s5;
	s1 =	simm.s32 $0x1;
	[dreg:$0x12] =	wrdreg s24  }
0x17: {  	v2 =	vadd.s32 $0x880, v0;
	v3 =	vor.u32 $0x1, v0;
	v4 =	vadd.s32 $0x881, v0;
	s5 =	simm.s32 $0xA468;
	s0 =	sadd.s32 s11, s12;
	[dreg:$0x13] =	wrdreg s25  }
0x18: {  	v5 =	vor.u32 $0x2, v0;
	v6 =	vadd.s32 $0x882, v0;
	v7 =	vor.u32 $0x3, v0;
	[dreg:$0x14] =	wrdreg s26;
	s18 =	simm.s32 $0x2;
	s19 =	simm.s32 $0x9500  }
0x19: {  	v8 =	vadd.s32 $0x883, v0;
	v9 =	vor.u32 $0x4, v0;
	v10 =	vadd.s32 $0x884, v0;
	s22 =	simm.s32 $0xA0B0;
	s23 =	simm.s32 $0xA138;
	s24 =	simm.s32 $0xA1C0  }
0x1a: {  	v11 =	vor.u32 $0x5, v0;
	v12 =	vadd.s32 $0x885, v0;
	v13 =	vor.u32 $0x6, v0;
	s26 =	simm.s32 $0xA248;
	s25 =	simm.s32 $0xA4F0;
	s11 =	simm.s32 $0x4  }
0x1b: {  	v14 =	vadd.s32 $0x886, v0;
	v15 =	vor.u32 $0x7, v0;
	v16 =	vadd.s32 $0x887, v0;
	s14 =	simm.s32 $0x0;
	[dreg:$0x7] =	wrdreg s0;
	s0 =	simm.s32 $0xA3E0  }
.LBB2_1:
0x1c: {  	[dreg:$0x15] =	wrdreg s14  }
0x1d: {  	s13 =	rddreg [dreg:$0x3];
	s20 =	simm.s32 $0x1000;
	s21 =	simm.s32 $0x5  }
0x1e: {  	[tilespmem:s3], [sflag:$0x5] =	stream.strided.gather [hbm4b:s13+s28], $0x6400, s20, s28, $0x38;
	[tilespmem:$0xA600] =	vst v63  }
0x1f: {  	_ =	swait.ge [sflag:s21], $0x6400  }
0x20: {  	[sflag:s21] =	ssyncset.done $0x0  }
0x21: {  	s14 =	simm.s32 $0x6400;
	s15 =	simm.s32 $0x0;
	[sflag:s21] =	ssyncadd.s32 $0xFFFF9C00  }
0x22: {  	[tilespmem:s14], [sflag:$0x1] =	stream.indirect.gather [hbm4b:s4+s28], $0x20, s3, s28, $0xb8;
	[tilespmem:$0xA600] =	vst v63  }
0x23: {  	s16 =	simm.s32 $0x7400;
	v17 =	vmov s15  }
0x24: {  	v17 =	vshrl.u32 v17, $0x3;
	[tilespmem:s16], [sflag:$0x2] =	stream.indirect.gather [hbm4b:s4+s28], $0x20, s28, s28, $0xb8;
	[tilespmem:$0xA600] =	vst v63  }
0x25: {  	v17 =	vshll.u32 v17, v1;
	_ =	swait.ge [sflag:s1], $0x1000  }
0x26: {  	v17 =	vbroadcast v17, $0x0;
	[sflag:s1] =	ssyncset.done $0x0  }
0x27: {  	s13 =	simm.s32 $0x6480;
	[sflag:s1] =	ssyncadd.s32 $0xFFFFF000  }
0x28: {  	v19 =	vadd.s32 v0, v17;
	v18 =	vld [tilespmem:s13+$0xFFFFFF80]  }
0x29: {  	s17 =	simm.s32 $0x1;
	v17 =	vadd.s32 v2, v17;
	v20 =	vld [tilespmem:s13+$0xFFFFFF90]  }
0x2a: {  	v21 =	vmov s17  }
0x2b: {  	v21 =	vshrl.u32 v21, $0x3  }
0x2c: {  	v21 =	vshll.u32 v21, v1  }
0x2d: {  	[tilespmem:v19+s29+$0x0] =	vst.idx.msk $0xffff, v18;
	v18 =	vbroadcast v21, $0x0  }
0x2e: {  	[tilespmem:v17+s29+$0x0] =	vst.idx.msk $0xffff, v20  }
0x2f: {  	v17 =	vld [tilespmem:s13+$0xFFFFFFA0];
	v19 =	vadd.s32 v3, v18  }
0x30: {  	s20 =	simm.s32 $0x2;
	v20 =	vld [tilespmem:s13+$0xFFFFFFB0];
	v18 =	vadd.s32 v4, v18  }
0x31: {  	v58 =	vmov s20  }
0x32: {  	v21 =	vshrl.u32 v58, $0x3  }
0x33: {  	v21 =	vshll.u32 v21, v1  }
0x34: {  	[tilespmem:v19+s29+$0x0] =	vst.idx.msk $0xffff, v17;
	v17 =	vbroadcast v21, $0x0  }
0x35: {  	[tilespmem:v18+s29+$0x0] =	vst.idx.msk $0xffff, v20  }
0x36: {  	v18 =	vld [tilespmem:s13+$0xFFFFFFC0];
	v19 =	vadd.s32 v5, v17  }
0x37: {  	s21 =	simm.s32 $0x3;
	v20 =	vld [tilespmem:s13+$0xFFFFFFD0];
	v17 =	vadd.s32 v6, v17  }
0x38: {  	v59 =	vmov s21  }
0x39: {  	v21 =	vshrl.u32 v59, $0x3  }
0x3a: {  	v21 =	vshll.u32 v21, v1  }
0x3b: {  	[tilespmem:v19+s29+$0x0] =	vst.idx.msk $0xffff, v18;
	v18 =	vbroadcast v21, $0x0  }
0x3c: {  	[tilespmem:v17+s29+$0x0] =	vst.idx.msk $0xffff, v20  }
0x3d: {  	v17 =	vld [tilespmem:s13+$0xFFFFFFE0];
	v19 =	vadd.s32 v7, v18  }
0x3e: {  	s15 =	simm.s32 $0x4;
	v20 =	vld [tilespmem:s13+$0xFFFFFFF0];
	v18 =	vadd.s32 v8, v18  }
0x3f: {  	v60 =	vmov s15  }
0x40: {  	v21 =	vshrl.u32 v60, $0x3  }
0x41: {  	v21 =	vshll.u32 v21, v1  }
0x42: {  	[tilespmem:v19+s29+$0x0] =	vst.idx.msk $0xffff, v17;
	v17 =	vbroadcast v21, $0x0  }
0x43: {  	[tilespmem:v18+s29+$0x0] =	vst.idx.msk $0xffff, v20  }
0x44: {  	v18 =	vld [tilespmem:s13+$0x0];
	v19 =	vadd.s32 v9, v17  }
0x45: {  	s16 =	simm.s32 $0x5;
	v20 =	vld [tilespmem:s13+$0x10];
	v17 =	vadd.s32 v10, v17  }
0x46: {  	v61 =	vmov s16  }
0x47: {  	v21 =	vshrl.u32 v61, $0x3  }
0x48: {  	v21 =	vshll.u32 v21, v1  }
0x49: {  	[tilespmem:v19+s29+$0x0] =	vst.idx.msk $0xffff, v18;
	v18 =	vbroadcast v21, $0x0  }
0x4a: {  	[tilespmem:v17+s29+$0x0] =	vst.idx.msk $0xffff, v20  }
0x4b: {  	v17 =	vld [tilespmem:s13+$0x20];
	v19 =	vadd.s32 v11, v18  }
0x4c: {  	s17 =	simm.s32 $0x6;
	v20 =	vld [tilespmem:s13+$0x30];
	v18 =	vadd.s32 v12, v18  }
0x4d: {  	v62 =	vmov s17  }
0x4e: {  	v21 =	vshrl.u32 v62, $0x3  }
0x4f: {  	v21 =	vshll.u32 v21, v1  }
0x50: {  	[tilespmem:v19+s29+$0x0] =	vst.idx.msk $0xffff, v17;
	v17 =	vbroadcast v21, $0x0  }
0x51: {  	[tilespmem:v18+s29+$0x0] =	vst.idx.msk $0xffff, v20  }
0x52: {  	v18 =	vld [tilespmem:s13+$0x40];
	v19 =	vadd.s32 v13, v17  }
0x53: {  	s20 =	simm.s32 $0x7;
	v20 =	vld [tilespmem:s13+$0x50];
	v17 =	vadd.s32 v14, v17  }
0x54: {  	v63 =	vmov s20  }
0x55: {  	v21 =	vshrl.u32 v63, $0x3  }
0x56: {  	v21 =	vshll.u32 v21, v1  }
0x57: {  	[tilespmem:v19+s29+$0x0] =	vst.idx.msk $0xffff, v18;
	v18 =	vbroadcast v21, $0x0  }
0x58: {  	s21 =	simm.s32 $0x8;
	[tilespmem:v17+s29+$0x0] =	vst.idx.msk $0xffff, v20  }
0x59: {  	v17 =	vmov s21;
	v20 =	vld [tilespmem:s13+$0x60];
	v21 =	vadd.s32 v15, v18  }
0x5a: {  	v19 =	vshrl.u32 v17, $0x3  }
0x5b: {  	v17 =	vld [tilespmem:s13+$0x70];
	v22 =	vshll.u32 v19, v1;
	v19 =	vadd.s32 v16, v18;
	_ =	sdelay $0x2  }
0x5c: {  	s15 =	simm.s32 $0x17;
	s14 =	simm.s32 $0xF;
	v18 =	vbroadcast v22, $0x0;
	[tilespmem:v21+s29+$0x0] =	vst.idx.msk $0xffff, v20  }
.LBB2_2:
0x5d: {  	p0 =	sne.s32 s15, $0x7F  }
0x5e: {  	[tilespmem:v19+s29+$0x0] =	vst.idx.msk $0xffff, v17;
	s13 =	sadd.s32 $0x100, s13;
	s16 =	smov.u32 s15;
	s15 =	sadd.s32 $0x8, s15  }
0x5f: {  	v17 =	vld [tilespmem:s13+$0xFFFFFF80];
	v19 =	vadd.s32 v0, v18  }
0x60: {  	s17 =	sadd.s32 $0xFFFFFFFA, s14;
	v18 =	vadd.s32 v2, v18;
	v20 =	vld [tilespmem:s13+$0xFFFFFF90]  }
0x61: {  	v21 =	vmov s17  }
0x62: {  	v21 =	vshrl.u32 v21, $0x3  }
0x63: {  	v21 =	vshll.u32 v21, v1  }
0x64: {  	[tilespmem:v19+s29+$0x0] =	vst.idx.msk $0xffff, v17;
	v17 =	vbroadcast v21, $0x0  }
0x65: {  	[tilespmem:v18+s29+$0x0] =	vst.idx.msk $0xffff, v20  }
0x66: {  	v18 =	vld [tilespmem:s13+$0xFFFFFFA0];
	v19 =	vadd.s32 v3, v17  }
0x67: {  	s17 =	sadd.s32 $0xFFFFFFFB, s14;
	v17 =	vadd.s32 v4, v17;
	v20 =	vld [tilespmem:s13+$0xFFFFFFB0]  }
0x68: {  	v21 =	vmov s17  }
0x69: {  	v21 =	vshrl.u32 v21, $0x3  }
0x6a: {  	v21 =	vshll.u32 v21, v1  }
0x6b: {  	[tilespmem:v19+s29+$0x0] =	vst.idx.msk $0xffff, v18;
	v18 =	vbroadcast v21, $0x0  }
0x6c: {  	[tilespmem:v17+s29+$0x0] =	vst.idx.msk $0xffff, v20  }
0x6d: {  	v17 =	vld [tilespmem:s13+$0xFFFFFFC0];
	v19 =	vadd.s32 v5, v18  }
0x6e: {  	s17 =	sadd.s32 $0xFFFFFFFC, s14;
	v18 =	vadd.s32 v6, v18;
	v20 =	vld [tilespmem:s13+$0xFFFFFFD0]  }
0x6f: {  	v21 =	vmov s17  }
0x70: {  	v21 =	vshrl.u32 v21, $0x3  }
0x71: {  	v21 =	vshll.u32 v21, v1  }
0x72: {  	[tilespmem:v19+s29+$0x0] =	vst.idx.msk $0xffff, v17;
	v17 =	vbroadcast v21, $0x0  }
0x73: {  	[tilespmem:v18+s29+$0x0] =	vst.idx.msk $0xffff, v20  }
0x74: {  	v18 =	vld [tilespmem:s13+$0xFFFFFFE0];
	v19 =	vadd.s32 v7, v17  }
0x75: {  	s17 =	sadd.s32 $0xFFFFFFFD, s14;
	v17 =	vadd.s32 v8, v17;
	v20 =	vld [tilespmem:s13+$0xFFFFFFF0]  }
0x76: {  	v21 =	vmov s17  }
0x77: {  	v21 =	vshrl.u32 v21, $0x3  }
0x78: {  	v21 =	vshll.u32 v21, v1  }
0x79: {  	[tilespmem:v19+s29+$0x0] =	vst.idx.msk $0xffff, v18;
	v18 =	vbroadcast v21, $0x0  }
0x7a: {  	[tilespmem:v17+s29+$0x0] =	vst.idx.msk $0xffff, v20  }
0x7b: {  	v17 =	vld [tilespmem:s13+$0x0];
	v19 =	vadd.s32 v9, v18  }
0x7c: {  	s17 =	sadd.s32 $0xFFFFFFFE, s14;
	v18 =	vadd.s32 v10, v18;
	v20 =	vld [tilespmem:s13+$0x10]  }
0x7d: {  	v21 =	vmov s17  }
0x7e: {  	v21 =	vshrl.u32 v21, $0x3  }
0x7f: {  	v21 =	vshll.u32 v21, v1  }
0x80: {  	[tilespmem:v19+s29+$0x0] =	vst.idx.msk $0xffff, v17;
	v17 =	vbroadcast v21, $0x0  }
0x81: {  	[tilespmem:v18+s29+$0x0] =	vst.idx.msk $0xffff, v20  }
0x82: {  	v18 =	vld [tilespmem:s13+$0x20];
	v19 =	vadd.s32 v11, v17  }
0x83: {  	s17 =	sadd.s32 $0xFFFFFFFF, s14;
	v17 =	vadd.s32 v12, v17;
	v20 =	vld [tilespmem:s13+$0x30]  }
0x84: {  	v21 =	vmov s17  }
0x85: {  	v21 =	vshrl.u32 v21, $0x3  }
0x86: {  	v21 =	vshll.u32 v21, v1  }
0x87: {  	[tilespmem:v19+s29+$0x0] =	vst.idx.msk $0xffff, v18;
	v18 =	vbroadcast v21, $0x0  }
0x88: {  	[tilespmem:v17+s29+$0x0] =	vst.idx.msk $0xffff, v20  }
0x89: {  	v17 =	vld [tilespmem:s13+$0x40];
	v19 =	vadd.s32 v13, v18  }
0x8a: {  	v18 =	vadd.s32 v14, v18;
	v20 =	vld [tilespmem:s13+$0x50]  }
0x8b: {  	v21 =	vmov s14;
	s14 =	smov.u32 s16  }
0x8c: {  	v21 =	vshrl.u32 v21, $0x3  }
0x8d: {  	v21 =	vshll.u32 v21, v1  }
0x8e: {  	[tilespmem:v19+s29+$0x0] =	vst.idx.msk $0xffff, v17;
	v19 =	vbroadcast v21, $0x0  }
0x8f: {  	[tilespmem:v18+s29+$0x0] =	vst.idx.msk $0xffff, v20  }
0x90: {  	v20 =	vld [tilespmem:s13+$0x60];
	v21 =	vadd.s32 v15, v19  }
.Ltmp0:
0x91: {  	s16 =	sadd.s32 $0xFFFFFFF9, s14;
	v19 =	vadd.s32 v16, v19;
	v17 =	vld [tilespmem:s13+$0x70];
	(pc) =	sbr.rel @p0 .LBB2_2-.Ltmp0, $4  }
0x92: {  	v18 =	vmov s16  }
0x93: {  	v18 =	vshrl.u32 v18, $0x3  }
0x94: {  	v18 =	vshll.u32 v18, v1  }
0x95: {  	v18 =	vbroadcast v18, $0x0;
	[tilespmem:v21+s29+$0x0] =	vst.idx.msk $0xffff, v20  }
0x96: {  	_ =	sdelay $0x3  }
0x97: {  	[tilespmem:v19+s29+$0x0] =	vst.idx.msk $0xffff, v17;
	s13 =	sadd.s32 $0x100, s13  }
0x98: {  	v17 =	vld [tilespmem:s13+$0xFFFFFF80];
	v19 =	vadd.s32 v0, v18  }
0x99: {  	s15 =	sadd.s32 $0xFFFFFFFA, s14;
	v20 =	vld [tilespmem:s13+$0xFFFFFF90];
	v18 =	vadd.s32 v2, v18  }
0x9a: {  	v21 =	vmov s15  }
0x9b: {  	v21 =	vshrl.u32 v21, $0x3  }
0x9c: {  	v21 =	vshll.u32 v21, v1  }
0x9d: {  	[tilespmem:v19+s29+$0x0] =	vst.idx.msk $0xffff, v17;
	v17 =	vbroadcast v21, $0x0  }
0x9e: {  	[tilespmem:v18+s29+$0x0] =	vst.idx.msk $0xffff, v20  }
0x9f: {  	v18 =	vld [tilespmem:s13+$0xFFFFFFA0];
	v19 =	vadd.s32 v3, v17  }
0xa0: {  	s21 =	sadd.s32 $0xFFFFFFFB, s14;
	v20 =	vld [tilespmem:s13+$0xFFFFFFB0];
	v17 =	vadd.s32 v4, v17  }
0xa1: {  	v51 =	vmov s21  }
0xa2: {  	v21 =	vshrl.u32 v51, $0x3  }
0xa3: {  	v21 =	vshll.u32 v21, v1  }
0xa4: {  	[tilespmem:v19+s29+$0x0] =	vst.idx.msk $0xffff, v18;
	v18 =	vbroadcast v21, $0x0  }
0xa5: {  	[tilespmem:v17+s29+$0x0] =	vst.idx.msk $0xffff, v20  }
0xa6: {  	v17 =	vld [tilespmem:s13+$0xFFFFFFC0];
	v19 =	vadd.s32 v5, v18  }
0xa7: {  	s16 =	sadd.s32 $0xFFFFFFFC, s14;
	v20 =	vld [tilespmem:s13+$0xFFFFFFD0];
	v18 =	vadd.s32 v6, v18  }
0xa8: {  	v52 =	vmov s16  }
0xa9: {  	v21 =	vshrl.u32 v52, $0x3  }
0xaa: {  	v21 =	vshll.u32 v21, v1  }
0xab: {  	[tilespmem:v19+s29+$0x0] =	vst.idx.msk $0xffff, v17;
	v17 =	vbroadcast v21, $0x0  }
0xac: {  	[tilespmem:v18+s29+$0x0] =	vst.idx.msk $0xffff, v20  }
0xad: {  	v18 =	vld [tilespmem:s13+$0xFFFFFFE0];
	v19 =	vadd.s32 v7, v17  }
0xae: {  	s17 =	sadd.s32 $0xFFFFFFFD, s14;
	v20 =	vld [tilespmem:s13+$0xFFFFFFF0];
	v17 =	vadd.s32 v8, v17  }
0xaf: {  	v53 =	vmov s17  }
0xb0: {  	v21 =	vshrl.u32 v53, $0x3  }
0xb1: {  	v21 =	vshll.u32 v21, v1  }
0xb2: {  	[tilespmem:v19+s29+$0x0] =	vst.idx.msk $0xffff, v18;
	v18 =	vbroadcast v21, $0x0  }
0xb3: {  	[tilespmem:v17+s29+$0x0] =	vst.idx.msk $0xffff, v20  }
0xb4: {  	v17 =	vld [tilespmem:s13+$0x0];
	v19 =	vadd.s32 v9, v18  }
0xb5: {  	s20 =	sadd.s32 $0xFFFFFFFE, s14;
	v20 =	vld [tilespmem:s13+$0x10];
	v18 =	vadd.s32 v10, v18  }
0xb6: {  	v54 =	vmov s20  }
0xb7: {  	v21 =	vshrl.u32 v54, $0x3  }
0xb8: {  	v21 =	vshll.u32 v21, v1  }
0xb9: {  	[tilespmem:v19+s29+$0x0] =	vst.idx.msk $0xffff, v17;
	v17 =	vbroadcast v21, $0x0  }
0xba: {  	[tilespmem:v18+s29+$0x0] =	vst.idx.msk $0xffff, v20  }
0xbb: {  	v18 =	vld [tilespmem:s13+$0x20];
	v19 =	vadd.s32 v11, v17  }
0xbc: {  	s21 =	sadd.s32 $0xFFFFFFFF, s14;
	v20 =	vld [tilespmem:s13+$0x30];
	v17 =	vadd.s32 v12, v17  }
0xbd: {  	v55 =	vmov s21  }
0xbe: {  	v21 =	vshrl.u32 v55, $0x3  }
0xbf: {  	v21 =	vshll.u32 v21, v1  }
0xc0: {  	[tilespmem:v19+s29+$0x0] =	vst.idx.msk $0xffff, v18;
	v18 =	vbroadcast v21, $0x0  }
0xc1: {  	[tilespmem:v17+s29+$0x0] =	vst.idx.msk $0xffff, v20  }
0xc2: {  	v17 =	vld [tilespmem:s13+$0x40];
	v19 =	vadd.s32 v13, v18  }
0xc3: {  	v20 =	vld [tilespmem:s13+$0x50];
	v18 =	vadd.s32 v14, v18  }
0xc4: {  	v56 =	vmov s14  }
0xc5: {  	v21 =	vshrl.u32 v56, $0x3  }
0xc6: {  	v21 =	vshll.u32 v21, v1  }
0xc7: {  	[tilespmem:v19+s29+$0x0] =	vst.idx.msk $0xffff, v17;
	v17 =	vbroadcast v21, $0x0  }
0xc8: {  	[tilespmem:v18+s29+$0x0] =	vst.idx.msk $0xffff, v20  }
0xc9: {  	v18 =	vld [tilespmem:s13+$0x60];
	v19 =	vadd.s32 v15, v17  }
0xca: {  	v20 =	vld [tilespmem:s13+$0x70];
	v17 =	vadd.s32 v16, v17;
	_ =	sdelay $0x3  }
0xcb: {  	[tilespmem:v19+s29+$0x0] =	vst.idx.msk $0xffff, v18  }
0xcc: {  	s14 =	rddreg [dreg:$0x4];
	[tilespmem:v17+s29+$0x0] =	vst.idx.msk $0xffff, v20  }
0xcd: {  	[hbm4b:s14+s3] =	stream.linear.scatter [tilespmem:s29], [sflag:$0x3], $0x80, $0x38;
	[tilespmem:$0xA600] =	vst v63  }
0xce: {  	s17 =	simm.s32 $0x8488;
	s16 =	sadd.s32 $0x10, s14  }
0xcf: {  	[hbm4b:s16+s3] =	stream.linear.scatter [tilespmem:s17], [sflag:$0x3], $0x80, $0x38;
	[tilespmem:$0xA600] =	vst v63  }
0xd0: {  	s20 =	sadd.s32 $0x20, s14;
	s21 =	simm.s32 $0x8510  }
0xd1: {  	[hbm4b:s20+s3] =	stream.linear.scatter [tilespmem:s21], [sflag:$0x3], $0x80, $0x38;
	[tilespmem:$0xA600] =	vst v63  }
0xd2: {  	s16 =	sadd.s32 $0x30, s14;
	s17 =	simm.s32 $0x8598  }
0xd3: {  	[hbm4b:s16+s3] =	stream.linear.scatter [tilespmem:s17], [sflag:$0x3], $0x80, $0x38;
	[tilespmem:$0xA600] =	vst v63  }
0xd4: {  	s20 =	sadd.s32 $0x40, s14;
	s21 =	simm.s32 $0x8620  }
0xd5: {  	[hbm4b:s20+s3] =	stream.linear.scatter [tilespmem:s21], [sflag:$0x3], $0x80, $0x38;
	[tilespmem:$0xA600] =	vst v63  }
0xd6: {  	s16 =	sadd.s32 $0x50, s14;
	s17 =	simm.s32 $0x86A8  }
0xd7: {  	[hbm4b:s16+s3] =	stream.linear.scatter [tilespmem:s17], [sflag:$0x3], $0x80, $0x38;
	[tilespmem:$0xA600] =	vst v63  }
0xd8: {  	s20 =	sadd.s32 $0x60, s14;
	s21 =	simm.s32 $0x8730  }
0xd9: {  	[hbm4b:s20+s3] =	stream.linear.scatter [tilespmem:s21], [sflag:$0x3], $0x80, $0x38;
	[tilespmem:$0xA600] =	vst v63  }
0xda: {  	s15 =	sadd.s32 $0x70, s14;
	s16 =	simm.s32 $0x87B8  }
0xdb: {  	[hbm4b:s15+s3] =	stream.linear.scatter [tilespmem:s16], [sflag:$0x3], $0x80, $0x38;
	[tilespmem:$0xA600] =	vst v63  }
0xdc: {  	s14 =	rddreg [dreg:$0x5];
	s17 =	simm.s32 $0x8840  }
0xdd: {  	[hbm4b:s14+s3] =	stream.linear.scatter [tilespmem:s17], [sflag:$0x3], $0x80, $0x38;
	[tilespmem:$0xA600] =	vst v63  }
0xde: {  	s20 =	sadd.s32 $0x10, s14;
	s21 =	simm.s32 $0x88C8  }
0xdf: {  	[hbm4b:s20+s3] =	stream.linear.scatter [tilespmem:s21], [sflag:$0x3], $0x80, $0x38;
	[tilespmem:$0xA600] =	vst v63  }
0xe0: {  	s16 =	sadd.s32 $0x20, s14;
	s17 =	simm.s32 $0x8950  }
0xe1: {  	[hbm4b:s16+s3] =	stream.linear.scatter [tilespmem:s17], [sflag:$0x3], $0x80, $0x38;
	[tilespmem:$0xA600] =	vst v63  }
0xe2: {  	s20 =	sadd.s32 $0x30, s14;
	s21 =	simm.s32 $0x89D8  }
0xe3: {  	[hbm4b:s20+s3] =	stream.linear.scatter [tilespmem:s21], [sflag:$0x3], $0x80, $0x38;
	[tilespmem:$0xA600] =	vst v63  }
0xe4: {  	s16 =	sadd.s32 $0x40, s14;
	s17 =	simm.s32 $0x8A60  }
0xe5: {  	[hbm4b:s16+s3] =	stream.linear.scatter [tilespmem:s17], [sflag:$0x3], $0x80, $0x38;
	[tilespmem:$0xA600] =	vst v63  }
0xe6: {  	s20 =	sadd.s32 $0x50, s14;
	s21 =	simm.s32 $0x8AE8  }
0xe7: {  	[hbm4b:s20+s3] =	stream.linear.scatter [tilespmem:s21], [sflag:$0x3], $0x80, $0x38;
	[tilespmem:$0xA600] =	vst v63  }
0xe8: {  	s16 =	sadd.s32 $0x60, s14;
	s17 =	simm.s32 $0x8B70  }
0xe9: {  	[hbm4b:s16+s3] =	stream.linear.scatter [tilespmem:s17], [sflag:$0x3], $0x80, $0x38;
	[tilespmem:$0xA600] =	vst v63  }
0xea: {  	s20 =	sadd.s32 $0x70, s14;
	s21 =	simm.s32 $0x8BF8  }
0xeb: {  	[hbm4b:s20+s3] =	stream.linear.scatter [tilespmem:s21], [sflag:$0x3], $0x80, $0x38;
	[tilespmem:$0xA600] =	vst v63  }
0xec: {  	s15 =	simm.s32 $0x8C80;
	s14 =	rddreg [dreg:$0x6]  }
0xed: {  	[hbm4b:s14+s3] =	stream.linear.scatter [tilespmem:s15], [sflag:$0x3], $0x80, $0x38;
	[tilespmem:$0xA600] =	vst v63  }
0xee: {  	s16 =	sadd.s32 $0x10, s14;
	s17 =	simm.s32 $0x8D08  }
0xef: {  	[hbm4b:s16+s3] =	stream.linear.scatter [tilespmem:s17], [sflag:$0x3], $0x80, $0x38;
	[tilespmem:$0xA600] =	vst v63  }
0xf0: {  	s20 =	sadd.s32 $0x20, s14;
	s21 =	simm.s32 $0x8D90  }
0xf1: {  	[hbm4b:s20+s3] =	stream.linear.scatter [tilespmem:s21], [sflag:$0x3], $0x80, $0x38;
	[tilespmem:$0xA600] =	vst v63  }
0xf2: {  	s16 =	sadd.s32 $0x30, s14;
	s17 =	simm.s32 $0x8E18  }
0xf3: {  	[hbm4b:s16+s3] =	stream.linear.scatter [tilespmem:s17], [sflag:$0x3], $0x80, $0x38;
	[tilespmem:$0xA600] =	vst v63  }
0xf4: {  	s20 =	sadd.s32 $0x40, s14;
	s21 =	simm.s32 $0x8EA0  }
0xf5: {  	[hbm4b:s20+s3] =	stream.linear.scatter [tilespmem:s21], [sflag:$0x3], $0x80, $0x38;
	[tilespmem:$0xA600] =	vst v63  }
0xf6: {  	s16 =	sadd.s32 $0x50, s14;
	s17 =	simm.s32 $0x8F28  }
0xf7: {  	[hbm4b:s16+s3] =	stream.linear.scatter [tilespmem:s17], [sflag:$0x3], $0x80, $0x38;
	[tilespmem:$0xA600] =	vst v63  }
0xf8: {  	s20 =	sadd.s32 $0x60, s14;
	s21 =	simm.s32 $0x8FB0  }
0xf9: {  	[hbm4b:s20+s3] =	stream.linear.scatter [tilespmem:s21], [sflag:$0x3], $0x80, $0x38;
	[tilespmem:$0xA600] =	vst v63  }
0xfa: {  	s15 =	sadd.s32 $0x70, s14;
	s16 =	simm.s32 $0x9038  }
0xfb: {  	[hbm4b:s15+s3] =	stream.linear.scatter [tilespmem:s16], [sflag:$0x3], $0x80, $0x38;
	[tilespmem:$0xA600] =	vst v63  }
0xfc: {  	s14 =	rddreg [dreg:$0x7];
	s17 =	simm.s32 $0x90C0  }
0xfd: {  	[hbm4b:s14+s3] =	stream.linear.scatter [tilespmem:s17], [sflag:$0x3], $0x80, $0x38;
	[tilespmem:$0xA600] =	vst v63  }
0xfe: {  	s20 =	sadd.s32 $0x10, s14;
	s21 =	simm.s32 $0x9148  }
0xff: {  	[hbm4b:s20+s3] =	stream.linear.scatter [tilespmem:s21], [sflag:$0x3], $0x80, $0x38;
	[tilespmem:$0xA600] =	vst v63  }
0x100: {  	s16 =	sadd.s32 $0x20, s14;
	s17 =	simm.s32 $0x91D0  }
0x101: {  	[hbm4b:s16+s3] =	stream.linear.scatter [tilespmem:s17], [sflag:$0x3], $0x80, $0x38;
	[tilespmem:$0xA600] =	vst v63  }
0x102: {  	s20 =	sadd.s32 $0x30, s14;
	s21 =	simm.s32 $0x9258  }
0x103: {  	[hbm4b:s20+s3] =	stream.linear.scatter [tilespmem:s21], [sflag:$0x3], $0x80, $0x38;
	[tilespmem:$0xA600] =	vst v63  }
0x104: {  	s16 =	sadd.s32 $0x40, s14;
	s17 =	simm.s32 $0x92E0  }
0x105: {  	[hbm4b:s16+s3] =	stream.linear.scatter [tilespmem:s17], [sflag:$0x3], $0x80, $0x38;
	[tilespmem:$0xA600] =	vst v63  }
0x106: {  	s20 =	sadd.s32 $0x50, s14;
	s21 =	simm.s32 $0x9368  }
0x107: {  	[hbm4b:s20+s3] =	stream.linear.scatter [tilespmem:s21], [sflag:$0x3], $0x80, $0x38;
	[tilespmem:$0xA600] =	vst v63  }
0x108: {  	s16 =	sadd.s32 $0x60, s14;
	s17 =	simm.s32 $0x93F0  }
0x109: {  	[hbm4b:s16+s3] =	stream.linear.scatter [tilespmem:s17], [sflag:$0x3], $0x80, $0x38;
	[tilespmem:$0xA600] =	vst v63  }
0x10a: {  	s20 =	sadd.s32 $0x70, s14;
	s21 =	simm.s32 $0x9478;
	s14 =	simm.s32 $0x0  }
0x10b: {  	[hbm4b:s20+s3] =	stream.linear.scatter [tilespmem:s21], [sflag:$0x3], $0x80, $0x38;
	[tilespmem:$0xA600] =	vst v63  }
0x10c: {  	s15 =	simm.s32 $0x6400;
	v17 =	vmov s14;
	s16 =	simm.s32 $0x100  }
0x10d: {  	v17 =	vshrl.u32 v17, $0x3;
	[tilespmem:s15], [sflag:$0x1] =	stream.indirect.gather [hbm4b:s4+s28], $0x20, s16, s28, $0xb8;
	[tilespmem:$0xA600] =	vst v63  }
0x10e: {  	v17 =	vshll.u32 v17, v1;
	_ =	swait.ge [sflag:s18], $0x1000  }
0x10f: {  	v17 =	vbroadcast v17, $0x0;
	[sflag:s18] =	ssyncset.done $0x0  }
0x110: {  	s13 =	simm.s32 $0x7480;
	[sflag:s18] =	ssyncadd.s32 $0xFFFFF000  }
0x111: {  	v19 =	vadd.s32 v0, v17;
	v18 =	vld [tilespmem:s13+$0xFFFFFF80]  }
0x112: {  	s17 =	simm.s32 $0x1;
	v17 =	vadd.s32 v2, v17;
	v20 =	vld [tilespmem:s13+$0xFFFFFF90]  }
0x113: {  	v57 =	vmov s17  }
0x114: {  	v21 =	vshrl.u32 v57, $0x3  }
0x115: {  	v21 =	vshll.u32 v21, v1  }
0x116: {  	[tilespmem:v19+s19+$0x0] =	vst.idx.msk $0xffff, v18;
	v18 =	vbroadcast v21, $0x0  }
0x117: {  	[tilespmem:v17+s19+$0x0] =	vst.idx.msk $0xffff, v20  }
0x118: {  	v17 =	vld [tilespmem:s13+$0xFFFFFFA0];
	v19 =	vadd.s32 v3, v18  }
0x119: {  	s20 =	simm.s32 $0x2;
	v20 =	vld [tilespmem:s13+$0xFFFFFFB0];
	v18 =	vadd.s32 v4, v18  }
0x11a: {  	v58 =	vmov s20  }
0x11b: {  	v21 =	vshrl.u32 v58, $0x3  }
0x11c: {  	v21 =	vshll.u32 v21, v1  }
0x11d: {  	[tilespmem:v19+s19+$0x0] =	vst.idx.msk $0xffff, v17;
	v17 =	vbroadcast v21, $0x0  }
0x11e: {  	[tilespmem:v18+s19+$0x0] =	vst.idx.msk $0xffff, v20  }
0x11f: {  	v18 =	vld [tilespmem:s13+$0xFFFFFFC0];
	v19 =	vadd.s32 v5, v17  }
0x120: {  	s21 =	simm.s32 $0x3;
	v20 =	vld [tilespmem:s13+$0xFFFFFFD0];
	v17 =	vadd.s32 v6, v17  }
0x121: {  	v59 =	vmov s21  }
0x122: {  	v21 =	vshrl.u32 v59, $0x3  }
0x123: {  	v21 =	vshll.u32 v21, v1  }
0x124: {  	[tilespmem:v19+s19+$0x0] =	vst.idx.msk $0xffff, v18;
	v18 =	vbroadcast v21, $0x0  }
0x125: {  	[tilespmem:v17+s19+$0x0] =	vst.idx.msk $0xffff, v20  }
0x126: {  	v17 =	vld [tilespmem:s13+$0xFFFFFFE0];
	v19 =	vadd.s32 v7, v18  }
0x127: {  	s15 =	simm.s32 $0x4;
	v20 =	vld [tilespmem:s13+$0xFFFFFFF0];
	v18 =	vadd.s32 v8, v18  }
0x128: {  	v60 =	vmov s15  }
0x129: {  	v21 =	vshrl.u32 v60, $0x3  }
0x12a: {  	v21 =	vshll.u32 v21, v1  }
0x12b: {  	[tilespmem:v19+s19+$0x0] =	vst.idx.msk $0xffff, v17;
	v17 =	vbroadcast v21, $0x0  }
0x12c: {  	[tilespmem:v18+s19+$0x0] =	vst.idx.msk $0xffff, v20  }
0x12d: {  	v18 =	vld [tilespmem:s13+$0x0];
	v19 =	vadd.s32 v9, v17  }
0x12e: {  	s16 =	simm.s32 $0x5;
	v20 =	vld [tilespmem:s13+$0x10];
	v17 =	vadd.s32 v10, v17  }
0x12f: {  	v61 =	vmov s16  }
0x130: {  	v21 =	vshrl.u32 v61, $0x3  }
0x131: {  	v21 =	vshll.u32 v21, v1  }
0x132: {  	[tilespmem:v19+s19+$0x0] =	vst.idx.msk $0xffff, v18;
	v18 =	vbroadcast v21, $0x0  }
0x133: {  	[tilespmem:v17+s19+$0x0] =	vst.idx.msk $0xffff, v20  }
0x134: {  	v17 =	vld [tilespmem:s13+$0x20];
	v19 =	vadd.s32 v11, v18  }
0x135: {  	s17 =	simm.s32 $0x6;
	v20 =	vld [tilespmem:s13+$0x30];
	v18 =	vadd.s32 v12, v18  }
0x136: {  	v62 =	vmov s17  }
0x137: {  	v21 =	vshrl.u32 v62, $0x3  }
0x138: {  	v21 =	vshll.u32 v21, v1  }
0x139: {  	[tilespmem:v19+s19+$0x0] =	vst.idx.msk $0xffff, v17;
	v17 =	vbroadcast v21, $0x0  }
0x13a: {  	[tilespmem:v18+s19+$0x0] =	vst.idx.msk $0xffff, v20  }
0x13b: {  	v18 =	vld [tilespmem:s13+$0x40];
	v19 =	vadd.s32 v13, v17  }
0x13c: {  	s20 =	simm.s32 $0x7;
	v20 =	vld [tilespmem:s13+$0x50];
	v17 =	vadd.s32 v14, v17  }
0x13d: {  	v63 =	vmov s20  }
0x13e: {  	v21 =	vshrl.u32 v63, $0x3  }
0x13f: {  	v21 =	vshll.u32 v21, v1  }
0x140: {  	[tilespmem:v19+s19+$0x0] =	vst.idx.msk $0xffff, v18;
	v18 =	vbroadcast v21, $0x0  }
0x141: {  	s21 =	simm.s32 $0x8;
	[tilespmem:v17+s19+$0x0] =	vst.idx.msk $0xffff, v20  }
0x142: {  	v17 =	vmov s21;
	v20 =	vld [tilespmem:s13+$0x60];
	v21 =	vadd.s32 v15, v18  }
0x143: {  	v19 =	vshrl.u32 v17, $0x3  }
0x144: {  	v17 =	vld [tilespmem:s13+$0x70];
	v22 =	vshll.u32 v19, v1;
	v19 =	vadd.s32 v16, v18;
	_ =	sdelay $0x2  }
0x145: {  	s14 =	simm.s32 $0xF;
	s15 =	simm.s32 $0x17;
	v18 =	vbroadcast v22, $0x0;
	[tilespmem:v21+s19+$0x0] =	vst.idx.msk $0xffff, v20  }
.LBB2_4:
0x146: {  	p0 =	sne.s32 s15, $0x7F  }
0x147: {  	[tilespmem:v19+s19+$0x0] =	vst.idx.msk $0xffff, v17;
	s13 =	sadd.s32 $0x100, s13;
	s16 =	smov.u32 s15;
	s15 =	sadd.s32 $0x8, s15  }
0x148: {  	v17 =	vld [tilespmem:s13+$0xFFFFFF80];
	v19 =	vadd.s32 v0, v18  }
0x149: {  	s17 =	sadd.s32 $0xFFFFFFFA, s14;
	v18 =	vadd.s32 v2, v18;
	v20 =	vld [tilespmem:s13+$0xFFFFFF90]  }
0x14a: {  	v21 =	vmov s17  }
0x14b: {  	v21 =	vshrl.u32 v21, $0x3  }
0x14c: {  	v21 =	vshll.u32 v21, v1  }
0x14d: {  	[tilespmem:v19+s19+$0x0] =	vst.idx.msk $0xffff, v17;
	v17 =	vbroadcast v21, $0x0  }
0x14e: {  	[tilespmem:v18+s19+$0x0] =	vst.idx.msk $0xffff, v20  }
0x14f: {  	v18 =	vld [tilespmem:s13+$0xFFFFFFA0];
	v19 =	vadd.s32 v3, v17  }
0x150: {  	s17 =	sadd.s32 $0xFFFFFFFB, s14;
	v17 =	vadd.s32 v4, v17;
	v20 =	vld [tilespmem:s13+$0xFFFFFFB0]  }
0x151: {  	v21 =	vmov s17  }
0x152: {  	v21 =	vshrl.u32 v21, $0x3  }
0x153: {  	v21 =	vshll.u32 v21, v1  }
0x154: {  	[tilespmem:v19+s19+$0x0] =	vst.idx.msk $0xffff, v18;
	v18 =	vbroadcast v21, $0x0  }
0x155: {  	[tilespmem:v17+s19+$0x0] =	vst.idx.msk $0xffff, v20  }
0x156: {  	v17 =	vld [tilespmem:s13+$0xFFFFFFC0];
	v19 =	vadd.s32 v5, v18  }
0x157: {  	s17 =	sadd.s32 $0xFFFFFFFC, s14;
	v18 =	vadd.s32 v6, v18;
	v20 =	vld [tilespmem:s13+$0xFFFFFFD0]  }
0x158: {  	v21 =	vmov s17  }
0x159: {  	v21 =	vshrl.u32 v21, $0x3  }
0x15a: {  	v21 =	vshll.u32 v21, v1  }
0x15b: {  	[tilespmem:v19+s19+$0x0] =	vst.idx.msk $0xffff, v17;
	v17 =	vbroadcast v21, $0x0  }
0x15c: {  	[tilespmem:v18+s19+$0x0] =	vst.idx.msk $0xffff, v20  }
0x15d: {  	v18 =	vld [tilespmem:s13+$0xFFFFFFE0];
	v19 =	vadd.s32 v7, v17  }
0x15e: {  	s17 =	sadd.s32 $0xFFFFFFFD, s14;
	v17 =	vadd.s32 v8, v17;
	v20 =	vld [tilespmem:s13+$0xFFFFFFF0]  }
0x15f: {  	v21 =	vmov s17  }
0x160: {  	v21 =	vshrl.u32 v21, $0x3  }
0x161: {  	v21 =	vshll.u32 v21, v1  }
0x162: {  	[tilespmem:v19+s19+$0x0] =	vst.idx.msk $0xffff, v18;
	v18 =	vbroadcast v21, $0x0  }
0x163: {  	[tilespmem:v17+s19+$0x0] =	vst.idx.msk $0xffff, v20  }
0x164: {  	v17 =	vld [tilespmem:s13+$0x0];
	v19 =	vadd.s32 v9, v18  }
0x165: {  	s17 =	sadd.s32 $0xFFFFFFFE, s14;
	v18 =	vadd.s32 v10, v18;
	v20 =	vld [tilespmem:s13+$0x10]  }
0x166: {  	v21 =	vmov s17  }
0x167: {  	v21 =	vshrl.u32 v21, $0x3  }
0x168: {  	v21 =	vshll.u32 v21, v1  }
0x169: {  	[tilespmem:v19+s19+$0x0] =	vst.idx.msk $0xffff, v17;
	v17 =	vbroadcast v21, $0x0  }
0x16a: {  	[tilespmem:v18+s19+$0x0] =	vst.idx.msk $0xffff, v20  }
0x16b: {  	v18 =	vld [tilespmem:s13+$0x20];
	v19 =	vadd.s32 v11, v17  }
0x16c: {  	s17 =	sadd.s32 $0xFFFFFFFF, s14;
	v17 =	vadd.s32 v12, v17;
	v20 =	vld [tilespmem:s13+$0x30]  }
0x16d: {  	v21 =	vmov s17  }
0x16e: {  	v21 =	vshrl.u32 v21, $0x3  }
0x16f: {  	v21 =	vshll.u32 v21, v1  }
0x170: {  	[tilespmem:v19+s19+$0x0] =	vst.idx.msk $0xffff, v18;
	v18 =	vbroadcast v21, $0x0  }
0x171: {  	[tilespmem:v17+s19+$0x0] =	vst.idx.msk $0xffff, v20  }
0x172: {  	v17 =	vld [tilespmem:s13+$0x40];
	v19 =	vadd.s32 v13, v18  }
0x173: {  	v18 =	vadd.s32 v14, v18;
	v20 =	vld [tilespmem:s13+$0x50]  }
0x174: {  	v21 =	vmov s14;
	s14 =	smov.u32 s16  }
0x175: {  	v21 =	vshrl.u32 v21, $0x3  }
0x176: {  	v21 =	vshll.u32 v21, v1  }
0x177: {  	[tilespmem:v19+s19+$0x0] =	vst.idx.msk $0xffff, v17;
	v19 =	vbroadcast v21, $0x0  }
0x178: {  	[tilespmem:v18+s19+$0x0] =	vst.idx.msk $0xffff, v20  }
0x179: {  	v20 =	vld [tilespmem:s13+$0x60];
	v21 =	vadd.s32 v15, v19  }
.Ltmp1:
0x17a: {  	s16 =	sadd.s32 $0xFFFFFFF9, s14;
	v19 =	vadd.s32 v16, v19;
	v17 =	vld [tilespmem:s13+$0x70];
	(pc) =	sbr.rel @p0 .LBB2_4-.Ltmp1, $4  }
0x17b: {  	v18 =	vmov s16  }
0x17c: {  	v18 =	vshrl.u32 v18, $0x3  }
0x17d: {  	v18 =	vshll.u32 v18, v1  }
0x17e: {  	v18 =	vbroadcast v18, $0x0;
	[tilespmem:v21+s19+$0x0] =	vst.idx.msk $0xffff, v20  }
0x17f: {  	_ =	sdelay $0x3  }
0x180: {  	[tilespmem:v19+s19+$0x0] =	vst.idx.msk $0xffff, v17;
	s13 =	sadd.s32 $0x100, s13  }
0x181: {  	v17 =	vld [tilespmem:s13+$0xFFFFFF80];
	v19 =	vadd.s32 v0, v18  }
0x182: {  	s15 =	sadd.s32 $0xFFFFFFFA, s14;
	v20 =	vld [tilespmem:s13+$0xFFFFFF90];
	v18 =	vadd.s32 v2, v18  }
0x183: {  	v21 =	vmov s15  }
0x184: {  	v21 =	vshrl.u32 v21, $0x3  }
0x185: {  	v21 =	vshll.u32 v21, v1  }
0x186: {  	[tilespmem:v19+s19+$0x0] =	vst.idx.msk $0xffff, v17;
	v17 =	vbroadcast v21, $0x0  }
0x187: {  	[tilespmem:v18+s19+$0x0] =	vst.idx.msk $0xffff, v20  }
0x188: {  	v18 =	vld [tilespmem:s13+$0xFFFFFFA0];
	v19 =	vadd.s32 v3, v17  }
0x189: {  	s17 =	sadd.s32 $0xFFFFFFFB, s14;
	v20 =	vld [tilespmem:s13+$0xFFFFFFB0];
	v17 =	vadd.s32 v4, v17  }
0x18a: {  	v58 =	vmov s17  }
0x18b: {  	v21 =	vshrl.u32 v58, $0x3  }
0x18c: {  	v21 =	vshll.u32 v21, v1  }
0x18d: {  	[tilespmem:v19+s19+$0x0] =	vst.idx.msk $0xffff, v18;
	v18 =	vbroadcast v21, $0x0  }
0x18e: {  	[tilespmem:v17+s19+$0x0] =	vst.idx.msk $0xffff, v20  }
0x18f: {  	v17 =	vld [tilespmem:s13+$0xFFFFFFC0];
	v19 =	vadd.s32 v5, v18  }
0x190: {  	s20 =	sadd.s32 $0xFFFFFFFC, s14;
	v20 =	vld [tilespmem:s13+$0xFFFFFFD0];
	v18 =	vadd.s32 v6, v18  }
0x191: {  	v59 =	vmov s20  }
0x192: {  	v21 =	vshrl.u32 v59, $0x3  }
0x193: {  	v21 =	vshll.u32 v21, v1  }
0x194: {  	[tilespmem:v19+s19+$0x0] =	vst.idx.msk $0xffff, v17;
	v17 =	vbroadcast v21, $0x0  }
0x195: {  	[tilespmem:v18+s19+$0x0] =	vst.idx.msk $0xffff, v20  }
0x196: {  	v18 =	vld [tilespmem:s13+$0xFFFFFFE0];
	v19 =	vadd.s32 v7, v17  }
0x197: {  	s21 =	sadd.s32 $0xFFFFFFFD, s14;
	v20 =	vld [tilespmem:s13+$0xFFFFFFF0];
	v17 =	vadd.s32 v8, v17  }
0x198: {  	v60 =	vmov s21  }
0x199: {  	v21 =	vshrl.u32 v60, $0x3  }
0x19a: {  	v21 =	vshll.u32 v21, v1  }
0x19b: {  	[tilespmem:v19+s19+$0x0] =	vst.idx.msk $0xffff, v18;
	v18 =	vbroadcast v21, $0x0  }
0x19c: {  	[tilespmem:v17+s19+$0x0] =	vst.idx.msk $0xffff, v20  }
0x19d: {  	v17 =	vld [tilespmem:s13+$0x0];
	v19 =	vadd.s32 v9, v18  }
0x19e: {  	s16 =	sadd.s32 $0xFFFFFFFE, s14;
	v20 =	vld [tilespmem:s13+$0x10];
	v18 =	vadd.s32 v10, v18  }
0x19f: {  	v61 =	vmov s16  }
0x1a0: {  	v21 =	vshrl.u32 v61, $0x3  }
0x1a1: {  	v21 =	vshll.u32 v21, v1  }
0x1a2: {  	[tilespmem:v19+s19+$0x0] =	vst.idx.msk $0xffff, v17;
	v17 =	vbroadcast v21, $0x0  }
0x1a3: {  	[tilespmem:v18+s19+$0x0] =	vst.idx.msk $0xffff, v20  }
0x1a4: {  	v18 =	vld [tilespmem:s13+$0x20];
	v19 =	vadd.s32 v11, v17  }
0x1a5: {  	s17 =	sadd.s32 $0xFFFFFFFF, s14;
	v20 =	vld [tilespmem:s13+$0x30];
	v17 =	vadd.s32 v12, v17  }
0x1a6: {  	v62 =	vmov s17  }
0x1a7: {  	v21 =	vshrl.u32 v62, $0x3  }
0x1a8: {  	v21 =	vshll.u32 v21, v1  }
0x1a9: {  	[tilespmem:v19+s19+$0x0] =	vst.idx.msk $0xffff, v18;
	v18 =	vbroadcast v21, $0x0  }
0x1aa: {  	[tilespmem:v17+s19+$0x0] =	vst.idx.msk $0xffff, v20  }
0x1ab: {  	v17 =	vld [tilespmem:s13+$0x40];
	v19 =	vadd.s32 v13, v18  }
0x1ac: {  	v20 =	vld [tilespmem:s13+$0x50];
	v18 =	vadd.s32 v14, v18  }
0x1ad: {  	v63 =	vmov s14  }
0x1ae: {  	v21 =	vshrl.u32 v63, $0x3  }
0x1af: {  	v21 =	vshll.u32 v21, v1  }
0x1b0: {  	[tilespmem:v19+s19+$0x0] =	vst.idx.msk $0xffff, v17;
	v17 =	vbroadcast v21, $0x0  }
0x1b1: {  	[tilespmem:v18+s19+$0x0] =	vst.idx.msk $0xffff, v20  }
0x1b2: {  	v18 =	vld [tilespmem:s13+$0x60];
	v19 =	vadd.s32 v15, v17  }
0x1b3: {  	v20 =	vld [tilespmem:s13+$0x70];
	v17 =	vadd.s32 v16, v17;
	_ =	sdelay $0x3  }
0x1b4: {  	[tilespmem:v19+s19+$0x0] =	vst.idx.msk $0xffff, v18  }
0x1b5: {  	s14 =	rddreg [dreg:$0x8];
	[tilespmem:v17+s19+$0x0] =	vst.idx.msk $0xffff, v20  }
0x1b6: {  	[hbm4b:s14+s3] =	stream.linear.scatter [tilespmem:s19], [sflag:$0x4], $0x80, $0x38;
	[tilespmem:$0xA600] =	vst v63  }
0x1b7: {  	s21 =	simm.s32 $0x9588;
	s20 =	sadd.s32 $0x10, s14  }
0x1b8: {  	[hbm4b:s20+s3] =	stream.linear.scatter [tilespmem:s21], [sflag:$0x4], $0x80, $0x38;
	[tilespmem:$0xA600] =	vst v63  }
0x1b9: {  	s16 =	sadd.s32 $0x20, s14;
	s17 =	simm.s32 $0x9610  }
0x1ba: {  	[hbm4b:s16+s3] =	stream.linear.scatter [tilespmem:s17], [sflag:$0x4], $0x80, $0x38;
	[tilespmem:$0xA600] =	vst v63  }
0x1bb: {  	s20 =	sadd.s32 $0x30, s14;
	s21 =	simm.s32 $0x9698  }
0x1bc: {  	[hbm4b:s20+s3] =	stream.linear.scatter [tilespmem:s21], [sflag:$0x4], $0x80, $0x38;
	[tilespmem:$0xA600] =	vst v63  }
0x1bd: {  	s16 =	sadd.s32 $0x40, s14;
	s17 =	simm.s32 $0x9720  }
0x1be: {  	[hbm4b:s16+s3] =	stream.linear.scatter [tilespmem:s17], [sflag:$0x4], $0x80, $0x38;
	[tilespmem:$0xA600] =	vst v63  }
0x1bf: {  	s20 =	sadd.s32 $0x50, s14;
	s21 =	simm.s32 $0x97A8  }
0x1c0: {  	[hbm4b:s20+s3] =	stream.linear.scatter [tilespmem:s21], [sflag:$0x4], $0x80, $0x38;
	[tilespmem:$0xA600] =	vst v63  }
0x1c1: {  	s16 =	sadd.s32 $0x60, s14;
	s17 =	simm.s32 $0x9830  }
0x1c2: {  	[hbm4b:s16+s3] =	stream.linear.scatter [tilespmem:s17], [sflag:$0x4], $0x80, $0x38;
	[tilespmem:$0xA600] =	vst v63  }
0x1c3: {  	s20 =	sadd.s32 $0x70, s14;
	s21 =	simm.s32 $0x98B8  }
0x1c4: {  	[hbm4b:s20+s3] =	stream.linear.scatter [tilespmem:s21], [sflag:$0x4], $0x80, $0x38;
	[tilespmem:$0xA600] =	vst v63  }
0x1c5: {  	s15 =	simm.s32 $0x9940;
	s14 =	rddreg [dreg:$0x9]  }
0x1c6: {  	[hbm4b:s14+s3] =	stream.linear.scatter [tilespmem:s15], [sflag:$0x4], $0x80, $0x38;
	[tilespmem:$0xA600] =	vst v63  }
0x1c7: {  	s16 =	sadd.s32 $0x10, s14;
	s17 =	simm.s32 $0x99C8  }
0x1c8: {  	[hbm4b:s16+s3] =	stream.linear.scatter [tilespmem:s17], [sflag:$0x4], $0x80, $0x38;
	[tilespmem:$0xA600] =	vst v63  }
0x1c9: {  	s20 =	sadd.s32 $0x20, s14;
	s21 =	simm.s32 $0x9A50  }
0x1ca: {  	[hbm4b:s20+s3] =	stream.linear.scatter [tilespmem:s21], [sflag:$0x4], $0x80, $0x38;
	[tilespmem:$0xA600] =	vst v63  }
0x1cb: {  	s16 =	sadd.s32 $0x30, s14;
	s17 =	simm.s32 $0x9AD8  }
0x1cc: {  	[hbm4b:s16+s3] =	stream.linear.scatter [tilespmem:s17], [sflag:$0x4], $0x80, $0x38;
	[tilespmem:$0xA600] =	vst v63  }
0x1cd: {  	s20 =	sadd.s32 $0x40, s14;
	s21 =	simm.s32 $0x9B60  }
0x1ce: {  	[hbm4b:s20+s3] =	stream.linear.scatter [tilespmem:s21], [sflag:$0x4], $0x80, $0x38;
	[tilespmem:$0xA600] =	vst v63  }
0x1cf: {  	s16 =	sadd.s32 $0x50, s14;
	s17 =	simm.s32 $0x9BE8  }
0x1d0: {  	[hbm4b:s16+s3] =	stream.linear.scatter [tilespmem:s17], [sflag:$0x4], $0x80, $0x38;
	[tilespmem:$0xA600] =	vst v63  }
0x1d1: {  	s20 =	sadd.s32 $0x60, s14;
	s21 =	simm.s32 $0x9C70  }
0x1d2: {  	[hbm4b:s20+s3] =	stream.linear.scatter [tilespmem:s21], [sflag:$0x4], $0x80, $0x38;
	[tilespmem:$0xA600] =	vst v63  }
0x1d3: {  	s15 =	sadd.s32 $0x70, s14;
	s16 =	simm.s32 $0x9CF8  }
0x1d4: {  	[hbm4b:s15+s3] =	stream.linear.scatter [tilespmem:s16], [sflag:$0x4], $0x80, $0x38;
	[tilespmem:$0xA600] =	vst v63  }
0x1d5: {  	s14 =	rddreg [dreg:$0xa];
	s17 =	simm.s32 $0x9D80  }
0x1d6: {  	[hbm4b:s14+s3] =	stream.linear.scatter [tilespmem:s17], [sflag:$0x4], $0x80, $0x38;
	[tilespmem:$0xA600] =	vst v63  }
0x1d7: {  	s20 =	sadd.s32 $0x10, s14;
	s21 =	simm.s32 $0x9E08  }
0x1d8: {  	[hbm4b:s20+s3] =	stream.linear.scatter [tilespmem:s21], [sflag:$0x4], $0x80, $0x38;
	[tilespmem:$0xA600] =	vst v63  }
0x1d9: {  	s16 =	sadd.s32 $0x20, s14;
	s17 =	simm.s32 $0x9E90  }
0x1da: {  	[hbm4b:s16+s3] =	stream.linear.scatter [tilespmem:s17], [sflag:$0x4], $0x80, $0x38;
	[tilespmem:$0xA600] =	vst v63  }
0x1db: {  	s20 =	sadd.s32 $0x30, s14;
	s21 =	simm.s32 $0x9F18  }
0x1dc: {  	[hbm4b:s20+s3] =	stream.linear.scatter [tilespmem:s21], [sflag:$0x4], $0x80, $0x38;
	[tilespmem:$0xA600] =	vst v63  }
0x1dd: {  	s16 =	sadd.s32 $0x40, s14;
	s17 =	simm.s32 $0x9FA0  }
0x1de: {  	[hbm4b:s16+s3] =	stream.linear.scatter [tilespmem:s17], [sflag:$0x4], $0x80, $0x38;
	[tilespmem:$0xA600] =	vst v63  }
0x1df: {  	s20 =	sadd.s32 $0x50, s14;
	s21 =	simm.s32 $0xA028  }
0x1e0: {  	[hbm4b:s20+s3] =	stream.linear.scatter [tilespmem:s21], [sflag:$0x4], $0x80, $0x38;
	[tilespmem:$0xA600] =	vst v63  }
0x1e1: {  	s16 =	sadd.s32 $0x60, s14  }
0x1e2: {  	[hbm4b:s16+s3] =	stream.linear.scatter [tilespmem:s22], [sflag:$0x4], $0x80, $0x38;
	[tilespmem:$0xA600] =	vst v63  }
0x1e3: {  	s17 =	sadd.s32 $0x70, s14  }
0x1e4: {  	[hbm4b:s17+s3] =	stream.linear.scatter [tilespmem:s23], [sflag:$0x4], $0x80, $0x38;
	[tilespmem:$0xA600] =	vst v63  }
0x1e5: {  	s14 =	rddreg [dreg:$0xb]  }
0x1e6: {  	[hbm4b:s14+s3] =	stream.linear.scatter [tilespmem:s24], [sflag:$0x4], $0x80, $0x38;
	[tilespmem:$0xA600] =	vst v63  }
0x1e7: {  	s20 =	sadd.s32 $0x10, s14  }
0x1e8: {  	[hbm4b:s20+s3] =	stream.linear.scatter [tilespmem:s26], [sflag:$0x4], $0x80, $0x38;
	[tilespmem:$0xA600] =	vst v63  }
0x1e9: {  	s21 =	sadd.s32 $0x20, s14  }
0x1ea: {  	[hbm4b:s21+s3] =	stream.linear.scatter [tilespmem:s7], [sflag:$0x4], $0x80, $0x38;
	[tilespmem:$0xA600] =	vst v63  }
0x1eb: {  	s15 =	sadd.s32 $0x30, s14  }
0x1ec: {  	[hbm4b:s15+s3] =	stream.linear.scatter [tilespmem:s31], [sflag:$0x4], $0x80, $0x38;
	[tilespmem:$0xA600] =	vst v63  }
0x1ed: {  	s16 =	sadd.s32 $0x40, s14  }
0x1ee: {  	[hbm4b:s16+s3] =	stream.linear.scatter [tilespmem:s0], [sflag:$0x4], $0x80, $0x38;
	[tilespmem:$0xA600] =	vst v63  }
0x1ef: {  	s17 =	sadd.s32 $0x50, s14  }
0x1f0: {  	[hbm4b:s17+s3] =	stream.linear.scatter [tilespmem:s5], [sflag:$0x4], $0x80, $0x38;
	[tilespmem:$0xA600] =	vst v63  }
0x1f1: {  	s20 =	sadd.s32 $0x60, s14  }
0x1f2: {  	[hbm4b:s20+s3] =	stream.linear.scatter [tilespmem:s25], [sflag:$0x4], $0x80, $0x38;
	[tilespmem:$0xA600] =	vst v63  }
0x1f3: {  	s13 =	simm.s32 $0x1;
	s21 =	sadd.s32 $0x70, s14  }
0x1f4: {  	[hbm4b:s21+s3] =	stream.linear.scatter [tilespmem:s30], [sflag:$0x4], $0x80, $0x38;
	[tilespmem:$0xA600] =	vst v63  }
.LBB2_6:
0x1f5: {  	s14 =	sshllo.u32 s13, $0x1  }
0x1f6: {  	s15 =	sshll.u32 s14, $0x7  }
0x1f7: {  	s16 =	simm.s32 $0x7400;
	s15 =	sand.u32 $0x3FFFFF80, s15  }
0x1f8: {  	[tilespmem:s16], [sflag:$0x2] =	stream.indirect.gather [hbm4b:s4+s28], $0x20, s15, s28, $0xb8;
	[tilespmem:$0xA600] =	vst v63  }
0x1f9: {  	_ =	swait.ge [sflag:s1], $0x1000  }
0x1fa: {  	[sflag:s1] =	ssyncset.done $0x0  }
0x1fb: {  	[sflag:s1] =	ssyncadd.s32 $0xFFFFF000  }
0x1fc: {  	_ =	swait.ge [sflag:s10], $0x400  }
0x1fd: {  	[sflag:s10] =	ssyncset.done $0x0  }
0x1fe: {  	[sflag:s10] =	ssyncadd.s32 $0xFFFFFC00  }
0x1ff: {  	_ =	swait.ge [sflag:s10], $0x400  }
0x200: {  	[sflag:s10] =	ssyncset.done $0x0  }
0x201: {  	[sflag:s10] =	ssyncadd.s32 $0xFFFFFC00  }
0x202: {  	s17 =	simm.s32 $0x0;
	_ =	swait.ge [sflag:s10], $0x400  }
0x203: {  	v17 =	vmov s17;
	[sflag:s10] =	ssyncset.done $0x0  }
0x204: {  	v17 =	vshrl.u32 v17, $0x3;
	[sflag:s10] =	ssyncadd.s32 $0xFFFFFC00  }
0x205: {  	v17 =	vshll.u32 v17, v1;
	_ =	swait.ge [sflag:s10], $0x400  }
0x206: {  	v17 =	vbroadcast v17, $0x0;
	[sflag:s10] =	ssyncset.done $0x0  }
0x207: {  	s15 =	simm.s32 $0x6480;
	[sflag:s10] =	ssyncadd.s32 $0xFFFFFC00  }
0x208: {  	v19 =	vadd.s32 v0, v17;
	v18 =	vld [tilespmem:s15+$0xFFFFFF80]  }
0x209: {  	s20 =	simm.s32 $0x1;
	v17 =	vadd.s32 v2, v17;
	v20 =	vld [tilespmem:s15+$0xFFFFFF90]  }
0x20a: {  	v21 =	vmov s20  }
0x20b: {  	v21 =	vshrl.u32 v21, $0x3  }
0x20c: {  	v21 =	vshll.u32 v21, v1  }
0x20d: {  	[tilespmem:v19+s29+$0x0] =	vst.idx.msk $0xffff, v18;
	v18 =	vbroadcast v21, $0x0  }
0x20e: {  	[tilespmem:v17+s29+$0x0] =	vst.idx.msk $0xffff, v20  }
0x20f: {  	v17 =	vld [tilespmem:s15+$0xFFFFFFA0];
	v19 =	vadd.s32 v3, v18  }
0x210: {  	s21 =	simm.s32 $0x2;
	v20 =	vld [tilespmem:s15+$0xFFFFFFB0];
	v18 =	vadd.s32 v4, v18  }
0x211: {  	v58 =	vmov s21  }
0x212: {  	v21 =	vshrl.u32 v58, $0x3  }
0x213: {  	v21 =	vshll.u32 v21, v1  }
0x214: {  	[tilespmem:v19+s29+$0x0] =	vst.idx.msk $0xffff, v17;
	v17 =	vbroadcast v21, $0x0  }
0x215: {  	[tilespmem:v18+s29+$0x0] =	vst.idx.msk $0xffff, v20  }
0x216: {  	v18 =	vld [tilespmem:s15+$0xFFFFFFC0];
	v19 =	vadd.s32 v5, v17  }
0x217: {  	s17 =	simm.s32 $0x3;
	v20 =	vld [tilespmem:s15+$0xFFFFFFD0];
	v17 =	vadd.s32 v6, v17  }
0x218: {  	v59 =	vmov s17  }
0x219: {  	v21 =	vshrl.u32 v59, $0x3  }
0x21a: {  	v21 =	vshll.u32 v21, v1  }
0x21b: {  	[tilespmem:v19+s29+$0x0] =	vst.idx.msk $0xffff, v18;
	v18 =	vbroadcast v21, $0x0  }
0x21c: {  	[tilespmem:v17+s29+$0x0] =	vst.idx.msk $0xffff, v20  }
0x21d: {  	v17 =	vld [tilespmem:s15+$0xFFFFFFE0];
	v19 =	vadd.s32 v7, v18  }
0x21e: {  	s20 =	simm.s32 $0x4;
	v20 =	vld [tilespmem:s15+$0xFFFFFFF0];
	v18 =	vadd.s32 v8, v18  }
0x21f: {  	v60 =	vmov s20  }
0x220: {  	v21 =	vshrl.u32 v60, $0x3  }
0x221: {  	v21 =	vshll.u32 v21, v1  }
0x222: {  	[tilespmem:v19+s29+$0x0] =	vst.idx.msk $0xffff, v17;
	v17 =	vbroadcast v21, $0x0  }
0x223: {  	[tilespmem:v18+s29+$0x0] =	vst.idx.msk $0xffff, v20  }
0x224: {  	v18 =	vld [tilespmem:s15+$0x0];
	v19 =	vadd.s32 v9, v17  }
0x225: {  	s21 =	simm.s32 $0x5;
	v20 =	vld [tilespmem:s15+$0x10];
	v17 =	vadd.s32 v10, v17  }
0x226: {  	v61 =	vmov s21  }
0x227: {  	v21 =	vshrl.u32 v61, $0x3  }
0x228: {  	v21 =	vshll.u32 v21, v1  }
0x229: {  	[tilespmem:v19+s29+$0x0] =	vst.idx.msk $0xffff, v18;
	v18 =	vbroadcast v21, $0x0  }
0x22a: {  	[tilespmem:v17+s29+$0x0] =	vst.idx.msk $0xffff, v20  }
0x22b: {  	v17 =	vld [tilespmem:s15+$0x20];
	v19 =	vadd.s32 v11, v18  }
0x22c: {  	s17 =	simm.s32 $0x6;
	v20 =	vld [tilespmem:s15+$0x30];
	v18 =	vadd.s32 v12, v18  }
0x22d: {  	v62 =	vmov s17  }
0x22e: {  	v21 =	vshrl.u32 v62, $0x3  }
0x22f: {  	v21 =	vshll.u32 v21, v1  }
0x230: {  	[tilespmem:v19+s29+$0x0] =	vst.idx.msk $0xffff, v17;
	v17 =	vbroadcast v21, $0x0  }
0x231: {  	[tilespmem:v18+s29+$0x0] =	vst.idx.msk $0xffff, v20  }
0x232: {  	v18 =	vld [tilespmem:s15+$0x40];
	v19 =	vadd.s32 v13, v17  }
0x233: {  	s20 =	simm.s32 $0x7;
	v20 =	vld [tilespmem:s15+$0x50];
	v17 =	vadd.s32 v14, v17  }
0x234: {  	v63 =	vmov s20  }
0x235: {  	v21 =	vshrl.u32 v63, $0x3  }
0x236: {  	v21 =	vshll.u32 v21, v1  }
0x237: {  	[tilespmem:v19+s29+$0x0] =	vst.idx.msk $0xffff, v18;
	v18 =	vbroadcast v21, $0x0  }
0x238: {  	s21 =	simm.s32 $0x8;
	[tilespmem:v17+s29+$0x0] =	vst.idx.msk $0xffff, v20  }
0x239: {  	v17 =	vmov s21;
	v20 =	vld [tilespmem:s15+$0x60];
	v21 =	vadd.s32 v15, v18  }
0x23a: {  	v19 =	vshrl.u32 v17, $0x3  }
0x23b: {  	v17 =	vld [tilespmem:s15+$0x70];
	v22 =	vshll.u32 v19, v1;
	v19 =	vadd.s32 v16, v18;
	_ =	sdelay $0x2  }
0x23c: {  	s16 =	simm.s32 $0xF;
	s17 =	simm.s32 $0x17;
	v18 =	vbroadcast v22, $0x0;
	[tilespmem:v21+s29+$0x0] =	vst.idx.msk $0xffff, v20  }
.LBB2_7:
0x23d: {  	p0 =	sne.s32 s17, $0x7F  }
0x23e: {  	[tilespmem:v19+s29+$0x0] =	vst.idx.msk $0xffff, v17;
	s15 =	sadd.s32 $0x100, s15;
	s20 =	smov.u32 s17;
	s17 =	sadd.s32 $0x8, s17  }
0x23f: {  	v17 =	vld [tilespmem:s15+$0xFFFFFF80];
	v19 =	vadd.s32 v0, v18  }
0x240: {  	s21 =	sadd.s32 $0xFFFFFFFA, s16;
	v18 =	vadd.s32 v2, v18;
	v20 =	vld [tilespmem:s15+$0xFFFFFF90]  }
0x241: {  	v21 =	vmov s21  }
0x242: {  	v21 =	vshrl.u32 v21, $0x3  }
0x243: {  	v21 =	vshll.u32 v21, v1  }
0x244: {  	[tilespmem:v19+s29+$0x0] =	vst.idx.msk $0xffff, v17;
	v17 =	vbroadcast v21, $0x0  }
0x245: {  	[tilespmem:v18+s29+$0x0] =	vst.idx.msk $0xffff, v20  }
0x246: {  	v18 =	vld [tilespmem:s15+$0xFFFFFFA0];
	v19 =	vadd.s32 v3, v17  }
0x247: {  	s21 =	sadd.s32 $0xFFFFFFFB, s16;
	v17 =	vadd.s32 v4, v17;
	v20 =	vld [tilespmem:s15+$0xFFFFFFB0]  }
0x248: {  	v21 =	vmov s21  }
0x249: {  	v21 =	vshrl.u32 v21, $0x3  }
0x24a: {  	v21 =	vshll.u32 v21, v1  }
0x24b: {  	[tilespmem:v19+s29+$0x0] =	vst.idx.msk $0xffff, v18;
	v18 =	vbroadcast v21, $0x0  }
0x24c: {  	[tilespmem:v17+s29+$0x0] =	vst.idx.msk $0xffff, v20  }
0x24d: {  	v17 =	vld [tilespmem:s15+$0xFFFFFFC0];
	v19 =	vadd.s32 v5, v18  }
0x24e: {  	s21 =	sadd.s32 $0xFFFFFFFC, s16;
	v18 =	vadd.s32 v6, v18;
	v20 =	vld [tilespmem:s15+$0xFFFFFFD0]  }
0x24f: {  	v21 =	vmov s21  }
0x250: {  	v21 =	vshrl.u32 v21, $0x3  }
0x251: {  	v21 =	vshll.u32 v21, v1  }
0x252: {  	[tilespmem:v19+s29+$0x0] =	vst.idx.msk $0xffff, v17;
	v17 =	vbroadcast v21, $0x0  }
0x253: {  	[tilespmem:v18+s29+$0x0] =	vst.idx.msk $0xffff, v20  }
0x254: {  	v18 =	vld [tilespmem:s15+$0xFFFFFFE0];
	v19 =	vadd.s32 v7, v17  }
0x255: {  	s21 =	sadd.s32 $0xFFFFFFFD, s16;
	v17 =	vadd.s32 v8, v17;
	v20 =	vld [tilespmem:s15+$0xFFFFFFF0]  }
0x256: {  	v21 =	vmov s21  }
0x257: {  	v21 =	vshrl.u32 v21, $0x3  }
0x258: {  	v21 =	vshll.u32 v21, v1  }
0x259: {  	[tilespmem:v19+s29+$0x0] =	vst.idx.msk $0xffff, v18;
	v18 =	vbroadcast v21, $0x0  }
0x25a: {  	[tilespmem:v17+s29+$0x0] =	vst.idx.msk $0xffff, v20  }
0x25b: {  	v17 =	vld [tilespmem:s15+$0x0];
	v19 =	vadd.s32 v9, v18  }
0x25c: {  	s21 =	sadd.s32 $0xFFFFFFFE, s16;
	v18 =	vadd.s32 v10, v18;
	v20 =	vld [tilespmem:s15+$0x10]  }
0x25d: {  	v21 =	vmov s21  }
0x25e: {  	v21 =	vshrl.u32 v21, $0x3  }
0x25f: {  	v21 =	vshll.u32 v21, v1  }
0x260: {  	[tilespmem:v19+s29+$0x0] =	vst.idx.msk $0xffff, v17;
	v17 =	vbroadcast v21, $0x0  }
0x261: {  	[tilespmem:v18+s29+$0x0] =	vst.idx.msk $0xffff, v20  }
0x262: {  	v18 =	vld [tilespmem:s15+$0x20];
	v19 =	vadd.s32 v11, v17  }
0x263: {  	s21 =	sadd.s32 $0xFFFFFFFF, s16;
	v17 =	vadd.s32 v12, v17;
	v20 =	vld [tilespmem:s15+$0x30]  }
0x264: {  	v21 =	vmov s21  }
0x265: {  	v21 =	vshrl.u32 v21, $0x3  }
0x266: {  	v21 =	vshll.u32 v21, v1  }
0x267: {  	[tilespmem:v19+s29+$0x0] =	vst.idx.msk $0xffff, v18;
	v18 =	vbroadcast v21, $0x0  }
0x268: {  	[tilespmem:v17+s29+$0x0] =	vst.idx.msk $0xffff, v20  }
0x269: {  	v17 =	vld [tilespmem:s15+$0x40];
	v19 =	vadd.s32 v13, v18  }
0x26a: {  	v18 =	vadd.s32 v14, v18;
	v20 =	vld [tilespmem:s15+$0x50]  }
0x26b: {  	v21 =	vmov s16;
	s16 =	smov.u32 s20  }
0x26c: {  	v21 =	vshrl.u32 v21, $0x3  }
0x26d: {  	v21 =	vshll.u32 v21, v1  }
0x26e: {  	[tilespmem:v19+s29+$0x0] =	vst.idx.msk $0xffff, v17;
	v19 =	vbroadcast v21, $0x0  }
0x26f: {  	[tilespmem:v18+s29+$0x0] =	vst.idx.msk $0xffff, v20  }
0x270: {  	v20 =	vld [tilespmem:s15+$0x60];
	v21 =	vadd.s32 v15, v19  }
.Ltmp2:
0x271: {  	s20 =	sadd.s32 $0xFFFFFFF9, s16;
	v19 =	vadd.s32 v16, v19;
	v17 =	vld [tilespmem:s15+$0x70];
	(pc) =	sbr.rel @p0 .LBB2_7-.Ltmp2, $4  }
0x272: {  	v18 =	vmov s20  }
0x273: {  	v18 =	vshrl.u32 v18, $0x3  }
0x274: {  	v18 =	vshll.u32 v18, v1  }
0x275: {  	v18 =	vbroadcast v18, $0x0;
	[tilespmem:v21+s29+$0x0] =	vst.idx.msk $0xffff, v20  }
0x276: {  	_ =	sdelay $0x3  }
0x277: {  	[tilespmem:v19+s29+$0x0] =	vst.idx.msk $0xffff, v17;
	s15 =	sadd.s32 $0x100, s15  }
0x278: {  	v17 =	vld [tilespmem:s15+$0xFFFFFF80];
	v19 =	vadd.s32 v0, v18  }
0x279: {  	s17 =	sadd.s32 $0xFFFFFFFA, s16;
	v20 =	vld [tilespmem:s15+$0xFFFFFF90];
	v18 =	vadd.s32 v2, v18  }
0x27a: {  	v21 =	vmov s17  }
0x27b: {  	v21 =	vshrl.u32 v21, $0x3  }
0x27c: {  	v21 =	vshll.u32 v21, v1  }
0x27d: {  	[tilespmem:v19+s29+$0x0] =	vst.idx.msk $0xffff, v17;
	v17 =	vbroadcast v21, $0x0  }
0x27e: {  	[tilespmem:v18+s29+$0x0] =	vst.idx.msk $0xffff, v20  }
0x27f: {  	v18 =	vld [tilespmem:s15+$0xFFFFFFA0];
	v19 =	vadd.s32 v3, v17  }
0x280: {  	s21 =	sadd.s32 $0xFFFFFFFB, s16;
	v20 =	vld [tilespmem:s15+$0xFFFFFFB0];
	v17 =	vadd.s32 v4, v17  }
0x281: {  	v51 =	vmov s21  }
0x282: {  	v21 =	vshrl.u32 v51, $0x3  }
0x283: {  	v21 =	vshll.u32 v21, v1  }
0x284: {  	[tilespmem:v19+s29+$0x0] =	vst.idx.msk $0xffff, v18;
	v18 =	vbroadcast v21, $0x0  }
0x285: {  	[tilespmem:v17+s29+$0x0] =	vst.idx.msk $0xffff, v20  }
0x286: {  	v17 =	vld [tilespmem:s15+$0xFFFFFFC0];
	v19 =	vadd.s32 v5, v18  }
0x287: {  	s20 =	sadd.s32 $0xFFFFFFFC, s16;
	v20 =	vld [tilespmem:s15+$0xFFFFFFD0];
	v18 =	vadd.s32 v6, v18  }
0x288: {  	v52 =	vmov s20  }
0x289: {  	v21 =	vshrl.u32 v52, $0x3  }
0x28a: {  	v21 =	vshll.u32 v21, v1  }
0x28b: {  	[tilespmem:v19+s29+$0x0] =	vst.idx.msk $0xffff, v17;
	v17 =	vbroadcast v21, $0x0  }
0x28c: {  	[tilespmem:v18+s29+$0x0] =	vst.idx.msk $0xffff, v20  }
0x28d: {  	v18 =	vld [tilespmem:s15+$0xFFFFFFE0];
	v19 =	vadd.s32 v7, v17  }
0x28e: {  	s21 =	sadd.s32 $0xFFFFFFFD, s16;
	v20 =	vld [tilespmem:s15+$0xFFFFFFF0];
	v17 =	vadd.s32 v8, v17  }
0x28f: {  	v53 =	vmov s21  }
0x290: {  	v21 =	vshrl.u32 v53, $0x3  }
0x291: {  	v21 =	vshll.u32 v21, v1  }
0x292: {  	[tilespmem:v19+s29+$0x0] =	vst.idx.msk $0xffff, v18;
	v18 =	vbroadcast v21, $0x0  }
0x293: {  	[tilespmem:v17+s29+$0x0] =	vst.idx.msk $0xffff, v20  }
0x294: {  	v17 =	vld [tilespmem:s15+$0x0];
	v19 =	vadd.s32 v9, v18  }
0x295: {  	s20 =	sadd.s32 $0xFFFFFFFE, s16;
	v20 =	vld [tilespmem:s15+$0x10];
	v18 =	vadd.s32 v10, v18  }
0x296: {  	v54 =	vmov s20  }
0x297: {  	v21 =	vshrl.u32 v54, $0x3  }
0x298: {  	v21 =	vshll.u32 v21, v1  }
0x299: {  	[tilespmem:v19+s29+$0x0] =	vst.idx.msk $0xffff, v17;
	v17 =	vbroadcast v21, $0x0  }
0x29a: {  	[tilespmem:v18+s29+$0x0] =	vst.idx.msk $0xffff, v20  }
0x29b: {  	v18 =	vld [tilespmem:s15+$0x20];
	v19 =	vadd.s32 v11, v17  }
0x29c: {  	s21 =	sadd.s32 $0xFFFFFFFF, s16;
	v20 =	vld [tilespmem:s15+$0x30];
	v17 =	vadd.s32 v12, v17  }
0x29d: {  	v55 =	vmov s21  }
0x29e: {  	v21 =	vshrl.u32 v55, $0x3  }
0x29f: {  	v21 =	vshll.u32 v21, v1  }
0x2a0: {  	[tilespmem:v19+s29+$0x0] =	vst.idx.msk $0xffff, v18;
	v18 =	vbroadcast v21, $0x0  }
0x2a1: {  	[tilespmem:v17+s29+$0x0] =	vst.idx.msk $0xffff, v20  }
0x2a2: {  	v17 =	vld [tilespmem:s15+$0x40];
	v19 =	vadd.s32 v13, v18  }
0x2a3: {  	v20 =	vld [tilespmem:s15+$0x50];
	v18 =	vadd.s32 v14, v18  }
0x2a4: {  	v56 =	vmov s16  }
0x2a5: {  	v21 =	vshrl.u32 v56, $0x3  }
0x2a6: {  	v21 =	vshll.u32 v21, v1  }
0x2a7: {  	[tilespmem:v19+s29+$0x0] =	vst.idx.msk $0xffff, v17;
	v17 =	vbroadcast v21, $0x0  }
0x2a8: {  	[tilespmem:v18+s29+$0x0] =	vst.idx.msk $0xffff, v20  }
0x2a9: {  	v18 =	vld [tilespmem:s15+$0x60];
	v19 =	vadd.s32 v15, v17  }
0x2aa: {  	v20 =	vld [tilespmem:s15+$0x70];
	v17 =	vadd.s32 v16, v17;
	_ =	sdelay $0x1  }
0x2ab: {  	s20 =	sshll.u32 s13, $0x12  }
0x2ac: {  	s15 =	sor.u32 s6, s20  }
0x2ad: {  	s15 =	sshrl.u32 s15, $0x3;
	[tilespmem:v19+s29+$0x0] =	vst.idx.msk $0xffff, v18  }
0x2ae: {  	s16 =	sadd.s32 s2, s15;
	[tilespmem:v17+s29+$0x0] =	vst.idx.msk $0xffff, v20  }
0x2af: {  	[hbm4b:s16+s3] =	stream.linear.scatter [tilespmem:s29], [sflag:$0x3], $0x80, $0x38;
	[tilespmem:$0xA600] =	vst v63  }
0x2b0: {  	s20 =	simm.s32 $0x8488;
	s21 =	sadd.s32 $0x10, s16  }
0x2b1: {  	[hbm4b:s21+s3] =	stream.linear.scatter [tilespmem:s20], [sflag:$0x3], $0x80, $0x38;
	[tilespmem:$0xA600] =	vst v63  }
0x2b2: {  	s20 =	sadd.s32 $0x20, s16;
	s21 =	simm.s32 $0x8510  }
0x2b3: {  	[hbm4b:s20+s3] =	stream.linear.scatter [tilespmem:s21], [sflag:$0x3], $0x80, $0x38;
	[tilespmem:$0xA600] =	vst v63  }
0x2b4: {  	s20 =	sadd.s32 $0x30, s16;
	s21 =	simm.s32 $0x8598  }
0x2b5: {  	[hbm4b:s20+s3] =	stream.linear.scatter [tilespmem:s21], [sflag:$0x3], $0x80, $0x38;
	[tilespmem:$0xA600] =	vst v63  }
0x2b6: {  	s20 =	sadd.s32 $0x40, s16;
	s21 =	simm.s32 $0x8620  }
0x2b7: {  	[hbm4b:s20+s3] =	stream.linear.scatter [tilespmem:s21], [sflag:$0x3], $0x80, $0x38;
	[tilespmem:$0xA600] =	vst v63  }
0x2b8: {  	s20 =	sadd.s32 $0x50, s16;
	s21 =	simm.s32 $0x86A8  }
0x2b9: {  	[hbm4b:s20+s3] =	stream.linear.scatter [tilespmem:s21], [sflag:$0x3], $0x80, $0x38;
	[tilespmem:$0xA600] =	vst v63  }
0x2ba: {  	s20 =	sadd.s32 $0x60, s16;
	s21 =	simm.s32 $0x8730  }
0x2bb: {  	[hbm4b:s20+s3] =	stream.linear.scatter [tilespmem:s21], [sflag:$0x3], $0x80, $0x38;
	[tilespmem:$0xA600] =	vst v63  }
0x2bc: {  	s16 =	sadd.s32 $0x70, s16;
	s20 =	simm.s32 $0x87B8  }
0x2bd: {  	[hbm4b:s16+s3] =	stream.linear.scatter [tilespmem:s20], [sflag:$0x3], $0x80, $0x38;
	[tilespmem:$0xA600] =	vst v63  }
0x2be: {  	s21 =	simm.s32 $0x8840;
	s16 =	sadd.s32 s15, s8  }
0x2bf: {  	[hbm4b:s16+s3] =	stream.linear.scatter [tilespmem:s21], [sflag:$0x3], $0x80, $0x38;
	[tilespmem:$0xA600] =	vst v63  }
0x2c0: {  	s20 =	sadd.s32 $0x10, s16;
	s21 =	simm.s32 $0x88C8  }
0x2c1: {  	[hbm4b:s20+s3] =	stream.linear.scatter [tilespmem:s21], [sflag:$0x3], $0x80, $0x38;
	[tilespmem:$0xA600] =	vst v63  }
0x2c2: {  	s20 =	sadd.s32 $0x20, s16;
	s21 =	simm.s32 $0x8950  }
0x2c3: {  	[hbm4b:s20+s3] =	stream.linear.scatter [tilespmem:s21], [sflag:$0x3], $0x80, $0x38;
	[tilespmem:$0xA600] =	vst v63  }
0x2c4: {  	s20 =	sadd.s32 $0x30, s16;
	s21 =	simm.s32 $0x89D8  }
0x2c5: {  	[hbm4b:s20+s3] =	stream.linear.scatter [tilespmem:s21], [sflag:$0x3], $0x80, $0x38;
	[tilespmem:$0xA600] =	vst v63  }
0x2c6: {  	s20 =	sadd.s32 $0x40, s16;
	s21 =	simm.s32 $0x8A60  }
0x2c7: {  	[hbm4b:s20+s3] =	stream.linear.scatter [tilespmem:s21], [sflag:$0x3], $0x80, $0x38;
	[tilespmem:$0xA600] =	vst v63  }
0x2c8: {  	s20 =	sadd.s32 $0x50, s16;
	s21 =	simm.s32 $0x8AE8  }
0x2c9: {  	[hbm4b:s20+s3] =	stream.linear.scatter [tilespmem:s21], [sflag:$0x3], $0x80, $0x38;
	[tilespmem:$0xA600] =	vst v63  }
0x2ca: {  	s20 =	sadd.s32 $0x60, s16;
	s21 =	simm.s32 $0x8B70  }
0x2cb: {  	[hbm4b:s20+s3] =	stream.linear.scatter [tilespmem:s21], [sflag:$0x3], $0x80, $0x38;
	[tilespmem:$0xA600] =	vst v63  }
0x2cc: {  	s16 =	sadd.s32 $0x70, s16;
	s20 =	simm.s32 $0x8BF8  }
0x2cd: {  	[hbm4b:s16+s3] =	stream.linear.scatter [tilespmem:s20], [sflag:$0x3], $0x80, $0x38;
	[tilespmem:$0xA600] =	vst v63  }
0x2ce: {  	s21 =	simm.s32 $0x8C80;
	s16 =	sadd.s32 s15, s9  }
0x2cf: {  	[hbm4b:s16+s3] =	stream.linear.scatter [tilespmem:s21], [sflag:$0x3], $0x80, $0x38;
	[tilespmem:$0xA600] =	vst v63  }
0x2d0: {  	s20 =	sadd.s32 $0x10, s16;
	s21 =	simm.s32 $0x8D08  }
0x2d1: {  	[hbm4b:s20+s3] =	stream.linear.scatter [tilespmem:s21], [sflag:$0x3], $0x80, $0x38;
	[tilespmem:$0xA600] =	vst v63  }
0x2d2: {  	s20 =	sadd.s32 $0x20, s16;
	s21 =	simm.s32 $0x8D90  }
0x2d3: {  	[hbm4b:s20+s3] =	stream.linear.scatter [tilespmem:s21], [sflag:$0x3], $0x80, $0x38;
	[tilespmem:$0xA600] =	vst v63  }
0x2d4: {  	s20 =	sadd.s32 $0x30, s16;
	s21 =	simm.s32 $0x8E18  }
0x2d5: {  	[hbm4b:s20+s3] =	stream.linear.scatter [tilespmem:s21], [sflag:$0x3], $0x80, $0x38;
	[tilespmem:$0xA600] =	vst v63  }
0x2d6: {  	s20 =	sadd.s32 $0x40, s16;
	s21 =	simm.s32 $0x8EA0  }
0x2d7: {  	[hbm4b:s20+s3] =	stream.linear.scatter [tilespmem:s21], [sflag:$0x3], $0x80, $0x38;
	[tilespmem:$0xA600] =	vst v63  }
0x2d8: {  	s20 =	sadd.s32 $0x50, s16;
	s21 =	simm.s32 $0x8F28  }
0x2d9: {  	[hbm4b:s20+s3] =	stream.linear.scatter [tilespmem:s21], [sflag:$0x3], $0x80, $0x38;
	[tilespmem:$0xA600] =	vst v63  }
0x2da: {  	s20 =	sadd.s32 $0x60, s16;
	s21 =	simm.s32 $0x8FB0  }
0x2db: {  	[hbm4b:s20+s3] =	stream.linear.scatter [tilespmem:s21], [sflag:$0x3], $0x80, $0x38;
	[tilespmem:$0xA600] =	vst v63  }
0x2dc: {  	s16 =	sadd.s32 $0x70, s16;
	s21 =	simm.s32 $0x9038  }
0x2dd: {  	[hbm4b:s16+s3] =	stream.linear.scatter [tilespmem:s21], [sflag:$0x3], $0x80, $0x38;
	[tilespmem:$0xA600] =	vst v63  }
0x2de: {  	s17 =	simm.s32 $0x90C0;
	s15 =	sadd.s32 s15, s12  }
0x2df: {  	[hbm4b:s15+s3] =	stream.linear.scatter [tilespmem:s17], [sflag:$0x3], $0x80, $0x38;
	[tilespmem:$0xA600] =	vst v63  }
0x2e0: {  	s20 =	sadd.s32 $0x10, s15;
	s21 =	simm.s32 $0x9148  }
0x2e1: {  	[hbm4b:s20+s3] =	stream.linear.scatter [tilespmem:s21], [sflag:$0x3], $0x80, $0x38;
	[tilespmem:$0xA600] =	vst v63  }
0x2e2: {  	s20 =	sadd.s32 $0x20, s15;
	s21 =	simm.s32 $0x91D0  }
0x2e3: {  	[hbm4b:s20+s3] =	stream.linear.scatter [tilespmem:s21], [sflag:$0x3], $0x80, $0x38;
	[tilespmem:$0xA600] =	vst v63  }
0x2e4: {  	s20 =	sadd.s32 $0x30, s15;
	s21 =	simm.s32 $0x9258  }
0x2e5: {  	[hbm4b:s20+s3] =	stream.linear.scatter [tilespmem:s21], [sflag:$0x3], $0x80, $0x38;
	[tilespmem:$0xA600] =	vst v63  }
0x2e6: {  	s20 =	sadd.s32 $0x40, s15;
	s21 =	simm.s32 $0x92E0  }
0x2e7: {  	[hbm4b:s20+s3] =	stream.linear.scatter [tilespmem:s21], [sflag:$0x3], $0x80, $0x38;
	[tilespmem:$0xA600] =	vst v63  }
0x2e8: {  	s20 =	sadd.s32 $0x50, s15;
	s21 =	simm.s32 $0x9368  }
0x2e9: {  	[hbm4b:s20+s3] =	stream.linear.scatter [tilespmem:s21], [sflag:$0x3], $0x80, $0x38;
	[tilespmem:$0xA600] =	vst v63  }
0x2ea: {  	s20 =	sadd.s32 $0x60, s15;
	s21 =	simm.s32 $0x93F0  }
0x2eb: {  	[hbm4b:s20+s3] =	stream.linear.scatter [tilespmem:s21], [sflag:$0x3], $0x80, $0x38;
	[tilespmem:$0xA600] =	vst v63  }
0x2ec: {  	s17 =	simm.s32 $0x9478;
	s15 =	sadd.s32 $0x70, s15;
	s20 =	sshll.u32 s13, $0x8  }
0x2ed: {  	[hbm4b:s15+s3] =	stream.linear.scatter [tilespmem:s17], [sflag:$0x3], $0x80, $0x38;
	[tilespmem:$0xA600] =	vst v63  }
0x2ee: {  	s15 =	sand.u32 $0x3FFFFF00, s20  }
0x2ef: {  	s21 =	simm.s32 $0x6400;
	s15 =	sadd.s32 $0x100, s15  }
0x2f0: {  	[tilespmem:s21], [sflag:$0x1] =	stream.indirect.gather [hbm4b:s4+s28], $0x20, s15, s28, $0xb8;
	[tilespmem:$0xA600] =	vst v63  }
0x2f1: {  	_ =	swait.ge [sflag:s18], $0x1000  }
0x2f2: {  	[sflag:s18] =	ssyncset.done $0x0  }
0x2f3: {  	[sflag:s18] =	ssyncadd.s32 $0xFFFFF000  }
0x2f4: {  	_ =	swait.ge [sflag:s11], $0x400  }
0x2f5: {  	[sflag:s11] =	ssyncset.done $0x0  }
0x2f6: {  	[sflag:s11] =	ssyncadd.s32 $0xFFFFFC00  }
0x2f7: {  	_ =	swait.ge [sflag:s11], $0x400  }
0x2f8: {  	[sflag:s11] =	ssyncset.done $0x0  }
0x2f9: {  	[sflag:s11] =	ssyncadd.s32 $0xFFFFFC00  }
0x2fa: {  	s17 =	simm.s32 $0x0;
	_ =	swait.ge [sflag:s11], $0x400  }
0x2fb: {  	v17 =	vmov s17;
	[sflag:s11] =	ssyncset.done $0x0  }
0x2fc: {  	v17 =	vshrl.u32 v17, $0x3;
	[sflag:s11] =	ssyncadd.s32 $0xFFFFFC00  }
0x2fd: {  	v17 =	vshll.u32 v17, v1;
	_ =	swait.ge [sflag:s11], $0x400  }
0x2fe: {  	v17 =	vbroadcast v17, $0x0;
	[sflag:s11] =	ssyncset.done $0x0  }
0x2ff: {  	s15 =	simm.s32 $0x7480;
	[sflag:s11] =	ssyncadd.s32 $0xFFFFFC00  }
0x300: {  	v19 =	vadd.s32 v0, v17;
	v18 =	vld [tilespmem:s15+$0xFFFFFF80]  }
0x301: {  	s20 =	simm.s32 $0x1;
	v17 =	vadd.s32 v2, v17;
	v20 =	vld [tilespmem:s15+$0xFFFFFF90]  }
0x302: {  	v57 =	vmov s20  }
0x303: {  	v21 =	vshrl.u32 v57, $0x3  }
0x304: {  	v21 =	vshll.u32 v21, v1  }
0x305: {  	[tilespmem:v19+s19+$0x0] =	vst.idx.msk $0xffff, v18;
	v18 =	vbroadcast v21, $0x0  }
0x306: {  	[tilespmem:v17+s19+$0x0] =	vst.idx.msk $0xffff, v20  }
0x307: {  	v17 =	vld [tilespmem:s15+$0xFFFFFFA0];
	v19 =	vadd.s32 v3, v18  }
0x308: {  	s21 =	simm.s32 $0x2;
	v20 =	vld [tilespmem:s15+$0xFFFFFFB0];
	v18 =	vadd.s32 v4, v18  }
0x309: {  	v58 =	vmov s21  }
0x30a: {  	v21 =	vshrl.u32 v58, $0x3  }
0x30b: {  	v21 =	vshll.u32 v21, v1  }
0x30c: {  	[tilespmem:v19+s19+$0x0] =	vst.idx.msk $0xffff, v17;
	v17 =	vbroadcast v21, $0x0  }
0x30d: {  	[tilespmem:v18+s19+$0x0] =	vst.idx.msk $0xffff, v20  }
0x30e: {  	v18 =	vld [tilespmem:s15+$0xFFFFFFC0];
	v19 =	vadd.s32 v5, v17  }
0x30f: {  	s17 =	simm.s32 $0x3;
	v20 =	vld [tilespmem:s15+$0xFFFFFFD0];
	v17 =	vadd.s32 v6, v17  }
0x310: {  	v59 =	vmov s17  }
0x311: {  	v21 =	vshrl.u32 v59, $0x3  }
0x312: {  	v21 =	vshll.u32 v21, v1  }
0x313: {  	[tilespmem:v19+s19+$0x0] =	vst.idx.msk $0xffff, v18;
	v18 =	vbroadcast v21, $0x0  }
0x314: {  	[tilespmem:v17+s19+$0x0] =	vst.idx.msk $0xffff, v20  }
0x315: {  	v17 =	vld [tilespmem:s15+$0xFFFFFFE0];
	v19 =	vadd.s32 v7, v18  }
0x316: {  	s20 =	simm.s32 $0x4;
	v20 =	vld [tilespmem:s15+$0xFFFFFFF0];
	v18 =	vadd.s32 v8, v18  }
0x317: {  	v60 =	vmov s20  }
0x318: {  	v21 =	vshrl.u32 v60, $0x3  }
0x319: {  	v21 =	vshll.u32 v21, v1  }
0x31a: {  	[tilespmem:v19+s19+$0x0] =	vst.idx.msk $0xffff, v17;
	v17 =	vbroadcast v21, $0x0  }
0x31b: {  	[tilespmem:v18+s19+$0x0] =	vst.idx.msk $0xffff, v20  }
0x31c: {  	v18 =	vld [tilespmem:s15+$0x0];
	v19 =	vadd.s32 v9, v17  }
0x31d: {  	s21 =	simm.s32 $0x5;
	v20 =	vld [tilespmem:s15+$0x10];
	v17 =	vadd.s32 v10, v17  }
0x31e: {  	v61 =	vmov s21  }
0x31f: {  	v21 =	vshrl.u32 v61, $0x3  }
0x320: {  	v21 =	vshll.u32 v21, v1  }
0x321: {  	[tilespmem:v19+s19+$0x0] =	vst.idx.msk $0xffff, v18;
	v18 =	vbroadcast v21, $0x0  }
0x322: {  	[tilespmem:v17+s19+$0x0] =	vst.idx.msk $0xffff, v20  }
0x323: {  	v17 =	vld [tilespmem:s15+$0x20];
	v19 =	vadd.s32 v11, v18  }
0x324: {  	s17 =	simm.s32 $0x6;
	v20 =	vld [tilespmem:s15+$0x30];
	v18 =	vadd.s32 v12, v18  }
0x325: {  	v62 =	vmov s17  }
0x326: {  	v21 =	vshrl.u32 v62, $0x3  }
0x327: {  	v21 =	vshll.u32 v21, v1  }
0x328: {  	[tilespmem:v19+s19+$0x0] =	vst.idx.msk $0xffff, v17;
	v17 =	vbroadcast v21, $0x0  }
0x329: {  	[tilespmem:v18+s19+$0x0] =	vst.idx.msk $0xffff, v20  }
0x32a: {  	v18 =	vld [tilespmem:s15+$0x40];
	v19 =	vadd.s32 v13, v17  }
0x32b: {  	s20 =	simm.s32 $0x7;
	v20 =	vld [tilespmem:s15+$0x50];
	v17 =	vadd.s32 v14, v17  }
0x32c: {  	v63 =	vmov s20  }
0x32d: {  	v21 =	vshrl.u32 v63, $0x3  }
0x32e: {  	v21 =	vshll.u32 v21, v1  }
0x32f: {  	[tilespmem:v19+s19+$0x0] =	vst.idx.msk $0xffff, v18;
	v18 =	vbroadcast v21, $0x0  }
0x330: {  	s21 =	simm.s32 $0x8;
	[tilespmem:v17+s19+$0x0] =	vst.idx.msk $0xffff, v20  }
0x331: {  	v17 =	vmov s21;
	v20 =	vld [tilespmem:s15+$0x60];
	v21 =	vadd.s32 v15, v18  }
0x332: {  	v19 =	vshrl.u32 v17, $0x3  }
0x333: {  	v17 =	vld [tilespmem:s15+$0x70];
	v22 =	vshll.u32 v19, v1;
	v19 =	vadd.s32 v16, v18;
	_ =	sdelay $0x2  }
0x334: {  	s16 =	simm.s32 $0xF;
	s17 =	simm.s32 $0x17;
	v18 =	vbroadcast v22, $0x0;
	[tilespmem:v21+s19+$0x0] =	vst.idx.msk $0xffff, v20  }
.LBB2_9:
0x335: {  	p0 =	sne.s32 s17, $0x7F  }
0x336: {  	[tilespmem:v19+s19+$0x0] =	vst.idx.msk $0xffff, v17;
	s15 =	sadd.s32 $0x100, s15;
	s20 =	smov.u32 s17;
	s17 =	sadd.s32 $0x8, s17  }
0x337: {  	v17 =	vld [tilespmem:s15+$0xFFFFFF80];
	v19 =	vadd.s32 v0, v18  }
0x338: {  	s21 =	sadd.s32 $0xFFFFFFFA, s16;
	v18 =	vadd.s32 v2, v18;
	v20 =	vld [tilespmem:s15+$0xFFFFFF90]  }
0x339: {  	v21 =	vmov s21  }
0x33a: {  	v21 =	vshrl.u32 v21, $0x3  }
0x33b: {  	v21 =	vshll.u32 v21, v1  }
0x33c: {  	[tilespmem:v19+s19+$0x0] =	vst.idx.msk $0xffff, v17;
	v17 =	vbroadcast v21, $0x0  }
0x33d: {  	[tilespmem:v18+s19+$0x0] =	vst.idx.msk $0xffff, v20  }
0x33e: {  	v18 =	vld [tilespmem:s15+$0xFFFFFFA0];
	v19 =	vadd.s32 v3, v17  }
0x33f: {  	s21 =	sadd.s32 $0xFFFFFFFB, s16;
	v17 =	vadd.s32 v4, v17;
	v20 =	vld [tilespmem:s15+$0xFFFFFFB0]  }
0x340: {  	v21 =	vmov s21  }
0x341: {  	v21 =	vshrl.u32 v21, $0x3  }
0x342: {  	v21 =	vshll.u32 v21, v1  }
0x343: {  	[tilespmem:v19+s19+$0x0] =	vst.idx.msk $0xffff, v18;
	v18 =	vbroadcast v21, $0x0  }
0x344: {  	[tilespmem:v17+s19+$0x0] =	vst.idx.msk $0xffff, v20  }
0x345: {  	v17 =	vld [tilespmem:s15+$0xFFFFFFC0];
	v19 =	vadd.s32 v5, v18  }
0x346: {  	s21 =	sadd.s32 $0xFFFFFFFC, s16;
	v18 =	vadd.s32 v6, v18;
	v20 =	vld [tilespmem:s15+$0xFFFFFFD0]  }
0x347: {  	v21 =	vmov s21  }
0x348: {  	v21 =	vshrl.u32 v21, $0x3  }
0x349: {  	v21 =	vshll.u32 v21, v1  }
0x34a: {  	[tilespmem:v19+s19+$0x0] =	vst.idx.msk $0xffff, v17;
	v17 =	vbroadcast v21, $0x0  }
0x34b: {  	[tilespmem:v18+s19+$0x0] =	vst.idx.msk $0xffff, v20  }
0x34c: {  	v18 =	vld [tilespmem:s15+$0xFFFFFFE0];
	v19 =	vadd.s32 v7, v17  }
0x34d: {  	s21 =	sadd.s32 $0xFFFFFFFD, s16;
	v17 =	vadd.s32 v8, v17;
	v20 =	vld [tilespmem:s15+$0xFFFFFFF0]  }
0x34e: {  	v21 =	vmov s21  }
0x34f: {  	v21 =	vshrl.u32 v21, $0x3  }
0x350: {  	v21 =	vshll.u32 v21, v1  }
0x351: {  	[tilespmem:v19+s19+$0x0] =	vst.idx.msk $0xffff, v18;
	v18 =	vbroadcast v21, $0x0  }
0x352: {  	[tilespmem:v17+s19+$0x0] =	vst.idx.msk $0xffff, v20  }
0x353: {  	v17 =	vld [tilespmem:s15+$0x0];
	v19 =	vadd.s32 v9, v18  }
0x354: {  	s21 =	sadd.s32 $0xFFFFFFFE, s16;
	v18 =	vadd.s32 v10, v18;
	v20 =	vld [tilespmem:s15+$0x10]  }
0x355: {  	v21 =	vmov s21  }
0x356: {  	v21 =	vshrl.u32 v21, $0x3  }
0x357: {  	v21 =	vshll.u32 v21, v1  }
0x358: {  	[tilespmem:v19+s19+$0x0] =	vst.idx.msk $0xffff, v17;
	v17 =	vbroadcast v21, $0x0  }
0x359: {  	[tilespmem:v18+s19+$0x0] =	vst.idx.msk $0xffff, v20  }
0x35a: {  	v18 =	vld [tilespmem:s15+$0x20];
	v19 =	vadd.s32 v11, v17  }
0x35b: {  	s21 =	sadd.s32 $0xFFFFFFFF, s16;
	v17 =	vadd.s32 v12, v17;
	v20 =	vld [tilespmem:s15+$0x30]  }
0x35c: {  	v21 =	vmov s21  }
0x35d: {  	v21 =	vshrl.u32 v21, $0x3  }
0x35e: {  	v21 =	vshll.u32 v21, v1  }
0x35f: {  	[tilespmem:v19+s19+$0x0] =	vst.idx.msk $0xffff, v18;
	v18 =	vbroadcast v21, $0x0  }
0x360: {  	[tilespmem:v17+s19+$0x0] =	vst.idx.msk $0xffff, v20  }
0x361: {  	v17 =	vld [tilespmem:s15+$0x40];
	v19 =	vadd.s32 v13, v18  }
0x362: {  	v18 =	vadd.s32 v14, v18;
	v20 =	vld [tilespmem:s15+$0x50]  }
0x363: {  	v21 =	vmov s16;
	s16 =	smov.u32 s20  }
0x364: {  	v21 =	vshrl.u32 v21, $0x3  }
0x365: {  	v21 =	vshll.u32 v21, v1  }
0x366: {  	[tilespmem:v19+s19+$0x0] =	vst.idx.msk $0xffff, v17;
	v19 =	vbroadcast v21, $0x0  }
0x367: {  	[tilespmem:v18+s19+$0x0] =	vst.idx.msk $0xffff, v20  }
0x368: {  	v20 =	vld [tilespmem:s15+$0x60];
	v21 =	vadd.s32 v15, v19  }
.Ltmp3:
0x369: {  	s20 =	sadd.s32 $0xFFFFFFF9, s16;
	v19 =	vadd.s32 v16, v19;
	v17 =	vld [tilespmem:s15+$0x70];
	(pc) =	sbr.rel @p0 .LBB2_9-.Ltmp3, $4  }
0x36a: {  	v18 =	vmov s20  }
0x36b: {  	v18 =	vshrl.u32 v18, $0x3  }
0x36c: {  	v18 =	vshll.u32 v18, v1  }
0x36d: {  	v18 =	vbroadcast v18, $0x0;
	[tilespmem:v21+s19+$0x0] =	vst.idx.msk $0xffff, v20  }
0x36e: {  	_ =	sdelay $0x3  }
0x36f: {  	[tilespmem:v19+s19+$0x0] =	vst.idx.msk $0xffff, v17;
	s15 =	sadd.s32 $0x100, s15  }
0x370: {  	v17 =	vld [tilespmem:s15+$0xFFFFFF80];
	v19 =	vadd.s32 v0, v18  }
0x371: {  	s17 =	sadd.s32 $0xFFFFFFFA, s16;
	v20 =	vld [tilespmem:s15+$0xFFFFFF90];
	v18 =	vadd.s32 v2, v18  }
0x372: {  	v21 =	vmov s17  }
0x373: {  	v21 =	vshrl.u32 v21, $0x3  }
0x374: {  	v21 =	vshll.u32 v21, v1  }
0x375: {  	[tilespmem:v19+s19+$0x0] =	vst.idx.msk $0xffff, v17;
	v17 =	vbroadcast v21, $0x0  }
0x376: {  	[tilespmem:v18+s19+$0x0] =	vst.idx.msk $0xffff, v20  }
0x377: {  	v18 =	vld [tilespmem:s15+$0xFFFFFFA0];
	v19 =	vadd.s32 v3, v17  }
0x378: {  	s21 =	sadd.s32 $0xFFFFFFFB, s16;
	v20 =	vld [tilespmem:s15+$0xFFFFFFB0];
	v17 =	vadd.s32 v4, v17  }
0x379: {  	v58 =	vmov s21  }
0x37a: {  	v21 =	vshrl.u32 v58, $0x3  }
0x37b: {  	v21 =	vshll.u32 v21, v1  }
0x37c: {  	[tilespmem:v19+s19+$0x0] =	vst.idx.msk $0xffff, v18;
	v18 =	vbroadcast v21, $0x0  }
0x37d: {  	[tilespmem:v17+s19+$0x0] =	vst.idx.msk $0xffff, v20  }
0x37e: {  	v17 =	vld [tilespmem:s15+$0xFFFFFFC0];
	v19 =	vadd.s32 v5, v18  }
0x37f: {  	s20 =	sadd.s32 $0xFFFFFFFC, s16;
	v20 =	vld [tilespmem:s15+$0xFFFFFFD0];
	v18 =	vadd.s32 v6, v18  }
0x380: {  	v59 =	vmov s20  }
0x381: {  	v21 =	vshrl.u32 v59, $0x3  }
0x382: {  	v21 =	vshll.u32 v21, v1  }
0x383: {  	[tilespmem:v19+s19+$0x0] =	vst.idx.msk $0xffff, v17;
	v17 =	vbroadcast v21, $0x0  }
0x384: {  	[tilespmem:v18+s19+$0x0] =	vst.idx.msk $0xffff, v20  }
0x385: {  	v18 =	vld [tilespmem:s15+$0xFFFFFFE0];
	v19 =	vadd.s32 v7, v17  }
0x386: {  	s21 =	sadd.s32 $0xFFFFFFFD, s16;
	v20 =	vld [tilespmem:s15+$0xFFFFFFF0];
	v17 =	vadd.s32 v8, v17  }
0x387: {  	v60 =	vmov s21  }
0x388: {  	v21 =	vshrl.u32 v60, $0x3  }
0x389: {  	v21 =	vshll.u32 v21, v1  }
0x38a: {  	[tilespmem:v19+s19+$0x0] =	vst.idx.msk $0xffff, v18;
	v18 =	vbroadcast v21, $0x0  }
0x38b: {  	[tilespmem:v17+s19+$0x0] =	vst.idx.msk $0xffff, v20  }
0x38c: {  	v17 =	vld [tilespmem:s15+$0x0];
	v19 =	vadd.s32 v9, v18  }
0x38d: {  	s20 =	sadd.s32 $0xFFFFFFFE, s16;
	v20 =	vld [tilespmem:s15+$0x10];
	v18 =	vadd.s32 v10, v18  }
0x38e: {  	v61 =	vmov s20  }
0x38f: {  	v21 =	vshrl.u32 v61, $0x3  }
0x390: {  	v21 =	vshll.u32 v21, v1  }
0x391: {  	[tilespmem:v19+s19+$0x0] =	vst.idx.msk $0xffff, v17;
	v17 =	vbroadcast v21, $0x0  }
0x392: {  	[tilespmem:v18+s19+$0x0] =	vst.idx.msk $0xffff, v20  }
0x393: {  	v18 =	vld [tilespmem:s15+$0x20];
	v19 =	vadd.s32 v11, v17  }
0x394: {  	s21 =	sadd.s32 $0xFFFFFFFF, s16;
	v20 =	vld [tilespmem:s15+$0x30];
	v17 =	vadd.s32 v12, v17  }
0x395: {  	v62 =	vmov s21  }
0x396: {  	v21 =	vshrl.u32 v62, $0x3  }
0x397: {  	v21 =	vshll.u32 v21, v1  }
0x398: {  	[tilespmem:v19+s19+$0x0] =	vst.idx.msk $0xffff, v18;
	v18 =	vbroadcast v21, $0x0  }
0x399: {  	[tilespmem:v17+s19+$0x0] =	vst.idx.msk $0xffff, v20  }
0x39a: {  	v17 =	vld [tilespmem:s15+$0x40];
	v19 =	vadd.s32 v13, v18  }
0x39b: {  	v20 =	vld [tilespmem:s15+$0x50];
	v18 =	vadd.s32 v14, v18  }
0x39c: {  	v63 =	vmov s16  }
0x39d: {  	v21 =	vshrl.u32 v63, $0x3  }
0x39e: {  	v21 =	vshll.u32 v21, v1  }
0x39f: {  	[tilespmem:v19+s19+$0x0] =	vst.idx.msk $0xffff, v17;
	v17 =	vbroadcast v21, $0x0  }
0x3a0: {  	[tilespmem:v18+s19+$0x0] =	vst.idx.msk $0xffff, v20  }
0x3a1: {  	v18 =	vld [tilespmem:s15+$0x60];
	v19 =	vadd.s32 v15, v17  }
0x3a2: {  	v20 =	vld [tilespmem:s15+$0x70];
	v17 =	vadd.s32 v16, v17;
	_ =	sdelay $0x1  }
0x3a3: {  	s14 =	sshll.u32 s14, $0x11  }
0x3a4: {  	s14 =	sor.u32 s6, s14  }
0x3a5: {  	s14 =	sshrl.u32 s14, $0x3;
	[tilespmem:v19+s19+$0x0] =	vst.idx.msk $0xffff, v18  }
0x3a6: {  	s15 =	sadd.s32 s2, s14;
	[tilespmem:v17+s19+$0x0] =	vst.idx.msk $0xffff, v20  }
0x3a7: {  	[hbm4b:s15+s3] =	stream.linear.scatter [tilespmem:s19], [sflag:$0x4], $0x80, $0x38;
	[tilespmem:$0xA600] =	vst v63  }
0x3a8: {  	s21 =	simm.s32 $0x9588;
	s20 =	sadd.s32 $0x10, s15  }
0x3a9: {  	[hbm4b:s20+s3] =	stream.linear.scatter [tilespmem:s21], [sflag:$0x4], $0x80, $0x38;
	[tilespmem:$0xA600] =	vst v63  }
0x3aa: {  	s20 =	sadd.s32 $0x20, s15;
	s21 =	simm.s32 $0x9610  }
0x3ab: {  	[hbm4b:s20+s3] =	stream.linear.scatter [tilespmem:s21], [sflag:$0x4], $0x80, $0x38;
	[tilespmem:$0xA600] =	vst v63  }
0x3ac: {  	s20 =	sadd.s32 $0x30, s15;
	s21 =	simm.s32 $0x9698  }
0x3ad: {  	[hbm4b:s20+s3] =	stream.linear.scatter [tilespmem:s21], [sflag:$0x4], $0x80, $0x38;
	[tilespmem:$0xA600] =	vst v63  }
0x3ae: {  	s20 =	sadd.s32 $0x40, s15;
	s21 =	simm.s32 $0x9720  }
0x3af: {  	[hbm4b:s20+s3] =	stream.linear.scatter [tilespmem:s21], [sflag:$0x4], $0x80, $0x38;
	[tilespmem:$0xA600] =	vst v63  }
0x3b0: {  	s20 =	sadd.s32 $0x50, s15;
	s21 =	simm.s32 $0x97A8  }
0x3b1: {  	[hbm4b:s20+s3] =	stream.linear.scatter [tilespmem:s21], [sflag:$0x4], $0x80, $0x38;
	[tilespmem:$0xA600] =	vst v63  }
0x3b2: {  	s17 =	sadd.s32 $0x60, s15;
	s20 =	simm.s32 $0x9830  }
0x3b3: {  	[hbm4b:s17+s3] =	stream.linear.scatter [tilespmem:s20], [sflag:$0x4], $0x80, $0x38;
	[tilespmem:$0xA600] =	vst v63  }
0x3b4: {  	s15 =	sadd.s32 $0x70, s15;
	s21 =	simm.s32 $0x98B8  }
0x3b5: {  	[hbm4b:s15+s3] =	stream.linear.scatter [tilespmem:s21], [sflag:$0x4], $0x80, $0x38;
	[tilespmem:$0xA600] =	vst v63  }
0x3b6: {  	s17 =	simm.s32 $0x9940;
	s15 =	sadd.s32 s14, s8  }
0x3b7: {  	[hbm4b:s15+s3] =	stream.linear.scatter [tilespmem:s17], [sflag:$0x4], $0x80, $0x38;
	[tilespmem:$0xA600] =	vst v63  }
0x3b8: {  	s21 =	simm.s32 $0x99C8;
	s20 =	sadd.s32 $0x10, s15  }
0x3b9: {  	[hbm4b:s20+s3] =	stream.linear.scatter [tilespmem:s21], [sflag:$0x4], $0x80, $0x38;
	[tilespmem:$0xA600] =	vst v63  }
0x3ba: {  	s20 =	sadd.s32 $0x20, s15;
	s21 =	simm.s32 $0x9A50  }
0x3bb: {  	[hbm4b:s20+s3] =	stream.linear.scatter [tilespmem:s21], [sflag:$0x4], $0x80, $0x38;
	[tilespmem:$0xA600] =	vst v63  }
0x3bc: {  	s20 =	sadd.s32 $0x30, s15;
	s21 =	simm.s32 $0x9AD8  }
0x3bd: {  	[hbm4b:s20+s3] =	stream.linear.scatter [tilespmem:s21], [sflag:$0x4], $0x80, $0x38;
	[tilespmem:$0xA600] =	vst v63  }
0x3be: {  	s20 =	sadd.s32 $0x40, s15;
	s21 =	simm.s32 $0x9B60  }
0x3bf: {  	[hbm4b:s20+s3] =	stream.linear.scatter [tilespmem:s21], [sflag:$0x4], $0x80, $0x38;
	[tilespmem:$0xA600] =	vst v63  }
0x3c0: {  	s20 =	sadd.s32 $0x50, s15;
	s21 =	simm.s32 $0x9BE8  }
0x3c1: {  	[hbm4b:s20+s3] =	stream.linear.scatter [tilespmem:s21], [sflag:$0x4], $0x80, $0x38;
	[tilespmem:$0xA600] =	vst v63  }
0x3c2: {  	s17 =	sadd.s32 $0x60, s15;
	s20 =	simm.s32 $0x9C70  }
0x3c3: {  	[hbm4b:s17+s3] =	stream.linear.scatter [tilespmem:s20], [sflag:$0x4], $0x80, $0x38;
	[tilespmem:$0xA600] =	vst v63  }
0x3c4: {  	s15 =	sadd.s32 $0x70, s15;
	s21 =	simm.s32 $0x9CF8  }
0x3c5: {  	[hbm4b:s15+s3] =	stream.linear.scatter [tilespmem:s21], [sflag:$0x4], $0x80, $0x38;
	[tilespmem:$0xA600] =	vst v63  }
0x3c6: {  	s17 =	simm.s32 $0x9D80;
	s15 =	sadd.s32 s14, s9  }
0x3c7: {  	[hbm4b:s15+s3] =	stream.linear.scatter [tilespmem:s17], [sflag:$0x4], $0x80, $0x38;
	[tilespmem:$0xA600] =	vst v63  }
0x3c8: {  	s21 =	simm.s32 $0x9E08;
	s20 =	sadd.s32 $0x10, s15  }
0x3c9: {  	[hbm4b:s20+s3] =	stream.linear.scatter [tilespmem:s21], [sflag:$0x4], $0x80, $0x38;
	[tilespmem:$0xA600] =	vst v63  }
0x3ca: {  	s20 =	sadd.s32 $0x20, s15;
	s21 =	simm.s32 $0x9E90  }
0x3cb: {  	[hbm4b:s20+s3] =	stream.linear.scatter [tilespmem:s21], [sflag:$0x4], $0x80, $0x38;
	[tilespmem:$0xA600] =	vst v63  }
0x3cc: {  	s20 =	sadd.s32 $0x30, s15;
	s21 =	simm.s32 $0x9F18  }
0x3cd: {  	[hbm4b:s20+s3] =	stream.linear.scatter [tilespmem:s21], [sflag:$0x4], $0x80, $0x38;
	[tilespmem:$0xA600] =	vst v63  }
0x3ce: {  	s20 =	sadd.s32 $0x40, s15;
	s21 =	simm.s32 $0x9FA0  }
0x3cf: {  	[hbm4b:s20+s3] =	stream.linear.scatter [tilespmem:s21], [sflag:$0x4], $0x80, $0x38;
	[tilespmem:$0xA600] =	vst v63  }
0x3d0: {  	s20 =	sadd.s32 $0x50, s15;
	s21 =	simm.s32 $0xA028  }
0x3d1: {  	[hbm4b:s20+s3] =	stream.linear.scatter [tilespmem:s21], [sflag:$0x4], $0x80, $0x38;
	[tilespmem:$0xA600] =	vst v63  }
0x3d2: {  	s17 =	sadd.s32 $0x60, s15  }
0x3d3: {  	[hbm4b:s17+s3] =	stream.linear.scatter [tilespmem:s22], [sflag:$0x4], $0x80, $0x38;
	[tilespmem:$0xA600] =	vst v63  }
0x3d4: {  	s15 =	sadd.s32 $0x70, s15  }
0x3d5: {  	[hbm4b:s15+s3] =	stream.linear.scatter [tilespmem:s23], [sflag:$0x4], $0x80, $0x38;
	[tilespmem:$0xA600] =	vst v63  }
0x3d6: {  	s14 =	sadd.s32 s14, s12  }
0x3d7: {  	[hbm4b:s14+s3] =	stream.linear.scatter [tilespmem:s24], [sflag:$0x4], $0x80, $0x38;
	[tilespmem:$0xA600] =	vst v63  }
0x3d8: {  	s20 =	sadd.s32 $0x10, s14  }
0x3d9: {  	[hbm4b:s20+s3] =	stream.linear.scatter [tilespmem:s26], [sflag:$0x4], $0x80, $0x38;
	[tilespmem:$0xA600] =	vst v63  }
0x3da: {  	s21 =	sadd.s32 $0x20, s14  }
0x3db: {  	[hbm4b:s21+s3] =	stream.linear.scatter [tilespmem:s7], [sflag:$0x4], $0x80, $0x38;
	[tilespmem:$0xA600] =	vst v63  }
0x3dc: {  	s16 =	sadd.s32 $0x30, s14  }
0x3dd: {  	[hbm4b:s16+s3] =	stream.linear.scatter [tilespmem:s31], [sflag:$0x4], $0x80, $0x38;
	[tilespmem:$0xA600] =	vst v63  }
0x3de: {  	s13 =	sadd.s32 $0x1, s13;
	s17 =	sadd.s32 $0x40, s14  }
0x3df: {  	[hbm4b:s17+s3] =	stream.linear.scatter [tilespmem:s0], [sflag:$0x4], $0x80, $0x38;
	[tilespmem:$0xA600] =	vst v63  }
0x3e0: {  	p0 =	sne.s32 s13, $0x63;
	s20 =	sadd.s32 $0x50, s14  }
0x3e1: {  	[hbm4b:s20+s3] =	stream.linear.scatter [tilespmem:s5], [sflag:$0x4], $0x80, $0x38;
	[tilespmem:$0xA600] =	vst v63  }
.Ltmp4:
0x3e2: {  	_ = 	snop;
	(pc) =	sbr.rel @p0 .LBB2_6-.Ltmp4, $4  }
0x3e3: {  	s21 =	sadd.s32 $0x60, s14  }
0x3e4: {  	[hbm4b:s21+s3] =	stream.linear.scatter [tilespmem:s25], [sflag:$0x4], $0x80, $0x38;
	[tilespmem:$0xA600] =	vst v63  }
0x3e5: {  	s14 =	sadd.s32 $0x70, s14  }
0x3e6: {  	[hbm4b:s14+s3] =	stream.linear.scatter [tilespmem:s30], [sflag:$0x4], $0x80, $0x38;
	[tilespmem:$0xA600] =	vst v63  }
0x3e7: {  	s13 =	simm.s32 $0x7400;
	s14 =	simm.s32 $0x6380  }
0x3e8: {  	[tilespmem:s13], [sflag:$0x2] =	stream.indirect.gather [hbm4b:s4+s28], $0x20, s14, s28, $0xb8;
	[tilespmem:$0xA600] =	vst v63  }
0x3e9: {  	_ =	swait.ge [sflag:s1], $0x1000  }
0x3ea: {  	[sflag:s1] =	ssyncset.done $0x0  }
0x3eb: {  	[sflag:s1] =	ssyncadd.s32 $0xFFFFF000  }
0x3ec: {  	_ =	swait.ge [sflag:s10], $0x400  }
0x3ed: {  	[sflag:s10] =	ssyncset.done $0x0  }
0x3ee: {  	[sflag:s10] =	ssyncadd.s32 $0xFFFFFC00  }
0x3ef: {  	_ =	swait.ge [sflag:s10], $0x400  }
0x3f0: {  	[sflag:s10] =	ssyncset.done $0x0  }
0x3f1: {  	[sflag:s10] =	ssyncadd.s32 $0xFFFFFC00  }
0x3f2: {  	s16 =	simm.s32 $0x0;
	_ =	swait.ge [sflag:s10], $0x400  }
0x3f3: {  	v17 =	vmov s16;
	[sflag:s10] =	ssyncset.done $0x0  }
0x3f4: {  	v17 =	vshrl.u32 v17, $0x3;
	[sflag:s10] =	ssyncadd.s32 $0xFFFFFC00  }
0x3f5: {  	v17 =	vshll.u32 v17, v1;
	_ =	swait.ge [sflag:s10], $0x400  }
0x3f6: {  	v17 =	vbroadcast v17, $0x0;
	[sflag:s10] =	ssyncset.done $0x0  }
0x3f7: {  	s13 =	simm.s32 $0x6480;
	[sflag:s10] =	ssyncadd.s32 $0xFFFFFC00  }
0x3f8: {  	v19 =	vadd.s32 v0, v17;
	v18 =	vld [tilespmem:s13+$0xFFFFFF80]  }
0x3f9: {  	s17 =	simm.s32 $0x1;
	v17 =	vadd.s32 v2, v17;
	v20 =	vld [tilespmem:s13+$0xFFFFFF90]  }
0x3fa: {  	v21 =	vmov s17  }
0x3fb: {  	v21 =	vshrl.u32 v21, $0x3  }
0x3fc: {  	v21 =	vshll.u32 v21, v1  }
0x3fd: {  	[tilespmem:v19+s29+$0x0] =	vst.idx.msk $0xffff, v18;
	v18 =	vbroadcast v21, $0x0  }
0x3fe: {  	[tilespmem:v17+s29+$0x0] =	vst.idx.msk $0xffff, v20  }
0x3ff: {  	v17 =	vld [tilespmem:s13+$0xFFFFFFA0];
	v19 =	vadd.s32 v3, v18  }
0x400: {  	s20 =	simm.s32 $0x2;
	v20 =	vld [tilespmem:s13+$0xFFFFFFB0];
	v18 =	vadd.s32 v4, v18  }
0x401: {  	v58 =	vmov s20  }
0x402: {  	v21 =	vshrl.u32 v58, $0x3  }
0x403: {  	v21 =	vshll.u32 v21, v1  }
0x404: {  	[tilespmem:v19+s29+$0x0] =	vst.idx.msk $0xffff, v17;
	v17 =	vbroadcast v21, $0x0  }
0x405: {  	[tilespmem:v18+s29+$0x0] =	vst.idx.msk $0xffff, v20  }
0x406: {  	v18 =	vld [tilespmem:s13+$0xFFFFFFC0];
	v19 =	vadd.s32 v5, v17  }
0x407: {  	s21 =	simm.s32 $0x3;
	v20 =	vld [tilespmem:s13+$0xFFFFFFD0];
	v17 =	vadd.s32 v6, v17  }
0x408: {  	v59 =	vmov s21  }
0x409: {  	v21 =	vshrl.u32 v59, $0x3  }
0x40a: {  	v21 =	vshll.u32 v21, v1  }
0x40b: {  	[tilespmem:v19+s29+$0x0] =	vst.idx.msk $0xffff, v18;
	v18 =	vbroadcast v21, $0x0  }
0x40c: {  	[tilespmem:v17+s29+$0x0] =	vst.idx.msk $0xffff, v20  }
0x40d: {  	v17 =	vld [tilespmem:s13+$0xFFFFFFE0];
	v19 =	vadd.s32 v7, v18  }
0x40e: {  	s15 =	simm.s32 $0x4;
	v20 =	vld [tilespmem:s13+$0xFFFFFFF0];
	v18 =	vadd.s32 v8, v18  }
0x40f: {  	v60 =	vmov s15  }
0x410: {  	v21 =	vshrl.u32 v60, $0x3  }
0x411: {  	v21 =	vshll.u32 v21, v1  }
0x412: {  	[tilespmem:v19+s29+$0x0] =	vst.idx.msk $0xffff, v17;
	v17 =	vbroadcast v21, $0x0  }
0x413: {  	[tilespmem:v18+s29+$0x0] =	vst.idx.msk $0xffff, v20  }
0x414: {  	v18 =	vld [tilespmem:s13+$0x0];
	v19 =	vadd.s32 v9, v17  }
0x415: {  	s16 =	simm.s32 $0x5;
	v20 =	vld [tilespmem:s13+$0x10];
	v17 =	vadd.s32 v10, v17  }
0x416: {  	v61 =	vmov s16  }
0x417: {  	v21 =	vshrl.u32 v61, $0x3  }
0x418: {  	v21 =	vshll.u32 v21, v1  }
0x419: {  	[tilespmem:v19+s29+$0x0] =	vst.idx.msk $0xffff, v18;
	v18 =	vbroadcast v21, $0x0  }
0x41a: {  	[tilespmem:v17+s29+$0x0] =	vst.idx.msk $0xffff, v20  }
0x41b: {  	v17 =	vld [tilespmem:s13+$0x20];
	v19 =	vadd.s32 v11, v18  }
0x41c: {  	s17 =	simm.s32 $0x6;
	v20 =	vld [tilespmem:s13+$0x30];
	v18 =	vadd.s32 v12, v18  }
0x41d: {  	v62 =	vmov s17  }
0x41e: {  	v21 =	vshrl.u32 v62, $0x3  }
0x41f: {  	v21 =	vshll.u32 v21, v1  }
0x420: {  	[tilespmem:v19+s29+$0x0] =	vst.idx.msk $0xffff, v17;
	v17 =	vbroadcast v21, $0x0  }
0x421: {  	[tilespmem:v18+s29+$0x0] =	vst.idx.msk $0xffff, v20  }
0x422: {  	v18 =	vld [tilespmem:s13+$0x40];
	v19 =	vadd.s32 v13, v17  }
0x423: {  	s20 =	simm.s32 $0x7;
	v20 =	vld [tilespmem:s13+$0x50];
	v17 =	vadd.s32 v14, v17  }
0x424: {  	v63 =	vmov s20  }
0x425: {  	v21 =	vshrl.u32 v63, $0x3  }
0x426: {  	v21 =	vshll.u32 v21, v1  }
0x427: {  	[tilespmem:v19+s29+$0x0] =	vst.idx.msk $0xffff, v18;
	v18 =	vbroadcast v21, $0x0  }
0x428: {  	s21 =	simm.s32 $0x8;
	[tilespmem:v17+s29+$0x0] =	vst.idx.msk $0xffff, v20  }
0x429: {  	v17 =	vmov s21;
	v20 =	vld [tilespmem:s13+$0x60];
	v21 =	vadd.s32 v15, v18  }
0x42a: {  	v19 =	vshrl.u32 v17, $0x3  }
0x42b: {  	v17 =	vld [tilespmem:s13+$0x70];
	v22 =	vshll.u32 v19, v1;
	v19 =	vadd.s32 v16, v18;
	_ =	sdelay $0x2  }
0x42c: {  	s14 =	simm.s32 $0xF;
	s15 =	simm.s32 $0x17;
	v18 =	vbroadcast v22, $0x0;
	[tilespmem:v21+s29+$0x0] =	vst.idx.msk $0xffff, v20  }
.LBB2_12:
0x42d: {  	p0 =	sne.s32 s15, $0x7F  }
0x42e: {  	[tilespmem:v19+s29+$0x0] =	vst.idx.msk $0xffff, v17;
	s13 =	sadd.s32 $0x100, s13;
	s16 =	smov.u32 s15;
	s15 =	sadd.s32 $0x8, s15  }
0x42f: {  	v17 =	vld [tilespmem:s13+$0xFFFFFF80];
	v19 =	vadd.s32 v0, v18  }
0x430: {  	s17 =	sadd.s32 $0xFFFFFFFA, s14;
	v18 =	vadd.s32 v2, v18;
	v20 =	vld [tilespmem:s13+$0xFFFFFF90]  }
0x431: {  	v21 =	vmov s17  }
0x432: {  	v21 =	vshrl.u32 v21, $0x3  }
0x433: {  	v21 =	vshll.u32 v21, v1  }
0x434: {  	[tilespmem:v19+s29+$0x0] =	vst.idx.msk $0xffff, v17;
	v17 =	vbroadcast v21, $0x0  }
0x435: {  	[tilespmem:v18+s29+$0x0] =	vst.idx.msk $0xffff, v20  }
0x436: {  	v18 =	vld [tilespmem:s13+$0xFFFFFFA0];
	v19 =	vadd.s32 v3, v17  }
0x437: {  	s17 =	sadd.s32 $0xFFFFFFFB, s14;
	v17 =	vadd.s32 v4, v17;
	v20 =	vld [tilespmem:s13+$0xFFFFFFB0]  }
0x438: {  	v21 =	vmov s17  }
0x439: {  	v21 =	vshrl.u32 v21, $0x3  }
0x43a: {  	v21 =	vshll.u32 v21, v1  }
0x43b: {  	[tilespmem:v19+s29+$0x0] =	vst.idx.msk $0xffff, v18;
	v18 =	vbroadcast v21, $0x0  }
0x43c: {  	[tilespmem:v17+s29+$0x0] =	vst.idx.msk $0xffff, v20  }
0x43d: {  	v17 =	vld [tilespmem:s13+$0xFFFFFFC0];
	v19 =	vadd.s32 v5, v18  }
0x43e: {  	s17 =	sadd.s32 $0xFFFFFFFC, s14;
	v18 =	vadd.s32 v6, v18;
	v20 =	vld [tilespmem:s13+$0xFFFFFFD0]  }
0x43f: {  	v21 =	vmov s17  }
0x440: {  	v21 =	vshrl.u32 v21, $0x3  }
0x441: {  	v21 =	vshll.u32 v21, v1  }
0x442: {  	[tilespmem:v19+s29+$0x0] =	vst.idx.msk $0xffff, v17;
	v17 =	vbroadcast v21, $0x0  }
0x443: {  	[tilespmem:v18+s29+$0x0] =	vst.idx.msk $0xffff, v20  }
0x444: {  	v18 =	vld [tilespmem:s13+$0xFFFFFFE0];
	v19 =	vadd.s32 v7, v17  }
0x445: {  	s17 =	sadd.s32 $0xFFFFFFFD, s14;
	v17 =	vadd.s32 v8, v17;
	v20 =	vld [tilespmem:s13+$0xFFFFFFF0]  }
0x446: {  	v21 =	vmov s17  }
0x447: {  	v21 =	vshrl.u32 v21, $0x3  }
0x448: {  	v21 =	vshll.u32 v21, v1  }
0x449: {  	[tilespmem:v19+s29+$0x0] =	vst.idx.msk $0xffff, v18;
	v18 =	vbroadcast v21, $0x0  }
0x44a: {  	[tilespmem:v17+s29+$0x0] =	vst.idx.msk $0xffff, v20  }
0x44b: {  	v17 =	vld [tilespmem:s13+$0x0];
	v19 =	vadd.s32 v9, v18  }
0x44c: {  	s17 =	sadd.s32 $0xFFFFFFFE, s14;
	v18 =	vadd.s32 v10, v18;
	v20 =	vld [tilespmem:s13+$0x10]  }
0x44d: {  	v21 =	vmov s17  }
0x44e: {  	v21 =	vshrl.u32 v21, $0x3  }
0x44f: {  	v21 =	vshll.u32 v21, v1  }
0x450: {  	[tilespmem:v19+s29+$0x0] =	vst.idx.msk $0xffff, v17;
	v17 =	vbroadcast v21, $0x0  }
0x451: {  	[tilespmem:v18+s29+$0x0] =	vst.idx.msk $0xffff, v20  }
0x452: {  	v18 =	vld [tilespmem:s13+$0x20];
	v19 =	vadd.s32 v11, v17  }
0x453: {  	s17 =	sadd.s32 $0xFFFFFFFF, s14;
	v17 =	vadd.s32 v12, v17;
	v20 =	vld [tilespmem:s13+$0x30]  }
0x454: {  	v21 =	vmov s17  }
0x455: {  	v21 =	vshrl.u32 v21, $0x3  }
0x456: {  	v21 =	vshll.u32 v21, v1  }
0x457: {  	[tilespmem:v19+s29+$0x0] =	vst.idx.msk $0xffff, v18;
	v18 =	vbroadcast v21, $0x0  }
0x458: {  	[tilespmem:v17+s29+$0x0] =	vst.idx.msk $0xffff, v20  }
0x459: {  	v17 =	vld [tilespmem:s13+$0x40];
	v19 =	vadd.s32 v13, v18  }
0x45a: {  	v18 =	vadd.s32 v14, v18;
	v20 =	vld [tilespmem:s13+$0x50]  }
0x45b: {  	v21 =	vmov s14;
	s14 =	smov.u32 s16  }
0x45c: {  	v21 =	vshrl.u32 v21, $0x3  }
0x45d: {  	v21 =	vshll.u32 v21, v1  }
0x45e: {  	[tilespmem:v19+s29+$0x0] =	vst.idx.msk $0xffff, v17;
	v19 =	vbroadcast v21, $0x0  }
0x45f: {  	[tilespmem:v18+s29+$0x0] =	vst.idx.msk $0xffff, v20  }
0x460: {  	v20 =	vld [tilespmem:s13+$0x60];
	v21 =	vadd.s32 v15, v19  }
.Ltmp5:
0x461: {  	s16 =	sadd.s32 $0xFFFFFFF9, s14;
	v19 =	vadd.s32 v16, v19;
	v17 =	vld [tilespmem:s13+$0x70];
	(pc) =	sbr.rel @p0 .LBB2_12-.Ltmp5, $4  }
0x462: {  	v18 =	vmov s16  }
0x463: {  	v18 =	vshrl.u32 v18, $0x3  }
0x464: {  	v18 =	vshll.u32 v18, v1  }
0x465: {  	v18 =	vbroadcast v18, $0x0;
	[tilespmem:v21+s29+$0x0] =	vst.idx.msk $0xffff, v20  }
0x466: {  	_ =	sdelay $0x3  }
0x467: {  	[tilespmem:v19+s29+$0x0] =	vst.idx.msk $0xffff, v17;
	s13 =	sadd.s32 $0x100, s13  }
0x468: {  	v17 =	vld [tilespmem:s13+$0xFFFFFF80];
	v19 =	vadd.s32 v0, v18  }
0x469: {  	s15 =	sadd.s32 $0xFFFFFFFA, s14;
	v20 =	vld [tilespmem:s13+$0xFFFFFF90];
	v18 =	vadd.s32 v2, v18  }
0x46a: {  	v21 =	vmov s15  }
0x46b: {  	v21 =	vshrl.u32 v21, $0x3  }
0x46c: {  	v21 =	vshll.u32 v21, v1  }
0x46d: {  	[tilespmem:v19+s29+$0x0] =	vst.idx.msk $0xffff, v17;
	v17 =	vbroadcast v21, $0x0  }
0x46e: {  	[tilespmem:v18+s29+$0x0] =	vst.idx.msk $0xffff, v20  }
0x46f: {  	v18 =	vld [tilespmem:s13+$0xFFFFFFA0];
	v19 =	vadd.s32 v3, v17  }
0x470: {  	s17 =	sadd.s32 $0xFFFFFFFB, s14;
	v20 =	vld [tilespmem:s13+$0xFFFFFFB0];
	v17 =	vadd.s32 v4, v17  }
0x471: {  	v51 =	vmov s17  }
0x472: {  	v21 =	vshrl.u32 v51, $0x3  }
0x473: {  	v21 =	vshll.u32 v21, v1  }
0x474: {  	[tilespmem:v19+s29+$0x0] =	vst.idx.msk $0xffff, v18;
	v18 =	vbroadcast v21, $0x0  }
0x475: {  	[tilespmem:v17+s29+$0x0] =	vst.idx.msk $0xffff, v20  }
0x476: {  	v17 =	vld [tilespmem:s13+$0xFFFFFFC0];
	v19 =	vadd.s32 v5, v18  }
0x477: {  	s20 =	sadd.s32 $0xFFFFFFFC, s14;
	v20 =	vld [tilespmem:s13+$0xFFFFFFD0];
	v18 =	vadd.s32 v6, v18  }
0x478: {  	v52 =	vmov s20  }
0x479: {  	v21 =	vshrl.u32 v52, $0x3  }
0x47a: {  	v21 =	vshll.u32 v21, v1  }
0x47b: {  	[tilespmem:v19+s29+$0x0] =	vst.idx.msk $0xffff, v17;
	v17 =	vbroadcast v21, $0x0  }
0x47c: {  	[tilespmem:v18+s29+$0x0] =	vst.idx.msk $0xffff, v20  }
0x47d: {  	v18 =	vld [tilespmem:s13+$0xFFFFFFE0];
	v19 =	vadd.s32 v7, v17  }
0x47e: {  	s21 =	sadd.s32 $0xFFFFFFFD, s14;
	v20 =	vld [tilespmem:s13+$0xFFFFFFF0];
	v17 =	vadd.s32 v8, v17  }
0x47f: {  	v53 =	vmov s21  }
0x480: {  	v21 =	vshrl.u32 v53, $0x3  }
0x481: {  	v21 =	vshll.u32 v21, v1  }
0x482: {  	[tilespmem:v19+s29+$0x0] =	vst.idx.msk $0xffff, v18;
	v18 =	vbroadcast v21, $0x0  }
0x483: {  	[tilespmem:v17+s29+$0x0] =	vst.idx.msk $0xffff, v20  }
0x484: {  	v17 =	vld [tilespmem:s13+$0x0];
	v19 =	vadd.s32 v9, v18  }
0x485: {  	s16 =	sadd.s32 $0xFFFFFFFE, s14;
	v20 =	vld [tilespmem:s13+$0x10];
	v18 =	vadd.s32 v10, v18  }
0x486: {  	v54 =	vmov s16  }
0x487: {  	v21 =	vshrl.u32 v54, $0x3  }
0x488: {  	v21 =	vshll.u32 v21, v1  }
0x489: {  	[tilespmem:v19+s29+$0x0] =	vst.idx.msk $0xffff, v17;
	v17 =	vbroadcast v21, $0x0  }
0x48a: {  	[tilespmem:v18+s29+$0x0] =	vst.idx.msk $0xffff, v20  }
0x48b: {  	v18 =	vld [tilespmem:s13+$0x20];
	v19 =	vadd.s32 v11, v17  }
0x48c: {  	s17 =	sadd.s32 $0xFFFFFFFF, s14;
	v20 =	vld [tilespmem:s13+$0x30];
	v17 =	vadd.s32 v12, v17  }
0x48d: {  	v55 =	vmov s17  }
0x48e: {  	v21 =	vshrl.u32 v55, $0x3  }
0x48f: {  	v21 =	vshll.u32 v21, v1  }
0x490: {  	[tilespmem:v19+s29+$0x0] =	vst.idx.msk $0xffff, v18;
	v18 =	vbroadcast v21, $0x0  }
0x491: {  	[tilespmem:v17+s29+$0x0] =	vst.idx.msk $0xffff, v20  }
0x492: {  	v17 =	vld [tilespmem:s13+$0x40];
	v19 =	vadd.s32 v13, v18  }
0x493: {  	v20 =	vld [tilespmem:s13+$0x50];
	v18 =	vadd.s32 v14, v18  }
0x494: {  	v56 =	vmov s14  }
0x495: {  	v21 =	vshrl.u32 v56, $0x3  }
0x496: {  	v21 =	vshll.u32 v21, v1  }
0x497: {  	[tilespmem:v19+s29+$0x0] =	vst.idx.msk $0xffff, v17;
	v17 =	vbroadcast v21, $0x0  }
0x498: {  	[tilespmem:v18+s29+$0x0] =	vst.idx.msk $0xffff, v20  }
0x499: {  	v18 =	vld [tilespmem:s13+$0x60];
	v19 =	vadd.s32 v15, v17  }
0x49a: {  	v20 =	vld [tilespmem:s13+$0x70];
	v17 =	vadd.s32 v16, v17;
	_ =	sdelay $0x3  }
0x49b: {  	[tilespmem:v19+s29+$0x0] =	vst.idx.msk $0xffff, v18  }
0x49c: {  	s14 =	rddreg [dreg:$0xc];
	[tilespmem:v17+s29+$0x0] =	vst.idx.msk $0xffff, v20  }
0x49d: {  	[hbm4b:s14+s3] =	stream.linear.scatter [tilespmem:s29], [sflag:$0x3], $0x80, $0x38;
	[tilespmem:$0xA600] =	vst v63  }
0x49e: {  	s21 =	simm.s32 $0x8488;
	s20 =	sadd.s32 $0x10, s14  }
0x49f: {  	[hbm4b:s20+s3] =	stream.linear.scatter [tilespmem:s21], [sflag:$0x3], $0x80, $0x38;
	[tilespmem:$0xA600] =	vst v63  }
0x4a0: {  	s16 =	sadd.s32 $0x20, s14;
	s17 =	simm.s32 $0x8510  }
0x4a1: {  	[hbm4b:s16+s3] =	stream.linear.scatter [tilespmem:s17], [sflag:$0x3], $0x80, $0x38;
	[tilespmem:$0xA600] =	vst v63  }
0x4a2: {  	s20 =	sadd.s32 $0x30, s14;
	s21 =	simm.s32 $0x8598  }
0x4a3: {  	[hbm4b:s20+s3] =	stream.linear.scatter [tilespmem:s21], [sflag:$0x3], $0x80, $0x38;
	[tilespmem:$0xA600] =	vst v63  }
0x4a4: {  	s16 =	sadd.s32 $0x40, s14;
	s17 =	simm.s32 $0x8620  }
0x4a5: {  	[hbm4b:s16+s3] =	stream.linear.scatter [tilespmem:s17], [sflag:$0x3], $0x80, $0x38;
	[tilespmem:$0xA600] =	vst v63  }
0x4a6: {  	s20 =	sadd.s32 $0x50, s14;
	s21 =	simm.s32 $0x86A8  }
0x4a7: {  	[hbm4b:s20+s3] =	stream.linear.scatter [tilespmem:s21], [sflag:$0x3], $0x80, $0x38;
	[tilespmem:$0xA600] =	vst v63  }
0x4a8: {  	s16 =	sadd.s32 $0x60, s14;
	s17 =	simm.s32 $0x8730  }
0x4a9: {  	[hbm4b:s16+s3] =	stream.linear.scatter [tilespmem:s17], [sflag:$0x3], $0x80, $0x38;
	[tilespmem:$0xA600] =	vst v63  }
0x4aa: {  	s20 =	sadd.s32 $0x70, s14;
	s21 =	simm.s32 $0x87B8  }
0x4ab: {  	[hbm4b:s20+s3] =	stream.linear.scatter [tilespmem:s21], [sflag:$0x3], $0x80, $0x38;
	[tilespmem:$0xA600] =	vst v63  }
0x4ac: {  	s15 =	simm.s32 $0x8840;
	s14 =	rddreg [dreg:$0xd]  }
0x4ad: {  	[hbm4b:s14+s3] =	stream.linear.scatter [tilespmem:s15], [sflag:$0x3], $0x80, $0x38;
	[tilespmem:$0xA600] =	vst v63  }
0x4ae: {  	s16 =	sadd.s32 $0x10, s14;
	s17 =	simm.s32 $0x88C8  }
0x4af: {  	[hbm4b:s16+s3] =	stream.linear.scatter [tilespmem:s17], [sflag:$0x3], $0x80, $0x38;
	[tilespmem:$0xA600] =	vst v63  }
0x4b0: {  	s20 =	sadd.s32 $0x20, s14;
	s21 =	simm.s32 $0x8950  }
0x4b1: {  	[hbm4b:s20+s3] =	stream.linear.scatter [tilespmem:s21], [sflag:$0x3], $0x80, $0x38;
	[tilespmem:$0xA600] =	vst v63  }
0x4b2: {  	s16 =	sadd.s32 $0x30, s14;
	s17 =	simm.s32 $0x89D8  }
0x4b3: {  	[hbm4b:s16+s3] =	stream.linear.scatter [tilespmem:s17], [sflag:$0x3], $0x80, $0x38;
	[tilespmem:$0xA600] =	vst v63  }
0x4b4: {  	s20 =	sadd.s32 $0x40, s14;
	s21 =	simm.s32 $0x8A60  }
0x4b5: {  	[hbm4b:s20+s3] =	stream.linear.scatter [tilespmem:s21], [sflag:$0x3], $0x80, $0x38;
	[tilespmem:$0xA600] =	vst v63  }
0x4b6: {  	s16 =	sadd.s32 $0x50, s14;
	s17 =	simm.s32 $0x8AE8  }
0x4b7: {  	[hbm4b:s16+s3] =	stream.linear.scatter [tilespmem:s17], [sflag:$0x3], $0x80, $0x38;
	[tilespmem:$0xA600] =	vst v63  }
0x4b8: {  	s20 =	sadd.s32 $0x60, s14;
	s21 =	simm.s32 $0x8B70  }
0x4b9: {  	[hbm4b:s20+s3] =	stream.linear.scatter [tilespmem:s21], [sflag:$0x3], $0x80, $0x38;
	[tilespmem:$0xA600] =	vst v63  }
0x4ba: {  	s15 =	sadd.s32 $0x70, s14;
	s16 =	simm.s32 $0x8BF8  }
0x4bb: {  	[hbm4b:s15+s3] =	stream.linear.scatter [tilespmem:s16], [sflag:$0x3], $0x80, $0x38;
	[tilespmem:$0xA600] =	vst v63  }
0x4bc: {  	s14 =	rddreg [dreg:$0xe];
	s17 =	simm.s32 $0x8C80  }
0x4bd: {  	[hbm4b:s14+s3] =	stream.linear.scatter [tilespmem:s17], [sflag:$0x3], $0x80, $0x38;
	[tilespmem:$0xA600] =	vst v63  }
0x4be: {  	s20 =	sadd.s32 $0x10, s14;
	s21 =	simm.s32 $0x8D08  }
0x4bf: {  	[hbm4b:s20+s3] =	stream.linear.scatter [tilespmem:s21], [sflag:$0x3], $0x80, $0x38;
	[tilespmem:$0xA600] =	vst v63  }
0x4c0: {  	s16 =	sadd.s32 $0x20, s14;
	s17 =	simm.s32 $0x8D90  }
0x4c1: {  	[hbm4b:s16+s3] =	stream.linear.scatter [tilespmem:s17], [sflag:$0x3], $0x80, $0x38;
	[tilespmem:$0xA600] =	vst v63  }
0x4c2: {  	s20 =	sadd.s32 $0x30, s14;
	s21 =	simm.s32 $0x8E18  }
0x4c3: {  	[hbm4b:s20+s3] =	stream.linear.scatter [tilespmem:s21], [sflag:$0x3], $0x80, $0x38;
	[tilespmem:$0xA600] =	vst v63  }
0x4c4: {  	s16 =	sadd.s32 $0x40, s14;
	s17 =	simm.s32 $0x8EA0  }
0x4c5: {  	[hbm4b:s16+s3] =	stream.linear.scatter [tilespmem:s17], [sflag:$0x3], $0x80, $0x38;
	[tilespmem:$0xA600] =	vst v63  }
0x4c6: {  	s20 =	sadd.s32 $0x50, s14;
	s21 =	simm.s32 $0x8F28  }
0x4c7: {  	[hbm4b:s20+s3] =	stream.linear.scatter [tilespmem:s21], [sflag:$0x3], $0x80, $0x38;
	[tilespmem:$0xA600] =	vst v63  }
0x4c8: {  	s16 =	sadd.s32 $0x60, s14;
	s17 =	simm.s32 $0x8FB0  }
0x4c9: {  	[hbm4b:s16+s3] =	stream.linear.scatter [tilespmem:s17], [sflag:$0x3], $0x80, $0x38;
	[tilespmem:$0xA600] =	vst v63  }
0x4ca: {  	s20 =	sadd.s32 $0x70, s14;
	s21 =	simm.s32 $0x9038  }
0x4cb: {  	[hbm4b:s20+s3] =	stream.linear.scatter [tilespmem:s21], [sflag:$0x3], $0x80, $0x38;
	[tilespmem:$0xA600] =	vst v63  }
0x4cc: {  	s15 =	simm.s32 $0x90C0;
	s14 =	rddreg [dreg:$0xf]  }
0x4cd: {  	[hbm4b:s14+s3] =	stream.linear.scatter [tilespmem:s15], [sflag:$0x3], $0x80, $0x38;
	[tilespmem:$0xA600] =	vst v63  }
0x4ce: {  	s16 =	sadd.s32 $0x10, s14;
	s17 =	simm.s32 $0x9148  }
0x4cf: {  	[hbm4b:s16+s3] =	stream.linear.scatter [tilespmem:s17], [sflag:$0x3], $0x80, $0x38;
	[tilespmem:$0xA600] =	vst v63  }
0x4d0: {  	s20 =	sadd.s32 $0x20, s14;
	s21 =	simm.s32 $0x91D0  }
0x4d1: {  	[hbm4b:s20+s3] =	stream.linear.scatter [tilespmem:s21], [sflag:$0x3], $0x80, $0x38;
	[tilespmem:$0xA600] =	vst v63  }
0x4d2: {  	s16 =	sadd.s32 $0x30, s14;
	s17 =	simm.s32 $0x9258  }
0x4d3: {  	[hbm4b:s16+s3] =	stream.linear.scatter [tilespmem:s17], [sflag:$0x3], $0x80, $0x38;
	[tilespmem:$0xA600] =	vst v63  }
0x4d4: {  	s20 =	sadd.s32 $0x40, s14;
	s21 =	simm.s32 $0x92E0  }
0x4d5: {  	[hbm4b:s20+s3] =	stream.linear.scatter [tilespmem:s21], [sflag:$0x3], $0x80, $0x38;
	[tilespmem:$0xA600] =	vst v63  }
0x4d6: {  	s16 =	sadd.s32 $0x50, s14;
	s17 =	simm.s32 $0x9368  }
0x4d7: {  	[hbm4b:s16+s3] =	stream.linear.scatter [tilespmem:s17], [sflag:$0x3], $0x80, $0x38;
	[tilespmem:$0xA600] =	vst v63  }
0x4d8: {  	s20 =	sadd.s32 $0x60, s14;
	s21 =	simm.s32 $0x93F0  }
0x4d9: {  	[hbm4b:s20+s3] =	stream.linear.scatter [tilespmem:s21], [sflag:$0x3], $0x80, $0x38;
	[tilespmem:$0xA600] =	vst v63  }
0x4da: {  	s15 =	simm.s32 $0x9478;
	s14 =	sadd.s32 $0x70, s14  }
0x4db: {  	[hbm4b:s14+s3] =	stream.linear.scatter [tilespmem:s15], [sflag:$0x3], $0x80, $0x38;
	[tilespmem:$0xA600] =	vst v63  }
0x4dc: {  	_ =	swait.ge [sflag:s18], $0x1000  }
0x4dd: {  	[sflag:s18] =	ssyncset.done $0x0  }
0x4de: {  	[sflag:s18] =	ssyncadd.s32 $0xFFFFF000  }
0x4df: {  	_ =	swait.ge [sflag:s11], $0x400  }
0x4e0: {  	[sflag:s11] =	ssyncset.done $0x0  }
0x4e1: {  	[sflag:s11] =	ssyncadd.s32 $0xFFFFFC00  }
0x4e2: {  	_ =	swait.ge [sflag:s11], $0x400  }
0x4e3: {  	[sflag:s11] =	ssyncset.done $0x0  }
0x4e4: {  	[sflag:s11] =	ssyncadd.s32 $0xFFFFFC00  }
0x4e5: {  	s16 =	simm.s32 $0x0;
	_ =	swait.ge [sflag:s11], $0x400  }
0x4e6: {  	v17 =	vmov s16;
	[sflag:s11] =	ssyncset.done $0x0  }
0x4e7: {  	v17 =	vshrl.u32 v17, $0x3;
	[sflag:s11] =	ssyncadd.s32 $0xFFFFFC00  }
0x4e8: {  	v17 =	vshll.u32 v17, v1;
	_ =	swait.ge [sflag:s11], $0x400  }
0x4e9: {  	v17 =	vbroadcast v17, $0x0;
	[sflag:s11] =	ssyncset.done $0x0  }
0x4ea: {  	s13 =	simm.s32 $0x7480;
	[sflag:s11] =	ssyncadd.s32 $0xFFFFFC00  }
0x4eb: {  	v19 =	vadd.s32 v0, v17;
	v18 =	vld [tilespmem:s13+$0xFFFFFF80]  }
0x4ec: {  	s17 =	simm.s32 $0x1;
	v17 =	vadd.s32 v2, v17;
	v20 =	vld [tilespmem:s13+$0xFFFFFF90]  }
0x4ed: {  	v57 =	vmov s17  }
0x4ee: {  	v21 =	vshrl.u32 v57, $0x3  }
0x4ef: {  	v21 =	vshll.u32 v21, v1  }
0x4f0: {  	[tilespmem:v19+s19+$0x0] =	vst.idx.msk $0xffff, v18;
	v18 =	vbroadcast v21, $0x0  }
0x4f1: {  	[tilespmem:v17+s19+$0x0] =	vst.idx.msk $0xffff, v20  }
0x4f2: {  	v17 =	vld [tilespmem:s13+$0xFFFFFFA0];
	v19 =	vadd.s32 v3, v18  }
0x4f3: {  	s20 =	simm.s32 $0x2;
	v20 =	vld [tilespmem:s13+$0xFFFFFFB0];
	v18 =	vadd.s32 v4, v18  }
0x4f4: {  	v58 =	vmov s20  }
0x4f5: {  	v21 =	vshrl.u32 v58, $0x3  }
0x4f6: {  	v21 =	vshll.u32 v21, v1  }
0x4f7: {  	[tilespmem:v19+s19+$0x0] =	vst.idx.msk $0xffff, v17;
	v17 =	vbroadcast v21, $0x0  }
0x4f8: {  	[tilespmem:v18+s19+$0x0] =	vst.idx.msk $0xffff, v20  }
0x4f9: {  	v18 =	vld [tilespmem:s13+$0xFFFFFFC0];
	v19 =	vadd.s32 v5, v17  }
0x4fa: {  	s21 =	simm.s32 $0x3;
	v20 =	vld [tilespmem:s13+$0xFFFFFFD0];
	v17 =	vadd.s32 v6, v17  }
0x4fb: {  	v59 =	vmov s21  }
0x4fc: {  	v21 =	vshrl.u32 v59, $0x3  }
0x4fd: {  	v21 =	vshll.u32 v21, v1  }
0x4fe: {  	[tilespmem:v19+s19+$0x0] =	vst.idx.msk $0xffff, v18;
	v18 =	vbroadcast v21, $0x0  }
0x4ff: {  	[tilespmem:v17+s19+$0x0] =	vst.idx.msk $0xffff, v20  }
0x500: {  	v17 =	vld [tilespmem:s13+$0xFFFFFFE0];
	v19 =	vadd.s32 v7, v18  }
0x501: {  	s15 =	simm.s32 $0x4;
	v20 =	vld [tilespmem:s13+$0xFFFFFFF0];
	v18 =	vadd.s32 v8, v18  }
0x502: {  	v60 =	vmov s15  }
0x503: {  	v21 =	vshrl.u32 v60, $0x3  }
0x504: {  	v21 =	vshll.u32 v21, v1  }
0x505: {  	[tilespmem:v19+s19+$0x0] =	vst.idx.msk $0xffff, v17;
	v17 =	vbroadcast v21, $0x0  }
0x506: {  	[tilespmem:v18+s19+$0x0] =	vst.idx.msk $0xffff, v20  }
0x507: {  	v18 =	vld [tilespmem:s13+$0x0];
	v19 =	vadd.s32 v9, v17  }
0x508: {  	s16 =	simm.s32 $0x5;
	v20 =	vld [tilespmem:s13+$0x10];
	v17 =	vadd.s32 v10, v17  }
0x509: {  	v61 =	vmov s16  }
0x50a: {  	v21 =	vshrl.u32 v61, $0x3  }
0x50b: {  	v21 =	vshll.u32 v21, v1  }
0x50c: {  	[tilespmem:v19+s19+$0x0] =	vst.idx.msk $0xffff, v18;
	v18 =	vbroadcast v21, $0x0  }
0x50d: {  	[tilespmem:v17+s19+$0x0] =	vst.idx.msk $0xffff, v20  }
0x50e: {  	v17 =	vld [tilespmem:s13+$0x20];
	v19 =	vadd.s32 v11, v18  }
0x50f: {  	s17 =	simm.s32 $0x6;
	v20 =	vld [tilespmem:s13+$0x30];
	v18 =	vadd.s32 v12, v18  }
0x510: {  	v62 =	vmov s17  }
0x511: {  	v21 =	vshrl.u32 v62, $0x3  }
0x512: {  	v21 =	vshll.u32 v21, v1  }
0x513: {  	[tilespmem:v19+s19+$0x0] =	vst.idx.msk $0xffff, v17;
	v17 =	vbroadcast v21, $0x0  }
0x514: {  	[tilespmem:v18+s19+$0x0] =	vst.idx.msk $0xffff, v20  }
0x515: {  	v18 =	vld [tilespmem:s13+$0x40];
	v19 =	vadd.s32 v13, v17  }
0x516: {  	s20 =	simm.s32 $0x7;
	v20 =	vld [tilespmem:s13+$0x50];
	v17 =	vadd.s32 v14, v17  }
0x517: {  	v63 =	vmov s20  }
0x518: {  	v21 =	vshrl.u32 v63, $0x3  }
0x519: {  	v21 =	vshll.u32 v21, v1  }
0x51a: {  	[tilespmem:v19+s19+$0x0] =	vst.idx.msk $0xffff, v18;
	v18 =	vbroadcast v21, $0x0  }
0x51b: {  	s21 =	simm.s32 $0x8;
	[tilespmem:v17+s19+$0x0] =	vst.idx.msk $0xffff, v20  }
0x51c: {  	v17 =	vmov s21;
	v20 =	vld [tilespmem:s13+$0x60];
	v21 =	vadd.s32 v15, v18  }
0x51d: {  	v19 =	vshrl.u32 v17, $0x3  }
0x51e: {  	v17 =	vld [tilespmem:s13+$0x70];
	v22 =	vshll.u32 v19, v1;
	v19 =	vadd.s32 v16, v18;
	_ =	sdelay $0x2  }
0x51f: {  	s14 =	simm.s32 $0xF;
	s15 =	simm.s32 $0x17;
	v18 =	vbroadcast v22, $0x0;
	[tilespmem:v21+s19+$0x0] =	vst.idx.msk $0xffff, v20  }
.LBB2_14:
0x520: {  	p0 =	sne.s32 s15, $0x7F  }
0x521: {  	[tilespmem:v19+s19+$0x0] =	vst.idx.msk $0xffff, v17;
	s13 =	sadd.s32 $0x100, s13;
	s16 =	smov.u32 s15;
	s15 =	sadd.s32 $0x8, s15  }
0x522: {  	v17 =	vld [tilespmem:s13+$0xFFFFFF80];
	v19 =	vadd.s32 v0, v18  }
0x523: {  	s17 =	sadd.s32 $0xFFFFFFFA, s14;
	v18 =	vadd.s32 v2, v18;
	v20 =	vld [tilespmem:s13+$0xFFFFFF90]  }
0x524: {  	v21 =	vmov s17  }
0x525: {  	v21 =	vshrl.u32 v21, $0x3  }
0x526: {  	v21 =	vshll.u32 v21, v1  }
0x527: {  	[tilespmem:v19+s19+$0x0] =	vst.idx.msk $0xffff, v17;
	v17 =	vbroadcast v21, $0x0  }
0x528: {  	[tilespmem:v18+s19+$0x0] =	vst.idx.msk $0xffff, v20  }
0x529: {  	v18 =	vld [tilespmem:s13+$0xFFFFFFA0];
	v19 =	vadd.s32 v3, v17  }
0x52a: {  	s17 =	sadd.s32 $0xFFFFFFFB, s14;
	v17 =	vadd.s32 v4, v17;
	v20 =	vld [tilespmem:s13+$0xFFFFFFB0]  }
0x52b: {  	v21 =	vmov s17  }
0x52c: {  	v21 =	vshrl.u32 v21, $0x3  }
0x52d: {  	v21 =	vshll.u32 v21, v1  }
0x52e: {  	[tilespmem:v19+s19+$0x0] =	vst.idx.msk $0xffff, v18;
	v18 =	vbroadcast v21, $0x0  }
0x52f: {  	[tilespmem:v17+s19+$0x0] =	vst.idx.msk $0xffff, v20  }
0x530: {  	v17 =	vld [tilespmem:s13+$0xFFFFFFC0];
	v19 =	vadd.s32 v5, v18  }
0x531: {  	s17 =	sadd.s32 $0xFFFFFFFC, s14;
	v18 =	vadd.s32 v6, v18;
	v20 =	vld [tilespmem:s13+$0xFFFFFFD0]  }
0x532: {  	v21 =	vmov s17  }
0x533: {  	v21 =	vshrl.u32 v21, $0x3  }
0x534: {  	v21 =	vshll.u32 v21, v1  }
0x535: {  	[tilespmem:v19+s19+$0x0] =	vst.idx.msk $0xffff, v17;
	v17 =	vbroadcast v21, $0x0  }
0x536: {  	[tilespmem:v18+s19+$0x0] =	vst.idx.msk $0xffff, v20  }
0x537: {  	v18 =	vld [tilespmem:s13+$0xFFFFFFE0];
	v19 =	vadd.s32 v7, v17  }
0x538: {  	s17 =	sadd.s32 $0xFFFFFFFD, s14;
	v17 =	vadd.s32 v8, v17;
	v20 =	vld [tilespmem:s13+$0xFFFFFFF0]  }
0x539: {  	v21 =	vmov s17  }
0x53a: {  	v21 =	vshrl.u32 v21, $0x3  }
0x53b: {  	v21 =	vshll.u32 v21, v1  }
0x53c: {  	[tilespmem:v19+s19+$0x0] =	vst.idx.msk $0xffff, v18;
	v18 =	vbroadcast v21, $0x0  }
0x53d: {  	[tilespmem:v17+s19+$0x0] =	vst.idx.msk $0xffff, v20  }
0x53e: {  	v17 =	vld [tilespmem:s13+$0x0];
	v19 =	vadd.s32 v9, v18  }
0x53f: {  	s17 =	sadd.s32 $0xFFFFFFFE, s14;
	v18 =	vadd.s32 v10, v18;
	v20 =	vld [tilespmem:s13+$0x10]  }
0x540: {  	v21 =	vmov s17  }
0x541: {  	v21 =	vshrl.u32 v21, $0x3  }
0x542: {  	v21 =	vshll.u32 v21, v1  }
0x543: {  	[tilespmem:v19+s19+$0x0] =	vst.idx.msk $0xffff, v17;
	v17 =	vbroadcast v21, $0x0  }
0x544: {  	[tilespmem:v18+s19+$0x0] =	vst.idx.msk $0xffff, v20  }
0x545: {  	v18 =	vld [tilespmem:s13+$0x20];
	v19 =	vadd.s32 v11, v17  }
0x546: {  	s17 =	sadd.s32 $0xFFFFFFFF, s14;
	v17 =	vadd.s32 v12, v17;
	v20 =	vld [tilespmem:s13+$0x30]  }
0x547: {  	v21 =	vmov s17  }
0x548: {  	v21 =	vshrl.u32 v21, $0x3  }
0x549: {  	v21 =	vshll.u32 v21, v1  }
0x54a: {  	[tilespmem:v19+s19+$0x0] =	vst.idx.msk $0xffff, v18;
	v18 =	vbroadcast v21, $0x0  }
0x54b: {  	[tilespmem:v17+s19+$0x0] =	vst.idx.msk $0xffff, v20  }
0x54c: {  	v17 =	vld [tilespmem:s13+$0x40];
	v19 =	vadd.s32 v13, v18  }
0x54d: {  	v18 =	vadd.s32 v14, v18;
	v20 =	vld [tilespmem:s13+$0x50]  }
0x54e: {  	v21 =	vmov s14;
	s14 =	smov.u32 s16  }
0x54f: {  	v21 =	vshrl.u32 v21, $0x3  }
0x550: {  	v21 =	vshll.u32 v21, v1  }
0x551: {  	[tilespmem:v19+s19+$0x0] =	vst.idx.msk $0xffff, v17;
	v19 =	vbroadcast v21, $0x0  }
0x552: {  	[tilespmem:v18+s19+$0x0] =	vst.idx.msk $0xffff, v20  }
0x553: {  	v20 =	vld [tilespmem:s13+$0x60];
	v21 =	vadd.s32 v15, v19  }
.Ltmp6:
0x554: {  	s16 =	sadd.s32 $0xFFFFFFF9, s14;
	v19 =	vadd.s32 v16, v19;
	v17 =	vld [tilespmem:s13+$0x70];
	(pc) =	sbr.rel @p0 .LBB2_14-.Ltmp6, $4  }
0x555: {  	v18 =	vmov s16  }
0x556: {  	v18 =	vshrl.u32 v18, $0x3  }
0x557: {  	v18 =	vshll.u32 v18, v1  }
0x558: {  	v18 =	vbroadcast v18, $0x0;
	[tilespmem:v21+s19+$0x0] =	vst.idx.msk $0xffff, v20  }
0x559: {  	_ =	sdelay $0x3  }
0x55a: {  	[tilespmem:v19+s19+$0x0] =	vst.idx.msk $0xffff, v17;
	s13 =	sadd.s32 $0x100, s13  }
0x55b: {  	v17 =	vld [tilespmem:s13+$0xFFFFFF80];
	v19 =	vadd.s32 v0, v18  }
0x55c: {  	s15 =	sadd.s32 $0xFFFFFFFA, s14;
	v20 =	vld [tilespmem:s13+$0xFFFFFF90];
	v18 =	vadd.s32 v2, v18  }
0x55d: {  	v21 =	vmov s15  }
0x55e: {  	v21 =	vshrl.u32 v21, $0x3  }
0x55f: {  	v21 =	vshll.u32 v21, v1  }
0x560: {  	[tilespmem:v19+s19+$0x0] =	vst.idx.msk $0xffff, v17;
	v17 =	vbroadcast v21, $0x0  }
0x561: {  	[tilespmem:v18+s19+$0x0] =	vst.idx.msk $0xffff, v20  }
0x562: {  	v18 =	vld [tilespmem:s13+$0xFFFFFFA0];
	v19 =	vadd.s32 v3, v17  }
0x563: {  	s17 =	sadd.s32 $0xFFFFFFFB, s14;
	v20 =	vld [tilespmem:s13+$0xFFFFFFB0];
	v17 =	vadd.s32 v4, v17  }
0x564: {  	v58 =	vmov s17  }
0x565: {  	v21 =	vshrl.u32 v58, $0x3  }
0x566: {  	v21 =	vshll.u32 v21, v1  }
0x567: {  	[tilespmem:v19+s19+$0x0] =	vst.idx.msk $0xffff, v18;
	v18 =	vbroadcast v21, $0x0  }
0x568: {  	[tilespmem:v17+s19+$0x0] =	vst.idx.msk $0xffff, v20  }
0x569: {  	v17 =	vld [tilespmem:s13+$0xFFFFFFC0];
	v19 =	vadd.s32 v5, v18  }
0x56a: {  	s20 =	sadd.s32 $0xFFFFFFFC, s14;
	v20 =	vld [tilespmem:s13+$0xFFFFFFD0];
	v18 =	vadd.s32 v6, v18  }
0x56b: {  	v59 =	vmov s20  }
0x56c: {  	v21 =	vshrl.u32 v59, $0x3  }
0x56d: {  	v21 =	vshll.u32 v21, v1  }
0x56e: {  	[tilespmem:v19+s19+$0x0] =	vst.idx.msk $0xffff, v17;
	v17 =	vbroadcast v21, $0x0  }
0x56f: {  	[tilespmem:v18+s19+$0x0] =	vst.idx.msk $0xffff, v20  }
0x570: {  	v18 =	vld [tilespmem:s13+$0xFFFFFFE0];
	v19 =	vadd.s32 v7, v17  }
0x571: {  	s21 =	sadd.s32 $0xFFFFFFFD, s14;
	v20 =	vld [tilespmem:s13+$0xFFFFFFF0];
	v17 =	vadd.s32 v8, v17  }
0x572: {  	v60 =	vmov s21  }
0x573: {  	v21 =	vshrl.u32 v60, $0x3  }
0x574: {  	v21 =	vshll.u32 v21, v1  }
0x575: {  	[tilespmem:v19+s19+$0x0] =	vst.idx.msk $0xffff, v18;
	v18 =	vbroadcast v21, $0x0  }
0x576: {  	[tilespmem:v17+s19+$0x0] =	vst.idx.msk $0xffff, v20  }
0x577: {  	v17 =	vld [tilespmem:s13+$0x0];
	v19 =	vadd.s32 v9, v18  }
0x578: {  	s16 =	sadd.s32 $0xFFFFFFFE, s14;
	v20 =	vld [tilespmem:s13+$0x10];
	v18 =	vadd.s32 v10, v18  }
0x579: {  	v61 =	vmov s16  }
0x57a: {  	v21 =	vshrl.u32 v61, $0x3  }
0x57b: {  	v21 =	vshll.u32 v21, v1  }
0x57c: {  	[tilespmem:v19+s19+$0x0] =	vst.idx.msk $0xffff, v17;
	v17 =	vbroadcast v21, $0x0  }
0x57d: {  	[tilespmem:v18+s19+$0x0] =	vst.idx.msk $0xffff, v20  }
0x57e: {  	v18 =	vld [tilespmem:s13+$0x20];
	v19 =	vadd.s32 v11, v17  }
0x57f: {  	s17 =	sadd.s32 $0xFFFFFFFF, s14;
	v20 =	vld [tilespmem:s13+$0x30];
	v17 =	vadd.s32 v12, v17  }
0x580: {  	v62 =	vmov s17  }
0x581: {  	v21 =	vshrl.u32 v62, $0x3  }
0x582: {  	v21 =	vshll.u32 v21, v1  }
0x583: {  	[tilespmem:v19+s19+$0x0] =	vst.idx.msk $0xffff, v18;
	v18 =	vbroadcast v21, $0x0  }
0x584: {  	[tilespmem:v17+s19+$0x0] =	vst.idx.msk $0xffff, v20  }
0x585: {  	v17 =	vld [tilespmem:s13+$0x40];
	v19 =	vadd.s32 v13, v18  }
0x586: {  	v20 =	vld [tilespmem:s13+$0x50];
	v18 =	vadd.s32 v14, v18  }
0x587: {  	v63 =	vmov s14  }
0x588: {  	v21 =	vshrl.u32 v63, $0x3  }
0x589: {  	v21 =	vshll.u32 v21, v1  }
0x58a: {  	[tilespmem:v19+s19+$0x0] =	vst.idx.msk $0xffff, v17;
	v17 =	vbroadcast v21, $0x0  }
0x58b: {  	[tilespmem:v18+s19+$0x0] =	vst.idx.msk $0xffff, v20  }
0x58c: {  	v18 =	vld [tilespmem:s13+$0x60];
	v19 =	vadd.s32 v15, v17  }
0x58d: {  	v20 =	vld [tilespmem:s13+$0x70];
	v17 =	vadd.s32 v16, v17;
	_ =	sdelay $0x3  }
0x58e: {  	[tilespmem:v19+s19+$0x0] =	vst.idx.msk $0xffff, v18  }
0x58f: {  	s14 =	rddreg [dreg:$0x10];
	[tilespmem:v17+s19+$0x0] =	vst.idx.msk $0xffff, v20  }
0x590: {  	[hbm4b:s14+s3] =	stream.linear.scatter [tilespmem:s19], [sflag:$0x4], $0x80, $0x38;
	[tilespmem:$0xA600] =	vst v63  }
0x591: {  	s21 =	simm.s32 $0x9588;
	s20 =	sadd.s32 $0x10, s14  }
0x592: {  	[hbm4b:s20+s3] =	stream.linear.scatter [tilespmem:s21], [sflag:$0x4], $0x80, $0x38;
	[tilespmem:$0xA600] =	vst v63  }
0x593: {  	s16 =	sadd.s32 $0x20, s14;
	s17 =	simm.s32 $0x9610  }
0x594: {  	[hbm4b:s16+s3] =	stream.linear.scatter [tilespmem:s17], [sflag:$0x4], $0x80, $0x38;
	[tilespmem:$0xA600] =	vst v63  }
0x595: {  	s20 =	sadd.s32 $0x30, s14;
	s21 =	simm.s32 $0x9698  }
0x596: {  	[hbm4b:s20+s3] =	stream.linear.scatter [tilespmem:s21], [sflag:$0x4], $0x80, $0x38;
	[tilespmem:$0xA600] =	vst v63  }
0x597: {  	s16 =	sadd.s32 $0x40, s14;
	s17 =	simm.s32 $0x9720  }
0x598: {  	[hbm4b:s16+s3] =	stream.linear.scatter [tilespmem:s17], [sflag:$0x4], $0x80, $0x38;
	[tilespmem:$0xA600] =	vst v63  }
0x599: {  	s20 =	sadd.s32 $0x50, s14;
	s21 =	simm.s32 $0x97A8  }
0x59a: {  	[hbm4b:s20+s3] =	stream.linear.scatter [tilespmem:s21], [sflag:$0x4], $0x80, $0x38;
	[tilespmem:$0xA600] =	vst v63  }
0x59b: {  	s16 =	sadd.s32 $0x60, s14;
	s17 =	simm.s32 $0x9830  }
0x59c: {  	[hbm4b:s16+s3] =	stream.linear.scatter [tilespmem:s17], [sflag:$0x4], $0x80, $0x38;
	[tilespmem:$0xA600] =	vst v63  }
0x59d: {  	s20 =	sadd.s32 $0x70, s14;
	s21 =	simm.s32 $0x98B8  }
0x59e: {  	[hbm4b:s20+s3] =	stream.linear.scatter [tilespmem:s21], [sflag:$0x4], $0x80, $0x38;
	[tilespmem:$0xA600] =	vst v63  }
0x59f: {  	s15 =	simm.s32 $0x9940;
	s14 =	rddreg [dreg:$0x11]  }
0x5a0: {  	[hbm4b:s14+s3] =	stream.linear.scatter [tilespmem:s15], [sflag:$0x4], $0x80, $0x38;
	[tilespmem:$0xA600] =	vst v63  }
0x5a1: {  	s16 =	sadd.s32 $0x10, s14;
	s17 =	simm.s32 $0x99C8  }
0x5a2: {  	[hbm4b:s16+s3] =	stream.linear.scatter [tilespmem:s17], [sflag:$0x4], $0x80, $0x38;
	[tilespmem:$0xA600] =	vst v63  }
0x5a3: {  	s20 =	sadd.s32 $0x20, s14;
	s21 =	simm.s32 $0x9A50  }
0x5a4: {  	[hbm4b:s20+s3] =	stream.linear.scatter [tilespmem:s21], [sflag:$0x4], $0x80, $0x38;
	[tilespmem:$0xA600] =	vst v63  }
0x5a5: {  	s16 =	sadd.s32 $0x30, s14;
	s17 =	simm.s32 $0x9AD8  }
0x5a6: {  	[hbm4b:s16+s3] =	stream.linear.scatter [tilespmem:s17], [sflag:$0x4], $0x80, $0x38;
	[tilespmem:$0xA600] =	vst v63  }
0x5a7: {  	s20 =	sadd.s32 $0x40, s14;
	s21 =	simm.s32 $0x9B60  }
0x5a8: {  	[hbm4b:s20+s3] =	stream.linear.scatter [tilespmem:s21], [sflag:$0x4], $0x80, $0x38;
	[tilespmem:$0xA600] =	vst v63  }
0x5a9: {  	s16 =	sadd.s32 $0x50, s14;
	s17 =	simm.s32 $0x9BE8  }
0x5aa: {  	[hbm4b:s16+s3] =	stream.linear.scatter [tilespmem:s17], [sflag:$0x4], $0x80, $0x38;
	[tilespmem:$0xA600] =	vst v63  }
0x5ab: {  	s20 =	sadd.s32 $0x60, s14;
	s21 =	simm.s32 $0x9C70  }
0x5ac: {  	[hbm4b:s20+s3] =	stream.linear.scatter [tilespmem:s21], [sflag:$0x4], $0x80, $0x38;
	[tilespmem:$0xA600] =	vst v63  }
0x5ad: {  	s15 =	sadd.s32 $0x70, s14;
	s16 =	simm.s32 $0x9CF8  }
0x5ae: {  	[hbm4b:s15+s3] =	stream.linear.scatter [tilespmem:s16], [sflag:$0x4], $0x80, $0x38;
	[tilespmem:$0xA600] =	vst v63  }
0x5af: {  	s14 =	rddreg [dreg:$0x12];
	s17 =	simm.s32 $0x9D80  }
0x5b0: {  	[hbm4b:s14+s3] =	stream.linear.scatter [tilespmem:s17], [sflag:$0x4], $0x80, $0x38;
	[tilespmem:$0xA600] =	vst v63  }
0x5b1: {  	s20 =	sadd.s32 $0x10, s14;
	s21 =	simm.s32 $0x9E08  }
0x5b2: {  	[hbm4b:s20+s3] =	stream.linear.scatter [tilespmem:s21], [sflag:$0x4], $0x80, $0x38;
	[tilespmem:$0xA600] =	vst v63  }
0x5b3: {  	s16 =	sadd.s32 $0x20, s14;
	s17 =	simm.s32 $0x9E90  }
0x5b4: {  	[hbm4b:s16+s3] =	stream.linear.scatter [tilespmem:s17], [sflag:$0x4], $0x80, $0x38;
	[tilespmem:$0xA600] =	vst v63  }
0x5b5: {  	s20 =	sadd.s32 $0x30, s14;
	s21 =	simm.s32 $0x9F18  }
0x5b6: {  	[hbm4b:s20+s3] =	stream.linear.scatter [tilespmem:s21], [sflag:$0x4], $0x80, $0x38;
	[tilespmem:$0xA600] =	vst v63  }
0x5b7: {  	s15 =	sadd.s32 $0x40, s14;
	s16 =	simm.s32 $0x9FA0  }
0x5b8: {  	[hbm4b:s15+s3] =	stream.linear.scatter [tilespmem:s16], [sflag:$0x4], $0x80, $0x38;
	[tilespmem:$0xA600] =	vst v63  }
0x5b9: {  	s17 =	sadd.s32 $0x50, s14;
	s20 =	simm.s32 $0xA028  }
0x5ba: {  	[hbm4b:s17+s3] =	stream.linear.scatter [tilespmem:s20], [sflag:$0x4], $0x80, $0x38;
	[tilespmem:$0xA600] =	vst v63  }
0x5bb: {  	s21 =	sadd.s32 $0x60, s14  }
0x5bc: {  	[hbm4b:s21+s3] =	stream.linear.scatter [tilespmem:s22], [sflag:$0x4], $0x80, $0x38;
	[tilespmem:$0xA600] =	vst v63  }
0x5bd: {  	s15 =	sadd.s32 $0x70, s14  }
0x5be: {  	[hbm4b:s15+s3] =	stream.linear.scatter [tilespmem:s23], [sflag:$0x4], $0x80, $0x38;
	[tilespmem:$0xA600] =	vst v63  }
0x5bf: {  	s14 =	rddreg [dreg:$0x14]  }
0x5c0: {  	[hbm4b:s14+s3] =	stream.linear.scatter [tilespmem:s24], [sflag:$0x4], $0x80, $0x38;
	[tilespmem:$0xA600] =	vst v63  }
0x5c1: {  	s16 =	sadd.s32 $0x10, s14  }
0x5c2: {  	[hbm4b:s16+s3] =	stream.linear.scatter [tilespmem:s26], [sflag:$0x4], $0x80, $0x38;
	[tilespmem:$0xA600] =	vst v63  }
0x5c3: {  	s17 =	sadd.s32 $0x20, s14  }
0x5c4: {  	[hbm4b:s17+s3] =	stream.linear.scatter [tilespmem:s7], [sflag:$0x4], $0x80, $0x38;
	[tilespmem:$0xA600] =	vst v63  }
0x5c5: {  	s20 =	sadd.s32 $0x30, s14  }
0x5c6: {  	[hbm4b:s20+s3] =	stream.linear.scatter [tilespmem:s31], [sflag:$0x4], $0x80, $0x38;
	[tilespmem:$0xA600] =	vst v63  }
0x5c7: {  	s21 =	sadd.s32 $0x40, s14  }
0x5c8: {  	[hbm4b:s21+s3] =	stream.linear.scatter [tilespmem:s0], [sflag:$0x4], $0x80, $0x38;
	[tilespmem:$0xA600] =	vst v63  }
0x5c9: {  	s15 =	sadd.s32 $0x50, s14  }
0x5ca: {  	[hbm4b:s15+s3] =	stream.linear.scatter [tilespmem:s5], [sflag:$0x4], $0x80, $0x38;
	[tilespmem:$0xA600] =	vst v63  }
0x5cb: {  	s16 =	sadd.s32 $0x60, s14  }
0x5cc: {  	[hbm4b:s16+s3] =	stream.linear.scatter [tilespmem:s25], [sflag:$0x4], $0x80, $0x38;
	[tilespmem:$0xA600] =	vst v63  }
0x5cd: {  	s17 =	sadd.s32 $0x70, s14  }
0x5ce: {  	[hbm4b:s17+s3] =	stream.linear.scatter [tilespmem:s30], [sflag:$0x4], $0x80, $0x38;
	[tilespmem:$0xA600] =	vst v63  }
0x5cf: {  	_ =	swait.ge [sflag:s10], $0x400  }
0x5d0: {  	[sflag:s10] =	ssyncset.done $0x0  }
0x5d1: {  	[sflag:s10] =	ssyncadd.s32 $0xFFFFFC00  }
0x5d2: {  	_ =	swait.ge [sflag:s10], $0x400  }
0x5d3: {  	[sflag:s10] =	ssyncset.done $0x0  }
0x5d4: {  	[sflag:s10] =	ssyncadd.s32 $0xFFFFFC00  }
0x5d5: {  	_ =	swait.ge [sflag:s10], $0x400  }
0x5d6: {  	[sflag:s10] =	ssyncset.done $0x0  }
0x5d7: {  	[sflag:s10] =	ssyncadd.s32 $0xFFFFFC00  }
0x5d8: {  	_ =	swait.ge [sflag:s10], $0x400  }
0x5d9: {  	[sflag:s10] =	ssyncset.done $0x0  }
0x5da: {  	[sflag:s10] =	ssyncadd.s32 $0xFFFFFC00  }
0x5db: {  	_ =	swait.ge [sflag:s11], $0x400  }
0x5dc: {  	[sflag:s11] =	ssyncset.done $0x0  }
0x5dd: {  	[sflag:s11] =	ssyncadd.s32 $0xFFFFFC00  }
0x5de: {  	_ =	swait.ge [sflag:s11], $0x400  }
0x5df: {  	[sflag:s11] =	ssyncset.done $0x0  }
0x5e0: {  	[sflag:s11] =	ssyncadd.s32 $0xFFFFFC00  }
0x5e1: {  	_ =	swait.ge [sflag:s11], $0x400  }
0x5e2: {  	[sflag:s11] =	ssyncset.done $0x0  }
0x5e3: {  	[sflag:s11] =	ssyncadd.s32 $0xFFFFFC00  }
0x5e4: {  	_ =	swait.ge [sflag:s11], $0x400  }
0x5e5: {  	s20 =	rddreg [dreg:$0x15]  }
0x5e6: {  	s21 =	rddreg [dreg:$0x13];
	s14 =	sadd.s32 $0x1, s20  }
0x5e7: {  	p0 =	sne.s32 s14, s21  }
.Ltmp7:
0x5e8: {  	_ = 	snop;
	(pc) =	sbr.rel @p0 .LBB2_1-.Ltmp7, $3  }
0x5e9: {  	_ =	sdelay $0x1  }
0x5ea: {  	[sflag:s11] =	ssyncset.done $0x0  }
0x5eb: {  	[sflag:s11] =	ssyncadd.s32 $0xFFFFFC00  }
0x5ec: {  	_ =	sfence.sel $0x180000  }
0x5ed: {  	[bflag:$0x0] =	sbarrier.arrive $0xFFFF  }
0x5ee: {  	_ =	strace $0x90000047  }
0x5ef: {  	s0 =	stileid.u32;
	[bflag:$0x2] =	sbarrier.arrive $0xFFFF  }
0x5f0: {  	p0 =	sne.s32 s0, $0x0;
	s0 =	rddreg [dreg:$0x2]  }
0x5f1: {  	s0 =	sadd.s32 @!p0 $0x100000, s0  }
0x5f2: {  	[sflag:s0] =	ssyncadd.tile.s32 @!p0 $0x1;
	_ =	shalt  }
.Lfunc_end2:
_tile_overlayer_lowered:
.L_overlay_start_2:
0x5f3: {  	(tag) =	ssettag $0x2  }
0x5f4: {  	s0 =	rddreg [dreg:$0x0];
	s2 =	stileid.u32  }
0x5f5: {  	s1 =	rddreg [dreg:$0x1];
	p0 =	sne.s32 s2, $0x0  }
0x5f6: {  	s3 =	rddreg [dreg:$0x2];
	[bflag:$0x3] =	sbarrier.arrive $0xFFFF;
	s2 =	simm.s32 @!p0 $0x1C05  }
0x5f7: {  	[timem:s3], [sflag:s2] =	dma.local @!p0 [hbm:s0], s1  }
0x5f8: {  	s0 =	simm.s32 @!p0 $0x5  }
0x5f9: {  	_ =	swait.ge @!p0 [sflag:s0], s1  }
0x5fa: {  	s1 =	ssub.s32 @!p0 $0x0, s1;
	[sflag:s0] =	ssyncset.done @!p0 $0x0  }
0x5fb: {  	[sflag:s0] =	ssyncadd.s32 @!p0 s1  }
0x5fc: {  	[bflag:$0x3] =	sbarrier.arrive $0xFFFF  }
0x5fd: {  	_ =	shalt  }

</sc_bundles>
